<compile_context>
chip_gen: v7x
topology: tpu7x:2x2x1
jax: 0.10.2.dev20260603
libtpu: 0.0.44.dev20260713+nightly
codegen_flags: <defaults>
</compile_context>

<pallas_src>
import functools

import jax
import jax.numpy as jnp
from jax import lax
from jax.experimental import pallas as pl
from jax.experimental.pallas import tpu as pltpu
from jax.experimental.pallas import tpu_sc as plsc

B = 16384
D_ITEM, D_USER, D_CAT, D_AGE = 20, 20, 17, 7
D_OUT = D_ITEM + D_USER + D_CAT + D_AGE + 1
V_ITEM, V_USER, V_CAT, V_AGE = 1000001, 1000001, 100001, 101
N_GATHER = D_ITEM + D_USER + D_CAT

_info = plsc.get_sparse_core_info()
NC, NS, L = _info.num_cores, _info.num_subcores, _info.num_lanes
NW = NC * NS
BPW = B // NW
NG = BPW // L

_mesh = plsc.VectorSubcoreMesh(core_axis_name="c", subcore_axis_name="s")

_scratch = (
    [pltpu.VMEM((BPW,), jnp.int32)] * 4
    + [pltpu.VMEM((V_AGE * D_AGE,), jnp.float32)]
    + [pltpu.VMEM((BPW,), jnp.float32)]
    + [pltpu.VMEM((BPW,), jnp.int32)] * N_GATHER
    + [pltpu.VMEM((BPW,), jnp.float32)] * N_GATHER
    + [pltpu.VMEM((D_OUT, BPW), jnp.float32)]
    + [pltpu.SemaphoreType.DMA]
)


@functools.partial(
    pl.kernel,
    mesh=_mesh,
    compiler_params=pltpu.CompilerParams(use_tc_tiling_on_sc=True,
                                         needs_layout_passes=False),
    out_type=jax.ShapeDtypeStruct((D_OUT, B), jnp.float32),
    scratch_types=_scratch,
)
def _emb_kernel(item_hbm, user_hbm, cat_hbm, age_hbm, price_hbm,
                F_item_hbm, F_user_hbm, F_cat_hbm, F_age_hbm, out_hbm,
                *scratch):
    idx_item, idx_user, idx_cat, idx_age, age_tab, price_v = scratch[:6]
    e_refs = scratch[6:6 + N_GATHER]
    c_refs = scratch[6 + N_GATHER:6 + 2 * N_GATHER]
    blockT = scratch[6 + 2 * N_GATHER]
    sem = scratch[7 + 2 * N_GATHER]

    wid = lax.axis_index("s") * NC + lax.axis_index("c")
    base = wid * BPW

    pltpu.sync_copy(item_hbm.at[pl.ds(base, BPW)], idx_item)
    pltpu.sync_copy(user_hbm.at[pl.ds(base, BPW)], idx_user)
    pltpu.sync_copy(cat_hbm.at[pl.ds(base, BPW)], idx_cat)
    pltpu.sync_copy(age_hbm.at[pl.ds(base, BPW)], idx_age)
    pltpu.sync_copy(F_age_hbm, age_tab)

    feats = ((idx_item, D_ITEM), (idx_user, D_USER), (idx_cat, D_CAT))

    def build_body(g, _):
        sl = pl.ds(g * L, L)
        col = 0
        for idx_ref, width in feats:
            v = idx_ref[sl] * width
            for j in range(width):
                e_refs[col][sl] = v + j
                col += 1
        return _

    lax.fori_loop(0, NG, build_body, 0)

    copies = []
    col = 0
    for F_hbm, (_, width) in ((F_item_hbm, feats[0]),
                              (F_user_hbm, feats[1]),
                              (F_cat_hbm, feats[2])):
        for _ in range(width):
            copies.append(pltpu.make_async_copy(
                F_hbm.at[e_refs[col]], c_refs[col], sem))
            col += 1
    for c in copies:
        c.start()

    pltpu.sync_copy(price_hbm.at[pl.ds(base, BPW)], price_v)

    def age_body(g, _):
        sl = pl.ds(g * L, L)
        a0 = idx_age[sl] * D_AGE
        for j in range(D_AGE):
            v = plsc.load_gather(age_tab, [a0 + j])
            blockT[N_GATHER + j, sl] = v
        blockT[D_OUT - 1, sl] = price_v[sl]
        return _

    lax.fori_loop(0, NG, age_body, 0)

    for c in copies:
        c.wait()

    def asm_body(g, _):
        sl = pl.ds(g * L, L)
        for c in range(N_GATHER):
            blockT[c, sl] = c_refs[c][sl]
        return _

    lax.fori_loop(0, NG, asm_body, 0)

    pltpu.sync_copy(blockT, out_hbm.at[:, pl.ds(base, BPW)])


def kernel(cat_item_id, cat_user_id, cat_category, disc_clip_age,
           norm_clip_price, W_item, W_user, W_cat, W_age):
    out_t = _emb_kernel(
        cat_item_id.astype(jnp.int32),
        cat_user_id.astype(jnp.int32),
        cat_category.astype(jnp.int32),
        disc_clip_age.astype(jnp.int32),
        norm_clip_price,
        W_item.reshape(-1),
        W_user.reshape(-1),
        W_cat.reshape(-1),
        W_age.reshape(-1),
    )
    return out_t.T

# --- scband reference (transcript-rebuilt; emitter-appended) ---
"""Pipeline reference for scband-embeddings-54511724920988 (READ-ONLY COPY).

The authoritative reference and input builder live on the scoring server;
editing this copy changes nothing except your own understanding.
"""

import jax, jax.numpy as jnp
import numpy as np

B = 16384
V_ITEM, D_ITEM = 1000000, 20   # int(np.log2(1000000)+1)*1 = 20
V_USER, D_USER = 1000000, 20
V_CAT,  D_CAT  = 100000, 17    # int(np.log2(100000)+1)*1 = 17
V_AGE,  D_AGE  = 100, 7        # int(np.log2(100)+1)*1 = 7


def setup_inputs(seed: int = 0) -> dict:
    key = jax.random.key(seed)
    ks = jax.random.split(key, 9)
    cat_item_id = jax.random.randint(ks[0], (B,), 0, V_ITEM + 1)
    cat_user_id = jax.random.randint(ks[1], (B,), 0, V_USER + 1)
    cat_category = jax.random.randint(ks[2], (B,), 0, V_CAT + 1)
    disc_clip_age = jax.random.randint(ks[3], (B,), 0, V_AGE + 1)
    norm_clip_price = jax.random.normal(ks[4], (B,), dtype=jnp.float32)
    # learned embedding tables, sized (vocab+1, emb_dim) per Keras Embedding(feature_dim+1, emb_dim)
    W_item = jax.random.normal(ks[5], (V_ITEM + 1, D_ITEM), dtype=jnp.float32) * 0.05
    W_user = jax.random.normal(ks[6], (V_USER + 1, D_USER), dtype=jnp.float32) * 0.05
    W_cat = jax.random.normal(ks[7], (V_CAT + 1, D_CAT), dtype=jnp.float32) * 0.05
    W_age = jax.random.normal(ks[8], (V_AGE + 1, D_AGE), dtype=jnp.float32) * 0.05
    return {
        "cat_item_id": cat_item_id,
        "cat_user_id": cat_user_id,
        "cat_category": cat_category,
        "disc_clip_age": disc_clip_age,
        "norm_clip_price": norm_clip_price,
        "W_item": W_item,
        "W_user": W_user,
        "W_cat": W_cat,
        "W_age": W_age,
    }


def reference(cat_item_id, cat_user_id, cat_category, disc_clip_age, norm_clip_price,
              W_item, W_user, W_cat, W_age):
    # call(): concat embedding lookups (in dict insertion order) then normalized numeric features
    e_item = jnp.take(W_item, cat_item_id, axis=0)
    e_user = jnp.take(W_user, cat_user_id, axis=0)
    e_cat = jnp.take(W_cat, cat_category, axis=0)
    e_age = jnp.take(W_age, disc_clip_age, axis=0)
    norm_feat = jnp.reshape(norm_clip_price, (-1, 1))
    return jnp.concatenate([e_item, e_user, e_cat, e_age, norm_feat], axis=1)

if __name__ == "__main__":
    import jax
    _d = setup_inputs()
    print(jax.jit(kernel)(*tuple(_d.values())))

</pallas_src>

<mosaic_0001>
#map = affine_map<(d0, d1) -> (0)>
#map1 = affine_map<(d0, d1) -> (0, 0)>
module attributes {stable_mosaic.version = 14 : i64} {
  func.func @_emb_kernel(%arg0: i32, %arg1: i32, %arg2: memref<16384xi32, #tpu.memory_space<hbm>>, %arg3: memref<16384xi32, #tpu.memory_space<hbm>>, %arg4: memref<16384xi32, #tpu.memory_space<hbm>>, %arg5: memref<16384xi32, #tpu.memory_space<hbm>>, %arg6: memref<16384xf32, #tpu.memory_space<hbm>>, %arg7: memref<20000020xf32, #tpu.memory_space<hbm>>, %arg8: memref<20000020xf32, #tpu.memory_space<hbm>>, %arg9: memref<1700017xf32, #tpu.memory_space<hbm>>, %arg10: memref<707xf32, #tpu.memory_space<hbm>>, %arg11: memref<65x16384xf32, #tpu.memory_space<hbm>>, %arg12: memref<512xi32, #tpu.memory_space<vmem>>, %arg13: memref<512xi32, #tpu.memory_space<vmem>>, %arg14: memref<512xi32, #tpu.memory_space<vmem>>, %arg15: memref<512xi32, #tpu.memory_space<vmem>>, %arg16: memref<707xf32, #tpu.memory_space<vmem>>, %arg17: memref<512xf32, #tpu.memory_space<vmem>>, %arg18: memref<512xi32, #tpu.memory_space<vmem>>, %arg19: memref<512xi32, #tpu.memory_space<vmem>>, %arg20: memref<512xi32, #tpu.memory_space<vmem>>, %arg21: memref<512xi32, #tpu.memory_space<vmem>>, %arg22: memref<512xi32, #tpu.memory_space<vmem>>, %arg23: memref<512xi32, #tpu.memory_space<vmem>>, %arg24: memref<512xi32, #tpu.memory_space<vmem>>, %arg25: memref<512xi32, #tpu.memory_space<vmem>>, %arg26: memref<512xi32, #tpu.memory_space<vmem>>, %arg27: memref<512xi32, #tpu.memory_space<vmem>>, %arg28: memref<512xi32, #tpu.memory_space<vmem>>, %arg29: memref<512xi32, #tpu.memory_space<vmem>>, %arg30: memref<512xi32, #tpu.memory_space<vmem>>, %arg31: memref<512xi32, #tpu.memory_space<vmem>>, %arg32: memref<512xi32, #tpu.memory_space<vmem>>, %arg33: memref<512xi32, #tpu.memory_space<vmem>>, %arg34: memref<512xi32, #tpu.memory_space<vmem>>, %arg35: memref<512xi32, #tpu.memory_space<vmem>>, %arg36: memref<512xi32, #tpu.memory_space<vmem>>, %arg37: memref<512xi32, #tpu.memory_space<vmem>>, %arg38: memref<512xi32, #tpu.memory_space<vmem>>, %arg39: memref<512xi32, #tpu.memory_space<vmem>>, %arg40: memref<512xi32, #tpu.memory_space<vmem>>, %arg41: memref<512xi32, #tpu.memory_space<vmem>>, %arg42: memref<512xi32, #tpu.memory_space<vmem>>, %arg43: memref<512xi32, #tpu.memory_space<vmem>>, %arg44: memref<512xi32, #tpu.memory_space<vmem>>, %arg45: memref<512xi32, #tpu.memory_space<vmem>>, %arg46: memref<512xi32, #tpu.memory_space<vmem>>, %arg47: memref<512xi32, #tpu.memory_space<vmem>>, %arg48: memref<512xi32, #tpu.memory_space<vmem>>, %arg49: memref<512xi32, #tpu.memory_space<vmem>>, %arg50: memref<512xi32, #tpu.memory_space<vmem>>, %arg51: memref<512xi32, #tpu.memory_space<vmem>>, %arg52: memref<512xi32, #tpu.memory_space<vmem>>, %arg53: memref<512xi32, #tpu.memory_space<vmem>>, %arg54: memref<512xi32, #tpu.memory_space<vmem>>, %arg55: memref<512xi32, #tpu.memory_space<vmem>>, %arg56: memref<512xi32, #tpu.memory_space<vmem>>, %arg57: memref<512xi32, #tpu.memory_space<vmem>>, %arg58: memref<512xi32, #tpu.memory_space<vmem>>, %arg59: memref<512xi32, #tpu.memory_space<vmem>>, %arg60: memref<512xi32, #tpu.memory_space<vmem>>, %arg61: memref<512xi32, #tpu.memory_space<vmem>>, %arg62: memref<512xi32, #tpu.memory_space<vmem>>, %arg63: memref<512xi32, #tpu.memory_space<vmem>>, %arg64: memref<512xi32, #tpu.memory_space<vmem>>, %arg65: memref<512xi32, #tpu.memory_space<vmem>>, %arg66: memref<512xi32, #tpu.memory_space<vmem>>, %arg67: memref<512xi32, #tpu.memory_space<vmem>>, %arg68: memref<512xi32, #tpu.memory_space<vmem>>, %arg69: memref<512xi32, #tpu.memory_space<vmem>>, %arg70: memref<512xi32, #tpu.memory_space<vmem>>, %arg71: memref<512xi32, #tpu.memory_space<vmem>>, %arg72: memref<512xi32, #tpu.memory_space<vmem>>, %arg73: memref<512xi32, #tpu.memory_space<vmem>>, %arg74: memref<512xi32, #tpu.memory_space<vmem>>, %arg75: memref<512xf32, #tpu.memory_space<vmem>>, %arg76: memref<512xf32, #tpu.memory_space<vmem>>, %arg77: memref<512xf32, #tpu.memory_space<vmem>>, %arg78: memref<512xf32, #tpu.memory_space<vmem>>, %arg79: memref<512xf32, #tpu.memory_space<vmem>>, %arg80: memref<512xf32, #tpu.memory_space<vmem>>, %arg81: memref<512xf32, #tpu.memory_space<vmem>>, %arg82: memref<512xf32, #tpu.memory_space<vmem>>, %arg83: memref<512xf32, #tpu.memory_space<vmem>>, %arg84: memref<512xf32, #tpu.memory_space<vmem>>, %arg85: memref<512xf32, #tpu.memory_space<vmem>>, %arg86: memref<512xf32, #tpu.memory_space<vmem>>, %arg87: memref<512xf32, #tpu.memory_space<vmem>>, %arg88: memref<512xf32, #tpu.memory_space<vmem>>, %arg89: memref<512xf32, #tpu.memory_space<vmem>>, %arg90: memref<512xf32, #tpu.memory_space<vmem>>, %arg91: memref<512xf32, #tpu.memory_space<vmem>>, %arg92: memref<512xf32, #tpu.memory_space<vmem>>, %arg93: memref<512xf32, #tpu.memory_space<vmem>>, %arg94: memref<512xf32, #tpu.memory_space<vmem>>, %arg95: memref<512xf32, #tpu.memory_space<vmem>>, %arg96: memref<512xf32, #tpu.memory_space<vmem>>, %arg97: memref<512xf32, #tpu.memory_space<vmem>>, %arg98: memref<512xf32, #tpu.memory_space<vmem>>, %arg99: memref<512xf32, #tpu.memory_space<vmem>>, %arg100: memref<512xf32, #tpu.memory_space<vmem>>, %arg101: memref<512xf32, #tpu.memory_space<vmem>>, %arg102: memref<512xf32, #tpu.memory_space<vmem>>, %arg103: memref<512xf32, #tpu.memory_space<vmem>>, %arg104: memref<512xf32, #tpu.memory_space<vmem>>, %arg105: memref<512xf32, #tpu.memory_space<vmem>>, %arg106: memref<512xf32, #tpu.memory_space<vmem>>, %arg107: memref<512xf32, #tpu.memory_space<vmem>>, %arg108: memref<512xf32, #tpu.memory_space<vmem>>, %arg109: memref<512xf32, #tpu.memory_space<vmem>>, %arg110: memref<512xf32, #tpu.memory_space<vmem>>, %arg111: memref<512xf32, #tpu.memory_space<vmem>>, %arg112: memref<512xf32, #tpu.memory_space<vmem>>, %arg113: memref<512xf32, #tpu.memory_space<vmem>>, %arg114: memref<512xf32, #tpu.memory_space<vmem>>, %arg115: memref<512xf32, #tpu.memory_space<vmem>>, %arg116: memref<512xf32, #tpu.memory_space<vmem>>, %arg117: memref<512xf32, #tpu.memory_space<vmem>>, %arg118: memref<512xf32, #tpu.memory_space<vmem>>, %arg119: memref<512xf32, #tpu.memory_space<vmem>>, %arg120: memref<512xf32, #tpu.memory_space<vmem>>, %arg121: memref<512xf32, #tpu.memory_space<vmem>>, %arg122: memref<512xf32, #tpu.memory_space<vmem>>, %arg123: memref<512xf32, #tpu.memory_space<vmem>>, %arg124: memref<512xf32, #tpu.memory_space<vmem>>, %arg125: memref<512xf32, #tpu.memory_space<vmem>>, %arg126: memref<512xf32, #tpu.memory_space<vmem>>, %arg127: memref<512xf32, #tpu.memory_space<vmem>>, %arg128: memref<512xf32, #tpu.memory_space<vmem>>, %arg129: memref<512xf32, #tpu.memory_space<vmem>>, %arg130: memref<512xf32, #tpu.memory_space<vmem>>, %arg131: memref<512xf32, #tpu.memory_space<vmem>>, %arg132: memref<65x512xf32, #tpu.memory_space<vmem>>, %arg133: memref<!tpu.dma_semaphore, #tpu.memory_space<semaphore_mem>>) attributes {dimension_semantics = [#tpu.dimension_semantics<core_parallel>, #tpu.dimension_semantics<subcore_parallel>], iteration_bounds = array<i64: 2, 16>, scalar_prefetch = 0 : i64, scratch_operands = 122 : i64, tpu.core_type = #tpu.core_type<sc_vector_subcore>, window_params = [{transform_indices = #map}, {transform_indices = #map}, {transform_indices = #map}, {transform_indices = #map}, {transform_indices = #map}, {transform_indices = #map}, {transform_indices = #map}, {transform_indices = #map}, {transform_indices = #map}, {transform_indices = #map1}]} {
    %mul3A = arith.constant 2 : i32
    %mul3A_0 = arith.muli %arg1, %mul3A : i32
    %add3A = arith.addi %mul3A_0, %arg0 : i32
    %mul3A_1 = arith.constant 512 : i32
    %mul3A_2 = arith.muli %add3A, %mul3A_1 : i32
    "tpu.region"() ({
      %run_scoped3A = tpu.sem_alloc : memref<!tpu.dma_semaphore, #tpu.memory_space<semaphore_mem>>
      %dma_start3A_246 = tpu.memref_slice %arg2[%mul3A_2] : memref<16384xi32, #tpu.memory_space<hbm>> -> memref<512xi32, #tpu.memory_space<hbm>>
      %dma_start3A_247 = tpu.memref_slice %arg2[%mul3A_2] : memref<16384xi32, #tpu.memory_space<hbm>> -> memref<512xi32, #tpu.memory_space<hbm>>
      tpu.enqueue_dma source(%dma_start3A_247 : memref<512xi32, #tpu.memory_space<hbm>>) target(%arg12 : memref<512xi32, #tpu.memory_space<vmem>>) target_semaphore(%run_scoped3A : memref<!tpu.dma_semaphore, #tpu.memory_space<semaphore_mem>>)
      %dma_wait3A_248 = tpu.memref_slice %arg2[%mul3A_2] : memref<16384xi32, #tpu.memory_space<hbm>> -> memref<512xi32, #tpu.memory_space<hbm>>
      %dma_wait3A_249 = tpu.memref_slice %arg2[%mul3A_2] : memref<16384xi32, #tpu.memory_space<hbm>> -> memref<512xi32, #tpu.memory_space<hbm>>
      tpu.wait_dma2 semaphore(%run_scoped3A : memref<!tpu.dma_semaphore, #tpu.memory_space<semaphore_mem>>) src(%dma_wait3A_249 : memref<512xi32, #tpu.memory_space<hbm>>) dst(%arg12 : memref<512xi32, #tpu.memory_space<vmem>>)
      tpu.yield
    }) : () -> ()
    "tpu.region"() ({
      %run_scoped3A = tpu.sem_alloc : memref<!tpu.dma_semaphore, #tpu.memory_space<semaphore_mem>>
      %dma_start3A_246 = tpu.memref_slice %arg3[%mul3A_2] : memref<16384xi32, #tpu.memory_space<hbm>> -> memref<512xi32, #tpu.memory_space<hbm>>
      %dma_start3A_247 = tpu.memref_slice %arg3[%mul3A_2] : memref<16384xi32, #tpu.memory_space<hbm>> -> memref<512xi32, #tpu.memory_space<hbm>>
      tpu.enqueue_dma source(%dma_start3A_247 : memref<512xi32, #tpu.memory_space<hbm>>) target(%arg13 : memref<512xi32, #tpu.memory_space<vmem>>) target_semaphore(%run_scoped3A : memref<!tpu.dma_semaphore, #tpu.memory_space<semaphore_mem>>)
      %dma_wait3A_248 = tpu.memref_slice %arg3[%mul3A_2] : memref<16384xi32, #tpu.memory_space<hbm>> -> memref<512xi32, #tpu.memory_space<hbm>>
      %dma_wait3A_249 = tpu.memref_slice %arg3[%mul3A_2] : memref<16384xi32, #tpu.memory_space<hbm>> -> memref<512xi32, #tpu.memory_space<hbm>>
      tpu.wait_dma2 semaphore(%run_scoped3A : memref<!tpu.dma_semaphore, #tpu.memory_space<semaphore_mem>>) src(%dma_wait3A_249 : memref<512xi32, #tpu.memory_space<hbm>>) dst(%arg13 : memref<512xi32, #tpu.memory_space<vmem>>)
      tpu.yield
    }) : () -> ()
    "tpu.region"() ({
      %run_scoped3A = tpu.sem_alloc : memref<!tpu.dma_semaphore, #tpu.memory_space<semaphore_mem>>
      %dma_start3A_246 = tpu.memref_slice %arg4[%mul3A_2] : memref<16384xi32, #tpu.memory_space<hbm>> -> memref<512xi32, #tpu.memory_space<hbm>>
      %dma_start3A_247 = tpu.memref_slice %arg4[%mul3A_2] : memref<16384xi32, #tpu.memory_space<hbm>> -> memref<512xi32, #tpu.memory_space<hbm>>
      tpu.enqueue_dma source(%dma_start3A_247 : memref<512xi32, #tpu.memory_space<hbm>>) target(%arg14 : memref<512xi32, #tpu.memory_space<vmem>>) target_semaphore(%run_scoped3A : memref<!tpu.dma_semaphore, #tpu.memory_space<semaphore_mem>>)
      %dma_wait3A_248 = tpu.memref_slice %arg4[%mul3A_2] : memref<16384xi32, #tpu.memory_space<hbm>> -> memref<512xi32, #tpu.memory_space<hbm>>
      %dma_wait3A_249 = tpu.memref_slice %arg4[%mul3A_2] : memref<16384xi32, #tpu.memory_space<hbm>> -> memref<512xi32, #tpu.memory_space<hbm>>
      tpu.wait_dma2 semaphore(%run_scoped3A : memref<!tpu.dma_semaphore, #tpu.memory_space<semaphore_mem>>) src(%dma_wait3A_249 : memref<512xi32, #tpu.memory_space<hbm>>) dst(%arg14 : memref<512xi32, #tpu.memory_space<vmem>>)
      tpu.yield
    }) : () -> ()
    "tpu.region"() ({
      %run_scoped3A = tpu.sem_alloc : memref<!tpu.dma_semaphore, #tpu.memory_space<semaphore_mem>>
      %dma_start3A_246 = tpu.memref_slice %arg5[%mul3A_2] : memref<16384xi32, #tpu.memory_space<hbm>> -> memref<512xi32, #tpu.memory_space<hbm>>
      %dma_start3A_247 = tpu.memref_slice %arg5[%mul3A_2] : memref<16384xi32, #tpu.memory_space<hbm>> -> memref<512xi32, #tpu.memory_space<hbm>>
      tpu.enqueue_dma source(%dma_start3A_247 : memref<512xi32, #tpu.memory_space<hbm>>) target(%arg15 : memref<512xi32, #tpu.memory_space<vmem>>) target_semaphore(%run_scoped3A : memref<!tpu.dma_semaphore, #tpu.memory_space<semaphore_mem>>)
      %dma_wait3A_248 = tpu.memref_slice %arg5[%mul3A_2] : memref<16384xi32, #tpu.memory_space<hbm>> -> memref<512xi32, #tpu.memory_space<hbm>>
      %dma_wait3A_249 = tpu.memref_slice %arg5[%mul3A_2] : memref<16384xi32, #tpu.memory_space<hbm>> -> memref<512xi32, #tpu.memory_space<hbm>>
      tpu.wait_dma2 semaphore(%run_scoped3A : memref<!tpu.dma_semaphore, #tpu.memory_space<semaphore_mem>>) src(%dma_wait3A_249 : memref<512xi32, #tpu.memory_space<hbm>>) dst(%arg15 : memref<512xi32, #tpu.memory_space<vmem>>)
      tpu.yield
    }) : () -> ()
    "tpu.region"() ({
      %run_scoped3A = tpu.sem_alloc : memref<!tpu.dma_semaphore, #tpu.memory_space<semaphore_mem>>
      tpu.enqueue_dma source(%arg10 : memref<707xf32, #tpu.memory_space<hbm>>) target(%arg16 : memref<707xf32, #tpu.memory_space<vmem>>) target_semaphore(%run_scoped3A : memref<!tpu.dma_semaphore, #tpu.memory_space<semaphore_mem>>)
      tpu.wait_dma2 semaphore(%run_scoped3A : memref<!tpu.dma_semaphore, #tpu.memory_space<semaphore_mem>>) src(%arg10 : memref<707xf32, #tpu.memory_space<hbm>>) dst(%arg16 : memref<707xf32, #tpu.memory_space<vmem>>)
      tpu.yield
    }) : () -> ()
    %scan3A = arith.constant 0 : i32
    %scan3A_3 = arith.constant 0 : i32
    %scan3A_4 = arith.constant 32 : i32
    %scan3A_5 = arith.addi %scan3A_3, %scan3A_4 : i32
    %scan3A_6 = arith.constant 1 : i32
    scf.for %scan3A_246 = %scan3A_3 to %scan3A_5 step %scan3A_6  : i32 {
      %mul3A_247 = arith.constant 16 : i32
      %mul3A_248 = arith.muli %scan3A_246, %mul3A_247 : i32
      %get3A = arith.index_cast %mul3A_248 : i32 to index
      %get3A_249 = tpu.vector_load %arg12[%get3A] {strides = array<i32>} : memref<512xi32, #tpu.memory_space<vmem>>, vector<16xi32>,
      %mul3A_250 = arith.constant 20 : i32
      %mul3A_251 = vector.broadcast %mul3A_250 : i32 to vector<16xi32>
      %mul3A_252 = arith.muli %get3A_249, %mul3A_251 : vector<16xi32>
      %add3A_253 = arith.constant 0 : i32
      %add3A_254 = vector.broadcast %add3A_253 : i32 to vector<16xi32>
      %add3A_255 = arith.addi %mul3A_252, %add3A_254 : vector<16xi32>
      %swap3A = arith.index_cast %mul3A_248 : i32 to index
      %swap3A_256 = tpu.vector_load %arg18[%swap3A] {strides = array<i32>} : memref<512xi32, #tpu.memory_space<vmem>>, vector<16xi32>,
      tpu.vector_store %arg18[%swap3A], %add3A_255 {strides = array<i32>} : memref<512xi32, #tpu.memory_space<vmem>>, vector<16xi32>,
      %add3A_257 = arith.constant 1 : i32
      %add3A_258 = vector.broadcast %add3A_257 : i32 to vector<16xi32>
      %add3A_259 = arith.addi %mul3A_252, %add3A_258 : vector<16xi32>
      %swap3A_260 = arith.index_cast %mul3A_248 : i32 to index
      %swap3A_261 = tpu.vector_load %arg19[%swap3A_260] {strides = array<i32>} : memref<512xi32, #tpu.memory_space<vmem>>, vector<16xi32>,
      tpu.vector_store %arg19[%swap3A_260], %add3A_259 {strides = array<i32>} : memref<512xi32, #tpu.memory_space<vmem>>, vector<16xi32>,
      %add3A_262 = arith.constant 2 : i32
      %add3A_263 = vector.broadcast %add3A_262 : i32 to vector<16xi32>
      %add3A_264 = arith.addi %mul3A_252, %add3A_263 : vector<16xi32>
      %swap3A_265 = arith.index_cast %mul3A_248 : i32 to index
      %swap3A_266 = tpu.vector_load %arg20[%swap3A_265] {strides = array<i32>} : memref<512xi32, #tpu.memory_space<vmem>>, vector<16xi32>,
      tpu.vector_store %arg20[%swap3A_265], %add3A_264 {strides = array<i32>} : memref<512xi32, #tpu.memory_space<vmem>>, vector<16xi32>,
      %add3A_267 = arith.constant 3 : i32
      %add3A_268 = vector.broadcast %add3A_267 : i32 to vector<16xi32>
      %add3A_269 = arith.addi %mul3A_252, %add3A_268 : vector<16xi32>
      %swap3A_270 = arith.index_cast %mul3A_248 : i32 to index
      %swap3A_271 = tpu.vector_load %arg21[%swap3A_270] {strides = array<i32>} : memref<512xi32, #tpu.memory_space<vmem>>, vector<16xi32>,
      tpu.vector_store %arg21[%swap3A_270], %add3A_269 {strides = array<i32>} : memref<512xi32, #tpu.memory_space<vmem>>, vector<16xi32>,
      %add3A_272 = arith.constant 4 : i32
      %add3A_273 = vector.broadcast %add3A_272 : i32 to vector<16xi32>
      %add3A_274 = arith.addi %mul3A_252, %add3A_273 : vector<16xi32>
      %swap3A_275 = arith.index_cast %mul3A_248 : i32 to index
      %swap3A_276 = tpu.vector_load %arg22[%swap3A_275] {strides = array<i32>} : memref<512xi32, #tpu.memory_space<vmem>>, vector<16xi32>,
      tpu.vector_store %arg22[%swap3A_275], %add3A_274 {strides = array<i32>} : memref<512xi32, #tpu.memory_space<vmem>>, vector<16xi32>,
      %add3A_277 = arith.constant 5 : i32
      %add3A_278 = vector.broadcast %add3A_277 : i32 to vector<16xi32>
      %add3A_279 = arith.addi %mul3A_252, %add3A_278 : vector<16xi32>
      %swap3A_280 = arith.index_cast %mul3A_248 : i32 to index
      %swap3A_281 = tpu.vector_load %arg23[%swap3A_280] {strides = array<i32>} : memref<512xi32, #tpu.memory_space<vmem>>, vector<16xi32>,
      tpu.vector_store %arg23[%swap3A_280], %add3A_279 {strides = array<i32>} : memref<512xi32, #tpu.memory_space<vmem>>, vector<16xi32>,
      %add3A_282 = arith.constant 6 : i32
      %add3A_283 = vector.broadcast %add3A_282 : i32 to vector<16xi32>
      %add3A_284 = arith.addi %mul3A_252, %add3A_283 : vector<16xi32>
      %swap3A_285 = arith.index_cast %mul3A_248 : i32 to index
      %swap3A_286 = tpu.vector_load %arg24[%swap3A_285] {strides = array<i32>} : memref<512xi32, #tpu.memory_space<vmem>>, vector<16xi32>,
      tpu.vector_store %arg24[%swap3A_285], %add3A_284 {strides = array<i32>} : memref<512xi32, #tpu.memory_space<vmem>>, vector<16xi32>,
      %add3A_287 = arith.constant 7 : i32
      %add3A_288 = vector.broadcast %add3A_287 : i32 to vector<16xi32>
      %add3A_289 = arith.addi %mul3A_252, %add3A_288 : vector<16xi32>
      %swap3A_290 = arith.index_cast %mul3A_248 : i32 to index
      %swap3A_291 = tpu.vector_load %arg25[%swap3A_290] {strides = array<i32>} : memref<512xi32, #tpu.memory_space<vmem>>, vector<16xi32>,
      tpu.vector_store %arg25[%swap3A_290], %add3A_289 {strides = array<i32>} : memref<512xi32, #tpu.memory_space<vmem>>, vector<16xi32>,
      %add3A_292 = arith.constant 8 : i32
      %add3A_293 = vector.broadcast %add3A_292 : i32 to vector<16xi32>
      %add3A_294 = arith.addi %mul3A_252, %add3A_293 : vector<16xi32>
      %swap3A_295 = arith.index_cast %mul3A_248 : i32 to index
      %swap3A_296 = tpu.vector_load %arg26[%swap3A_295] {strides = array<i32>} : memref<512xi32, #tpu.memory_space<vmem>>, vector<16xi32>,
      tpu.vector_store %arg26[%swap3A_295], %add3A_294 {strides = array<i32>} : memref<512xi32, #tpu.memory_space<vmem>>, vector<16xi32>,
      %add3A_297 = arith.constant 9 : i32
      %add3A_298 = vector.broadcast %add3A_297 : i32 to vector<16xi32>
      %add3A_299 = arith.addi %mul3A_252, %add3A_298 : vector<16xi32>
      %swap3A_300 = arith.index_cast %mul3A_248 : i32 to index
      %swap3A_301 = tpu.vector_load %arg27[%swap3A_300] {strides = array<i32>} : memref<512xi32, #tpu.memory_space<vmem>>, vector<16xi32>,
      tpu.vector_store %arg27[%swap3A_300], %add3A_299 {strides = array<i32>} : memref<512xi32, #tpu.memory_space<vmem>>, vector<16xi32>,
      %add3A_302 = arith.constant 10 : i32
      %add3A_303 = vector.broadcast %add3A_302 : i32 to vector<16xi32>
      %add3A_304 = arith.addi %mul3A_252, %add3A_303 : vector<16xi32>
      %swap3A_305 = arith.index_cast %mul3A_248 : i32 to index
      %swap3A_306 = tpu.vector_load %arg28[%swap3A_305] {strides = array<i32>} : memref<512xi32, #tpu.memory_space<vmem>>, vector<16xi32>,
      tpu.vector_store %arg28[%swap3A_305], %add3A_304 {strides = array<i32>} : memref<512xi32, #tpu.memory_space<vmem>>, vector<16xi32>,
      %add3A_307 = arith.constant 11 : i32
      %add3A_308 = vector.broadcast %add3A_307 : i32 to vector<16xi32>
      %add3A_309 = arith.addi %mul3A_252, %add3A_308 : vector<16xi32>
      %swap3A_310 = arith.index_cast %mul3A_248 : i32 to index
      %swap3A_311 = tpu.vector_load %arg29[%swap3A_310] {strides = array<i32>} : memref<512xi32, #tpu.memory_space<vmem>>, vector<16xi32>,
      tpu.vector_store %arg29[%swap3A_310], %add3A_309 {strides = array<i32>} : memref<512xi32, #tpu.memory_space<vmem>>, vector<16xi32>,
      %add3A_312 = arith.constant 12 : i32
      %add3A_313 = vector.broadcast %add3A_312 : i32 to vector<16xi32>
      %add3A_314 = arith.addi %mul3A_252, %add3A_313 : vector<16xi32>
      %swap3A_315 = arith.index_cast %mul3A_248 : i32 to index
      %swap3A_316 = tpu.vector_load %arg30[%swap3A_315] {strides = array<i32>} : memref<512xi32, #tpu.memory_space<vmem>>, vector<16xi32>,
      tpu.vector_store %arg30[%swap3A_315], %add3A_314 {strides = array<i32>} : memref<512xi32, #tpu.memory_space<vmem>>, vector<16xi32>,
      %add3A_317 = arith.constant 13 : i32
      %add3A_318 = vector.broadcast %add3A_317 : i32 to vector<16xi32>
      %add3A_319 = arith.addi %mul3A_252, %add3A_318 : vector<16xi32>
      %swap3A_320 = arith.index_cast %mul3A_248 : i32 to index
      %swap3A_321 = tpu.vector_load %arg31[%swap3A_320] {strides = array<i32>} : memref<512xi32, #tpu.memory_space<vmem>>, vector<16xi32>,
      tpu.vector_store %arg31[%swap3A_320], %add3A_319 {strides = array<i32>} : memref<512xi32, #tpu.memory_space<vmem>>, vector<16xi32>,
      %add3A_322 = arith.constant 14 : i32
      %add3A_323 = vector.broadcast %add3A_322 : i32 to vector<16xi32>
      %add3A_324 = arith.addi %mul3A_252, %add3A_323 : vector<16xi32>
      %swap3A_325 = arith.index_cast %mul3A_248 : i32 to index
      %swap3A_326 = tpu.vector_load %arg32[%swap3A_325] {strides = array<i32>} : memref<512xi32, #tpu.memory_space<vmem>>, vector<16xi32>,
      tpu.vector_store %arg32[%swap3A_325], %add3A_324 {strides = array<i32>} : memref<512xi32, #tpu.memory_space<vmem>>, vector<16xi32>,
      %add3A_327 = arith.constant 15 : i32
      %add3A_328 = vector.broadcast %add3A_327 : i32 to vector<16xi32>
      %add3A_329 = arith.addi %mul3A_252, %add3A_328 : vector<16xi32>
      %swap3A_330 = arith.index_cast %mul3A_248 : i32 to index
      %swap3A_331 = tpu.vector_load %arg33[%swap3A_330] {strides = array<i32>} : memref<512xi32, #tpu.memory_space<vmem>>, vector<16xi32>,
      tpu.vector_store %arg33[%swap3A_330], %add3A_329 {strides = array<i32>} : memref<512xi32, #tpu.memory_space<vmem>>, vector<16xi32>,
      %add3A_332 = arith.constant 16 : i32
      %add3A_333 = vector.broadcast %add3A_332 : i32 to vector<16xi32>
      %add3A_334 = arith.addi %mul3A_252, %add3A_333 : vector<16xi32>
      %swap3A_335 = arith.index_cast %mul3A_248 : i32 to index
      %swap3A_336 = tpu.vector_load %arg34[%swap3A_335] {strides = array<i32>} : memref<512xi32, #tpu.memory_space<vmem>>, vector<16xi32>,
      tpu.vector_store %arg34[%swap3A_335], %add3A_334 {strides = array<i32>} : memref<512xi32, #tpu.memory_space<vmem>>, vector<16xi32>,
      %add3A_337 = arith.constant 17 : i32
      %add3A_338 = vector.broadcast %add3A_337 : i32 to vector<16xi32>
      %add3A_339 = arith.addi %mul3A_252, %add3A_338 : vector<16xi32>
      %swap3A_340 = arith.index_cast %mul3A_248 : i32 to index
      %swap3A_341 = tpu.vector_load %arg35[%swap3A_340] {strides = array<i32>} : memref<512xi32, #tpu.memory_space<vmem>>, vector<16xi32>,
      tpu.vector_store %arg35[%swap3A_340], %add3A_339 {strides = array<i32>} : memref<512xi32, #tpu.memory_space<vmem>>, vector<16xi32>,
      %add3A_342 = arith.constant 18 : i32
      %add3A_343 = vector.broadcast %add3A_342 : i32 to vector<16xi32>
      %add3A_344 = arith.addi %mul3A_252, %add3A_343 : vector<16xi32>
      %swap3A_345 = arith.index_cast %mul3A_248 : i32 to index
      %swap3A_346 = tpu.vector_load %arg36[%swap3A_345] {strides = array<i32>} : memref<512xi32, #tpu.memory_space<vmem>>, vector<16xi32>,
      tpu.vector_store %arg36[%swap3A_345], %add3A_344 {strides = array<i32>} : memref<512xi32, #tpu.memory_space<vmem>>, vector<16xi32>,
      %add3A_347 = arith.constant 19 : i32
      %add3A_348 = vector.broadcast %add3A_347 : i32 to vector<16xi32>
      %add3A_349 = arith.addi %mul3A_252, %add3A_348 : vector<16xi32>
      %swap3A_350 = arith.index_cast %mul3A_248 : i32 to index
      %swap3A_351 = tpu.vector_load %arg37[%swap3A_350] {strides = array<i32>} : memref<512xi32, #tpu.memory_space<vmem>>, vector<16xi32>,
      tpu.vector_store %arg37[%swap3A_350], %add3A_349 {strides = array<i32>} : memref<512xi32, #tpu.memory_space<vmem>>, vector<16xi32>,
      %get3A_352 = arith.index_cast %mul3A_248 : i32 to index
      %get3A_353 = tpu.vector_load %arg13[%get3A_352] {strides = array<i32>} : memref<512xi32, #tpu.memory_space<vmem>>, vector<16xi32>,
      %mul3A_354 = arith.constant 20 : i32
      %mul3A_355 = vector.broadcast %mul3A_354 : i32 to vector<16xi32>
      %mul3A_356 = arith.muli %get3A_353, %mul3A_355 : vector<16xi32>
      %add3A_357 = arith.constant 0 : i32
      %add3A_358 = vector.broadcast %add3A_357 : i32 to vector<16xi32>
      %add3A_359 = arith.addi %mul3A_356, %add3A_358 : vector<16xi32>
      %swap3A_360 = arith.index_cast %mul3A_248 : i32 to index
      %swap3A_361 = tpu.vector_load %arg38[%swap3A_360] {strides = array<i32>} : memref<512xi32, #tpu.memory_space<vmem>>, vector<16xi32>,
      tpu.vector_store %arg38[%swap3A_360], %add3A_359 {strides = array<i32>} : memref<512xi32, #tpu.memory_space<vmem>>, vector<16xi32>,
      %add3A_362 = arith.constant 1 : i32
      %add3A_363 = vector.broadcast %add3A_362 : i32 to vector<16xi32>
      %add3A_364 = arith.addi %mul3A_356, %add3A_363 : vector<16xi32>
      %swap3A_365 = arith.index_cast %mul3A_248 : i32 to index
      %swap3A_366 = tpu.vector_load %arg39[%swap3A_365] {strides = array<i32>} : memref<512xi32, #tpu.memory_space<vmem>>, vector<16xi32>,
      tpu.vector_store %arg39[%swap3A_365], %add3A_364 {strides = array<i32>} : memref<512xi32, #tpu.memory_space<vmem>>, vector<16xi32>,
      %add3A_367 = arith.constant 2 : i32
      %add3A_368 = vector.broadcast %add3A_367 : i32 to vector<16xi32>
      %add3A_369 = arith.addi %mul3A_356, %add3A_368 : vector<16xi32>
      %swap3A_370 = arith.index_cast %mul3A_248 : i32 to index
      %swap3A_371 = tpu.vector_load %arg40[%swap3A_370] {strides = array<i32>} : memref<512xi32, #tpu.memory_space<vmem>>, vector<16xi32>,
      tpu.vector_store %arg40[%swap3A_370], %add3A_369 {strides = array<i32>} : memref<512xi32, #tpu.memory_space<vmem>>, vector<16xi32>,
      %add3A_372 = arith.constant 3 : i32
      %add3A_373 = vector.broadcast %add3A_372 : i32 to vector<16xi32>
      %add3A_374 = arith.addi %mul3A_356, %add3A_373 : vector<16xi32>
      %swap3A_375 = arith.index_cast %mul3A_248 : i32 to index
      %swap3A_376 = tpu.vector_load %arg41[%swap3A_375] {strides = array<i32>} : memref<512xi32, #tpu.memory_space<vmem>>, vector<16xi32>,
      tpu.vector_store %arg41[%swap3A_375], %add3A_374 {strides = array<i32>} : memref<512xi32, #tpu.memory_space<vmem>>, vector<16xi32>,
      %add3A_377 = arith.constant 4 : i32
      %add3A_378 = vector.broadcast %add3A_377 : i32 to vector<16xi32>
      %add3A_379 = arith.addi %mul3A_356, %add3A_378 : vector<16xi32>
      %swap3A_380 = arith.index_cast %mul3A_248 : i32 to index
      %swap3A_381 = tpu.vector_load %arg42[%swap3A_380] {strides = array<i32>} : memref<512xi32, #tpu.memory_space<vmem>>, vector<16xi32>,
      tpu.vector_store %arg42[%swap3A_380], %add3A_379 {strides = array<i32>} : memref<512xi32, #tpu.memory_space<vmem>>, vector<16xi32>,
      %add3A_382 = arith.constant 5 : i32
      %add3A_383 = vector.broadcast %add3A_382 : i32 to vector<16xi32>
      %add3A_384 = arith.addi %mul3A_356, %add3A_383 : vector<16xi32>
      %swap3A_385 = arith.index_cast %mul3A_248 : i32 to index
      %swap3A_386 = tpu.vector_load %arg43[%swap3A_385] {strides = array<i32>} : memref<512xi32, #tpu.memory_space<vmem>>, vector<16xi32>,
      tpu.vector_store %arg43[%swap3A_385], %add3A_384 {strides = array<i32>} : memref<512xi32, #tpu.memory_space<vmem>>, vector<16xi32>,
      %add3A_387 = arith.constant 6 : i32
      %add3A_388 = vector.broadcast %add3A_387 : i32 to vector<16xi32>
      %add3A_389 = arith.addi %mul3A_356, %add3A_388 : vector<16xi32>
      %swap3A_390 = arith.index_cast %mul3A_248 : i32 to index
      %swap3A_391 = tpu.vector_load %arg44[%swap3A_390] {strides = array<i32>} : memref<512xi32, #tpu.memory_space<vmem>>, vector<16xi32>,
      tpu.vector_store %arg44[%swap3A_390], %add3A_389 {strides = array<i32>} : memref<512xi32, #tpu.memory_space<vmem>>, vector<16xi32>,
      %add3A_392 = arith.constant 7 : i32
      %add3A_393 = vector.broadcast %add3A_392 : i32 to vector<16xi32>
      %add3A_394 = arith.addi %mul3A_356, %add3A_393 : vector<16xi32>
      %swap3A_395 = arith.index_cast %mul3A_248 : i32 to index
      %swap3A_396 = tpu.vector_load %arg45[%swap3A_395] {strides = array<i32>} : memref<512xi32, #tpu.memory_space<vmem>>, vector<16xi32>,
      tpu.vector_store %arg45[%swap3A_395], %add3A_394 {strides = array<i32>} : memref<512xi32, #tpu.memory_space<vmem>>, vector<16xi32>,
      %add3A_397 = arith.constant 8 : i32
      %add3A_398 = vector.broadcast %add3A_397 : i32 to vector<16xi32>
      %add3A_399 = arith.addi %mul3A_356, %add3A_398 : vector<16xi32>
      %swap3A_400 = arith.index_cast %mul3A_248 : i32 to index
      %swap3A_401 = tpu.vector_load %arg46[%swap3A_400] {strides = array<i32>} : memref<512xi32, #tpu.memory_space<vmem>>, vector<16xi32>,
      tpu.vector_store %arg46[%swap3A_400], %add3A_399 {strides = array<i32>} : memref<512xi32, #tpu.memory_space<vmem>>, vector<16xi32>,
      %add3A_402 = arith.constant 9 : i32
      %add3A_403 = vector.broadcast %add3A_402 : i32 to vector<16xi32>
      %add3A_404 = arith.addi %mul3A_356, %add3A_403 : vector<16xi32>
      %swap3A_405 = arith.index_cast %mul3A_248 : i32 to index
      %swap3A_406 = tpu.vector_load %arg47[%swap3A_405] {strides = array<i32>} : memref<512xi32, #tpu.memory_space<vmem>>, vector<16xi32>,
      tpu.vector_store %arg47[%swap3A_405], %add3A_404 {strides = array<i32>} : memref<512xi32, #tpu.memory_space<vmem>>, vector<16xi32>,
      %add3A_407 = arith.constant 10 : i32
      %add3A_408 = vector.broadcast %add3A_407 : i32 to vector<16xi32>
      %add3A_409 = arith.addi %mul3A_356, %add3A_408 : vector<16xi32>
      %swap3A_410 = arith.index_cast %mul3A_248 : i32 to index
      %swap3A_411 = tpu.vector_load %arg48[%swap3A_410] {strides = array<i32>} : memref<512xi32, #tpu.memory_space<vmem>>, vector<16xi32>,
      tpu.vector_store %arg48[%swap3A_410], %add3A_409 {strides = array<i32>} : memref<512xi32, #tpu.memory_space<vmem>>, vector<16xi32>,
      %add3A_412 = arith.constant 11 : i32
      %add3A_413 = vector.broadcast %add3A_412 : i32 to vector<16xi32>
      %add3A_414 = arith.addi %mul3A_356, %add3A_413 : vector<16xi32>
      %swap3A_415 = arith.index_cast %mul3A_248 : i32 to index
      %swap3A_416 = tpu.vector_load %arg49[%swap3A_415] {strides = array<i32>} : memref<512xi32, #tpu.memory_space<vmem>>, vector<16xi32>,
      tpu.vector_store %arg49[%swap3A_415], %add3A_414 {strides = array<i32>} : memref<512xi32, #tpu.memory_space<vmem>>, vector<16xi32>,
      %add3A_417 = arith.constant 12 : i32
      %add3A_418 = vector.broadcast %add3A_417 : i32 to vector<16xi32>
      %add3A_419 = arith.addi %mul3A_356, %add3A_418 : vector<16xi32>
      %swap3A_420 = arith.index_cast %mul3A_248 : i32 to index
      %swap3A_421 = tpu.vector_load %arg50[%swap3A_420] {strides = array<i32>} : memref<512xi32, #tpu.memory_space<vmem>>, vector<16xi32>,
      tpu.vector_store %arg50[%swap3A_420], %add3A_419 {strides = array<i32>} : memref<512xi32, #tpu.memory_space<vmem>>, vector<16xi32>,
      %add3A_422 = arith.constant 13 : i32
      %add3A_423 = vector.broadcast %add3A_422 : i32 to vector<16xi32>
      %add3A_424 = arith.addi %mul3A_356, %add3A_423 : vector<16xi32>
      %swap3A_425 = arith.index_cast %mul3A_248 : i32 to index
      %swap3A_426 = tpu.vector_load %arg51[%swap3A_425] {strides = array<i32>} : memref<512xi32, #tpu.memory_space<vmem>>, vector<16xi32>,
      tpu.vector_store %arg51[%swap3A_425], %add3A_424 {strides = array<i32>} : memref<512xi32, #tpu.memory_space<vmem>>, vector<16xi32>,
      %add3A_427 = arith.constant 14 : i32
      %add3A_428 = vector.broadcast %add3A_427 : i32 to vector<16xi32>
      %add3A_429 = arith.addi %mul3A_356, %add3A_428 : vector<16xi32>
      %swap3A_430 = arith.index_cast %mul3A_248 : i32 to index
      %swap3A_431 = tpu.vector_load %arg52[%swap3A_430] {strides = array<i32>} : memref<512xi32, #tpu.memory_space<vmem>>, vector<16xi32>,
      tpu.vector_store %arg52[%swap3A_430], %add3A_429 {strides = array<i32>} : memref<512xi32, #tpu.memory_space<vmem>>, vector<16xi32>,
      %add3A_432 = arith.constant 15 : i32
      %add3A_433 = vector.broadcast %add3A_432 : i32 to vector<16xi32>
      %add3A_434 = arith.addi %mul3A_356, %add3A_433 : vector<16xi32>
      %swap3A_435 = arith.index_cast %mul3A_248 : i32 to index
      %swap3A_436 = tpu.vector_load %arg53[%swap3A_435] {strides = array<i32>} : memref<512xi32, #tpu.memory_space<vmem>>, vector<16xi32>,
      tpu.vector_store %arg53[%swap3A_435], %add3A_434 {strides = array<i32>} : memref<512xi32, #tpu.memory_space<vmem>>, vector<16xi32>,
      %add3A_437 = arith.constant 16 : i32
      %add3A_438 = vector.broadcast %add3A_437 : i32 to vector<16xi32>
      %add3A_439 = arith.addi %mul3A_356, %add3A_438 : vector<16xi32>
      %swap3A_440 = arith.index_cast %mul3A_248 : i32 to index
      %swap3A_441 = tpu.vector_load %arg54[%swap3A_440] {strides = array<i32>} : memref<512xi32, #tpu.memory_space<vmem>>, vector<16xi32>,
      tpu.vector_store %arg54[%swap3A_440], %add3A_439 {strides = array<i32>} : memref<512xi32, #tpu.memory_space<vmem>>, vector<16xi32>,
      %add3A_442 = arith.constant 17 : i32
      %add3A_443 = vector.broadcast %add3A_442 : i32 to vector<16xi32>
      %add3A_444 = arith.addi %mul3A_356, %add3A_443 : vector<16xi32>
      %swap3A_445 = arith.index_cast %mul3A_248 : i32 to index
      %swap3A_446 = tpu.vector_load %arg55[%swap3A_445] {strides = array<i32>} : memref<512xi32, #tpu.memory_space<vmem>>, vector<16xi32>,
      tpu.vector_store %arg55[%swap3A_445], %add3A_444 {strides = array<i32>} : memref<512xi32, #tpu.memory_space<vmem>>, vector<16xi32>,
      %add3A_447 = arith.constant 18 : i32
      %add3A_448 = vector.broadcast %add3A_447 : i32 to vector<16xi32>
      %add3A_449 = arith.addi %mul3A_356, %add3A_448 : vector<16xi32>
      %swap3A_450 = arith.index_cast %mul3A_248 : i32 to index
      %swap3A_451 = tpu.vector_load %arg56[%swap3A_450] {strides = array<i32>} : memref<512xi32, #tpu.memory_space<vmem>>, vector<16xi32>,
      tpu.vector_store %arg56[%swap3A_450], %add3A_449 {strides = array<i32>} : memref<512xi32, #tpu.memory_space<vmem>>, vector<16xi32>,
      %add3A_452 = arith.constant 19 : i32
      %add3A_453 = vector.broadcast %add3A_452 : i32 to vector<16xi32>
      %add3A_454 = arith.addi %mul3A_356, %add3A_453 : vector<16xi32>
      %swap3A_455 = arith.index_cast %mul3A_248 : i32 to index
      %swap3A_456 = tpu.vector_load %arg57[%swap3A_455] {strides = array<i32>} : memref<512xi32, #tpu.memory_space<vmem>>, vector<16xi32>,
      tpu.vector_store %arg57[%swap3A_455], %add3A_454 {strides = array<i32>} : memref<512xi32, #tpu.memory_space<vmem>>, vector<16xi32>,
      %get3A_457 = arith.index_cast %mul3A_248 : i32 to index
      %get3A_458 = tpu.vector_load %arg14[%get3A_457] {strides = array<i32>} : memref<512xi32, #tpu.memory_space<vmem>>, vector<16xi32>,
      %mul3A_459 = arith.constant 17 : i32
      %mul3A_460 = vector.broadcast %mul3A_459 : i32 to vector<16xi32>
      %mul3A_461 = arith.muli %get3A_458, %mul3A_460 : vector<16xi32>
      %add3A_462 = arith.constant 0 : i32
      %add3A_463 = vector.broadcast %add3A_462 : i32 to vector<16xi32>
      %add3A_464 = arith.addi %mul3A_461, %add3A_463 : vector<16xi32>
      %swap3A_465 = arith.index_cast %mul3A_248 : i32 to index
      %swap3A_466 = tpu.vector_load %arg58[%swap3A_465] {strides = array<i32>} : memref<512xi32, #tpu.memory_space<vmem>>, vector<16xi32>,
      tpu.vector_store %arg58[%swap3A_465], %add3A_464 {strides = array<i32>} : memref<512xi32, #tpu.memory_space<vmem>>, vector<16xi32>,
      %add3A_467 = arith.constant 1 : i32
      %add3A_468 = vector.broadcast %add3A_467 : i32 to vector<16xi32>
      %add3A_469 = arith.addi %mul3A_461, %add3A_468 : vector<16xi32>
      %swap3A_470 = arith.index_cast %mul3A_248 : i32 to index
      %swap3A_471 = tpu.vector_load %arg59[%swap3A_470] {strides = array<i32>} : memref<512xi32, #tpu.memory_space<vmem>>, vector<16xi32>,
      tpu.vector_store %arg59[%swap3A_470], %add3A_469 {strides = array<i32>} : memref<512xi32, #tpu.memory_space<vmem>>, vector<16xi32>,
      %add3A_472 = arith.constant 2 : i32
      %add3A_473 = vector.broadcast %add3A_472 : i32 to vector<16xi32>
      %add3A_474 = arith.addi %mul3A_461, %add3A_473 : vector<16xi32>
      %swap3A_475 = arith.index_cast %mul3A_248 : i32 to index
      %swap3A_476 = tpu.vector_load %arg60[%swap3A_475] {strides = array<i32>} : memref<512xi32, #tpu.memory_space<vmem>>, vector<16xi32>,
      tpu.vector_store %arg60[%swap3A_475], %add3A_474 {strides = array<i32>} : memref<512xi32, #tpu.memory_space<vmem>>, vector<16xi32>,
      %add3A_477 = arith.constant 3 : i32
      %add3A_478 = vector.broadcast %add3A_477 : i32 to vector<16xi32>
      %add3A_479 = arith.addi %mul3A_461, %add3A_478 : vector<16xi32>
      %swap3A_480 = arith.index_cast %mul3A_248 : i32 to index
      %swap3A_481 = tpu.vector_load %arg61[%swap3A_480] {strides = array<i32>} : memref<512xi32, #tpu.memory_space<vmem>>, vector<16xi32>,
      tpu.vector_store %arg61[%swap3A_480], %add3A_479 {strides = array<i32>} : memref<512xi32, #tpu.memory_space<vmem>>, vector<16xi32>,
      %add3A_482 = arith.constant 4 : i32
      %add3A_483 = vector.broadcast %add3A_482 : i32 to vector<16xi32>
      %add3A_484 = arith.addi %mul3A_461, %add3A_483 : vector<16xi32>
      %swap3A_485 = arith.index_cast %mul3A_248 : i32 to index
      %swap3A_486 = tpu.vector_load %arg62[%swap3A_485] {strides = array<i32>} : memref<512xi32, #tpu.memory_space<vmem>>, vector<16xi32>,
      tpu.vector_store %arg62[%swap3A_485], %add3A_484 {strides = array<i32>} : memref<512xi32, #tpu.memory_space<vmem>>, vector<16xi32>,
      %add3A_487 = arith.constant 5 : i32
      %add3A_488 = vector.broadcast %add3A_487 : i32 to vector<16xi32>
      %add3A_489 = arith.addi %mul3A_461, %add3A_488 : vector<16xi32>
      %swap3A_490 = arith.index_cast %mul3A_248 : i32 to index
      %swap3A_491 = tpu.vector_load %arg63[%swap3A_490] {strides = array<i32>} : memref<512xi32, #tpu.memory_space<vmem>>, vector<16xi32>,
      tpu.vector_store %arg63[%swap3A_490], %add3A_489 {strides = array<i32>} : memref<512xi32, #tpu.memory_space<vmem>>, vector<16xi32>,
      %add3A_492 = arith.constant 6 : i32
      %add3A_493 = vector.broadcast %add3A_492 : i32 to vector<16xi32>
      %add3A_494 = arith.addi %mul3A_461, %add3A_493 : vector<16xi32>
      %swap3A_495 = arith.index_cast %mul3A_248 : i32 to index
      %swap3A_496 = tpu.vector_load %arg64[%swap3A_495] {strides = array<i32>} : memref<512xi32, #tpu.memory_space<vmem>>, vector<16xi32>,
      tpu.vector_store %arg64[%swap3A_495], %add3A_494 {strides = array<i32>} : memref<512xi32, #tpu.memory_space<vmem>>, vector<16xi32>,
      %add3A_497 = arith.constant 7 : i32
      %add3A_498 = vector.broadcast %add3A_497 : i32 to vector<16xi32>
      %add3A_499 = arith.addi %mul3A_461, %add3A_498 : vector<16xi32>
      %swap3A_500 = arith.index_cast %mul3A_248 : i32 to index
      %swap3A_501 = tpu.vector_load %arg65[%swap3A_500] {strides = array<i32>} : memref<512xi32, #tpu.memory_space<vmem>>, vector<16xi32>,
      tpu.vector_store %arg65[%swap3A_500], %add3A_499 {strides = array<i32>} : memref<512xi32, #tpu.memory_space<vmem>>, vector<16xi32>,
      %add3A_502 = arith.constant 8 : i32
      %add3A_503 = vector.broadcast %add3A_502 : i32 to vector<16xi32>
      %add3A_504 = arith.addi %mul3A_461, %add3A_503 : vector<16xi32>
      %swap3A_505 = arith.index_cast %mul3A_248 : i32 to index
      %swap3A_506 = tpu.vector_load %arg66[%swap3A_505] {strides = array<i32>} : memref<512xi32, #tpu.memory_space<vmem>>, vector<16xi32>,
      tpu.vector_store %arg66[%swap3A_505], %add3A_504 {strides = array<i32>} : memref<512xi32, #tpu.memory_space<vmem>>, vector<16xi32>,
      %add3A_507 = arith.constant 9 : i32
      %add3A_508 = vector.broadcast %add3A_507 : i32 to vector<16xi32>
      %add3A_509 = arith.addi %mul3A_461, %add3A_508 : vector<16xi32>
      %swap3A_510 = arith.index_cast %mul3A_248 : i32 to index
      %swap3A_511 = tpu.vector_load %arg67[%swap3A_510] {strides = array<i32>} : memref<512xi32, #tpu.memory_space<vmem>>, vector<16xi32>,
      tpu.vector_store %arg67[%swap3A_510], %add3A_509 {strides = array<i32>} : memref<512xi32, #tpu.memory_space<vmem>>, vector<16xi32>,
      %add3A_512 = arith.constant 10 : i32
      %add3A_513 = vector.broadcast %add3A_512 : i32 to vector<16xi32>
      %add3A_514 = arith.addi %mul3A_461, %add3A_513 : vector<16xi32>
      %swap3A_515 = arith.index_cast %mul3A_248 : i32 to index
      %swap3A_516 = tpu.vector_load %arg68[%swap3A_515] {strides = array<i32>} : memref<512xi32, #tpu.memory_space<vmem>>, vector<16xi32>,
      tpu.vector_store %arg68[%swap3A_515], %add3A_514 {strides = array<i32>} : memref<512xi32, #tpu.memory_space<vmem>>, vector<16xi32>,
      %add3A_517 = arith.constant 11 : i32
      %add3A_518 = vector.broadcast %add3A_517 : i32 to vector<16xi32>
      %add3A_519 = arith.addi %mul3A_461, %add3A_518 : vector<16xi32>
      %swap3A_520 = arith.index_cast %mul3A_248 : i32 to index
      %swap3A_521 = tpu.vector_load %arg69[%swap3A_520] {strides = array<i32>} : memref<512xi32, #tpu.memory_space<vmem>>, vector<16xi32>,
      tpu.vector_store %arg69[%swap3A_520], %add3A_519 {strides = array<i32>} : memref<512xi32, #tpu.memory_space<vmem>>, vector<16xi32>,
      %add3A_522 = arith.constant 12 : i32
      %add3A_523 = vector.broadcast %add3A_522 : i32 to vector<16xi32>
      %add3A_524 = arith.addi %mul3A_461, %add3A_523 : vector<16xi32>
      %swap3A_525 = arith.index_cast %mul3A_248 : i32 to index
      %swap3A_526 = tpu.vector_load %arg70[%swap3A_525] {strides = array<i32>} : memref<512xi32, #tpu.memory_space<vmem>>, vector<16xi32>,
      tpu.vector_store %arg70[%swap3A_525], %add3A_524 {strides = array<i32>} : memref<512xi32, #tpu.memory_space<vmem>>, vector<16xi32>,
      %add3A_527 = arith.constant 13 : i32
      %add3A_528 = vector.broadcast %add3A_527 : i32 to vector<16xi32>
      %add3A_529 = arith.addi %mul3A_461, %add3A_528 : vector<16xi32>
      %swap3A_530 = arith.index_cast %mul3A_248 : i32 to index
      %swap3A_531 = tpu.vector_load %arg71[%swap3A_530] {strides = array<i32>} : memref<512xi32, #tpu.memory_space<vmem>>, vector<16xi32>,
      tpu.vector_store %arg71[%swap3A_530], %add3A_529 {strides = array<i32>} : memref<512xi32, #tpu.memory_space<vmem>>, vector<16xi32>,
      %add3A_532 = arith.constant 14 : i32
      %add3A_533 = vector.broadcast %add3A_532 : i32 to vector<16xi32>
      %add3A_534 = arith.addi %mul3A_461, %add3A_533 : vector<16xi32>
      %swap3A_535 = arith.index_cast %mul3A_248 : i32 to index
      %swap3A_536 = tpu.vector_load %arg72[%swap3A_535] {strides = array<i32>} : memref<512xi32, #tpu.memory_space<vmem>>, vector<16xi32>,
      tpu.vector_store %arg72[%swap3A_535], %add3A_534 {strides = array<i32>} : memref<512xi32, #tpu.memory_space<vmem>>, vector<16xi32>,
      %add3A_537 = arith.constant 15 : i32
      %add3A_538 = vector.broadcast %add3A_537 : i32 to vector<16xi32>
      %add3A_539 = arith.addi %mul3A_461, %add3A_538 : vector<16xi32>
      %swap3A_540 = arith.index_cast %mul3A_248 : i32 to index
      %swap3A_541 = tpu.vector_load %arg73[%swap3A_540] {strides = array<i32>} : memref<512xi32, #tpu.memory_space<vmem>>, vector<16xi32>,
      tpu.vector_store %arg73[%swap3A_540], %add3A_539 {strides = array<i32>} : memref<512xi32, #tpu.memory_space<vmem>>, vector<16xi32>,
      %add3A_542 = arith.constant 16 : i32
      %add3A_543 = vector.broadcast %add3A_542 : i32 to vector<16xi32>
      %add3A_544 = arith.addi %mul3A_461, %add3A_543 : vector<16xi32>
      %swap3A_545 = arith.index_cast %mul3A_248 : i32 to index
      %swap3A_546 = tpu.vector_load %arg74[%swap3A_545] {strides = array<i32>} : memref<512xi32, #tpu.memory_space<vmem>>, vector<16xi32>,
      tpu.vector_store %arg74[%swap3A_545], %add3A_544 {strides = array<i32>} : memref<512xi32, #tpu.memory_space<vmem>>, vector<16xi32>,
    }
    %scan3A_7 = arith.constant 32 : i32
    %dma_start3A = arith.constant 0 : i32
    %dma_start3A_8 = tpu.memref_slice %arg7[%dma_start3A] : memref<20000020xf32, #tpu.memory_space<hbm>> -> memref<20000020xf32, #tpu.memory_space<hbm>>
    tpu.enqueue_indirect_dma source(%dma_start3A_8 : memref<20000020xf32, #tpu.memory_space<hbm>>) target(%arg75 : memref<512xf32, #tpu.memory_space<vmem>>) offsets(%arg18 : memref<512xi32, #tpu.memory_space<vmem>>) semaphore(%arg133 : memref<!tpu.dma_semaphore, #tpu.memory_space<semaphore_mem>>)
    %dma_start3A_9 = arith.constant 0 : i32
    %dma_start3A_10 = tpu.memref_slice %arg7[%dma_start3A_9] : memref<20000020xf32, #tpu.memory_space<hbm>> -> memref<20000020xf32, #tpu.memory_space<hbm>>
    tpu.enqueue_indirect_dma source(%dma_start3A_10 : memref<20000020xf32, #tpu.memory_space<hbm>>) target(%arg76 : memref<512xf32, #tpu.memory_space<vmem>>) offsets(%arg19 : memref<512xi32, #tpu.memory_space<vmem>>) semaphore(%arg133 : memref<!tpu.dma_semaphore, #tpu.memory_space<semaphore_mem>>)
    %dma_start3A_11 = arith.constant 0 : i32
    %dma_start3A_12 = tpu.memref_slice %arg7[%dma_start3A_11] : memref<20000020xf32, #tpu.memory_space<hbm>> -> memref<20000020xf32, #tpu.memory_space<hbm>>
    tpu.enqueue_indirect_dma source(%dma_start3A_12 : memref<20000020xf32, #tpu.memory_space<hbm>>) target(%arg77 : memref<512xf32, #tpu.memory_space<vmem>>) offsets(%arg20 : memref<512xi32, #tpu.memory_space<vmem>>) semaphore(%arg133 : memref<!tpu.dma_semaphore, #tpu.memory_space<semaphore_mem>>)
    %dma_start3A_13 = arith.constant 0 : i32
    %dma_start3A_14 = tpu.memref_slice %arg7[%dma_start3A_13] : memref<20000020xf32, #tpu.memory_space<hbm>> -> memref<20000020xf32, #tpu.memory_space<hbm>>
    tpu.enqueue_indirect_dma source(%dma_start3A_14 : memref<20000020xf32, #tpu.memory_space<hbm>>) target(%arg78 : memref<512xf32, #tpu.memory_space<vmem>>) offsets(%arg21 : memref<512xi32, #tpu.memory_space<vmem>>) semaphore(%arg133 : memref<!tpu.dma_semaphore, #tpu.memory_space<semaphore_mem>>)
    %dma_start3A_15 = arith.constant 0 : i32
    %dma_start3A_16 = tpu.memref_slice %arg7[%dma_start3A_15] : memref<20000020xf32, #tpu.memory_space<hbm>> -> memref<20000020xf32, #tpu.memory_space<hbm>>
    tpu.enqueue_indirect_dma source(%dma_start3A_16 : memref<20000020xf32, #tpu.memory_space<hbm>>) target(%arg79 : memref<512xf32, #tpu.memory_space<vmem>>) offsets(%arg22 : memref<512xi32, #tpu.memory_space<vmem>>) semaphore(%arg133 : memref<!tpu.dma_semaphore, #tpu.memory_space<semaphore_mem>>)
    %dma_start3A_17 = arith.constant 0 : i32
    %dma_start3A_18 = tpu.memref_slice %arg7[%dma_start3A_17] : memref<20000020xf32, #tpu.memory_space<hbm>> -> memref<20000020xf32, #tpu.memory_space<hbm>>
    tpu.enqueue_indirect_dma source(%dma_start3A_18 : memref<20000020xf32, #tpu.memory_space<hbm>>) target(%arg80 : memref<512xf32, #tpu.memory_space<vmem>>) offsets(%arg23 : memref<512xi32, #tpu.memory_space<vmem>>) semaphore(%arg133 : memref<!tpu.dma_semaphore, #tpu.memory_space<semaphore_mem>>)
    %dma_start3A_19 = arith.constant 0 : i32
    %dma_start3A_20 = tpu.memref_slice %arg7[%dma_start3A_19] : memref<20000020xf32, #tpu.memory_space<hbm>> -> memref<20000020xf32, #tpu.memory_space<hbm>>
    tpu.enqueue_indirect_dma source(%dma_start3A_20 : memref<20000020xf32, #tpu.memory_space<hbm>>) target(%arg81 : memref<512xf32, #tpu.memory_space<vmem>>) offsets(%arg24 : memref<512xi32, #tpu.memory_space<vmem>>) semaphore(%arg133 : memref<!tpu.dma_semaphore, #tpu.memory_space<semaphore_mem>>)
    %dma_start3A_21 = arith.constant 0 : i32
    %dma_start3A_22 = tpu.memref_slice %arg7[%dma_start3A_21] : memref<20000020xf32, #tpu.memory_space<hbm>> -> memref<20000020xf32, #tpu.memory_space<hbm>>
    tpu.enqueue_indirect_dma source(%dma_start3A_22 : memref<20000020xf32, #tpu.memory_space<hbm>>) target(%arg82 : memref<512xf32, #tpu.memory_space<vmem>>) offsets(%arg25 : memref<512xi32, #tpu.memory_space<vmem>>) semaphore(%arg133 : memref<!tpu.dma_semaphore, #tpu.memory_space<semaphore_mem>>)
    %dma_start3A_23 = arith.constant 0 : i32
    %dma_start3A_24 = tpu.memref_slice %arg7[%dma_start3A_23] : memref<20000020xf32, #tpu.memory_space<hbm>> -> memref<20000020xf32, #tpu.memory_space<hbm>>
    tpu.enqueue_indirect_dma source(%dma_start3A_24 : memref<20000020xf32, #tpu.memory_space<hbm>>) target(%arg83 : memref<512xf32, #tpu.memory_space<vmem>>) offsets(%arg26 : memref<512xi32, #tpu.memory_space<vmem>>) semaphore(%arg133 : memref<!tpu.dma_semaphore, #tpu.memory_space<semaphore_mem>>)
    %dma_start3A_25 = arith.constant 0 : i32
    %dma_start3A_26 = tpu.memref_slice %arg7[%dma_start3A_25] : memref<20000020xf32, #tpu.memory_space<hbm>> -> memref<20000020xf32, #tpu.memory_space<hbm>>
    tpu.enqueue_indirect_dma source(%dma_start3A_26 : memref<20000020xf32, #tpu.memory_space<hbm>>) target(%arg84 : memref<512xf32, #tpu.memory_space<vmem>>) offsets(%arg27 : memref<512xi32, #tpu.memory_space<vmem>>) semaphore(%arg133 : memref<!tpu.dma_semaphore, #tpu.memory_space<semaphore_mem>>)
    %dma_start3A_27 = arith.constant 0 : i32
    %dma_start3A_28 = tpu.memref_slice %arg7[%dma_start3A_27] : memref<20000020xf32, #tpu.memory_space<hbm>> -> memref<20000020xf32, #tpu.memory_space<hbm>>
    tpu.enqueue_indirect_dma source(%dma_start3A_28 : memref<20000020xf32, #tpu.memory_space<hbm>>) target(%arg85 : memref<512xf32, #tpu.memory_space<vmem>>) offsets(%arg28 : memref<512xi32, #tpu.memory_space<vmem>>) semaphore(%arg133 : memref<!tpu.dma_semaphore, #tpu.memory_space<semaphore_mem>>)
    %dma_start3A_29 = arith.constant 0 : i32
    %dma_start3A_30 = tpu.memref_slice %arg7[%dma_start3A_29] : memref<20000020xf32, #tpu.memory_space<hbm>> -> memref<20000020xf32, #tpu.memory_space<hbm>>
    tpu.enqueue_indirect_dma source(%dma_start3A_30 : memref<20000020xf32, #tpu.memory_space<hbm>>) target(%arg86 : memref<512xf32, #tpu.memory_space<vmem>>) offsets(%arg29 : memref<512xi32, #tpu.memory_space<vmem>>) semaphore(%arg133 : memref<!tpu.dma_semaphore, #tpu.memory_space<semaphore_mem>>)
    %dma_start3A_31 = arith.constant 0 : i32
    %dma_start3A_32 = tpu.memref_slice %arg7[%dma_start3A_31] : memref<20000020xf32, #tpu.memory_space<hbm>> -> memref<20000020xf32, #tpu.memory_space<hbm>>
    tpu.enqueue_indirect_dma source(%dma_start3A_32 : memref<20000020xf32, #tpu.memory_space<hbm>>) target(%arg87 : memref<512xf32, #tpu.memory_space<vmem>>) offsets(%arg30 : memref<512xi32, #tpu.memory_space<vmem>>) semaphore(%arg133 : memref<!tpu.dma_semaphore, #tpu.memory_space<semaphore_mem>>)
    %dma_start3A_33 = arith.constant 0 : i32
    %dma_start3A_34 = tpu.memref_slice %arg7[%dma_start3A_33] : memref<20000020xf32, #tpu.memory_space<hbm>> -> memref<20000020xf32, #tpu.memory_space<hbm>>
    tpu.enqueue_indirect_dma source(%dma_start3A_34 : memref<20000020xf32, #tpu.memory_space<hbm>>) target(%arg88 : memref<512xf32, #tpu.memory_space<vmem>>) offsets(%arg31 : memref<512xi32, #tpu.memory_space<vmem>>) semaphore(%arg133 : memref<!tpu.dma_semaphore, #tpu.memory_space<semaphore_mem>>)
    %dma_start3A_35 = arith.constant 0 : i32
    %dma_start3A_36 = tpu.memref_slice %arg7[%dma_start3A_35] : memref<20000020xf32, #tpu.memory_space<hbm>> -> memref<20000020xf32, #tpu.memory_space<hbm>>
    tpu.enqueue_indirect_dma source(%dma_start3A_36 : memref<20000020xf32, #tpu.memory_space<hbm>>) target(%arg89 : memref<512xf32, #tpu.memory_space<vmem>>) offsets(%arg32 : memref<512xi32, #tpu.memory_space<vmem>>) semaphore(%arg133 : memref<!tpu.dma_semaphore, #tpu.memory_space<semaphore_mem>>)
    %dma_start3A_37 = arith.constant 0 : i32
    %dma_start3A_38 = tpu.memref_slice %arg7[%dma_start3A_37] : memref<20000020xf32, #tpu.memory_space<hbm>> -> memref<20000020xf32, #tpu.memory_space<hbm>>
    tpu.enqueue_indirect_dma source(%dma_start3A_38 : memref<20000020xf32, #tpu.memory_space<hbm>>) target(%arg90 : memref<512xf32, #tpu.memory_space<vmem>>) offsets(%arg33 : memref<512xi32, #tpu.memory_space<vmem>>) semaphore(%arg133 : memref<!tpu.dma_semaphore, #tpu.memory_space<semaphore_mem>>)
    %dma_start3A_39 = arith.constant 0 : i32
    %dma_start3A_40 = tpu.memref_slice %arg7[%dma_start3A_39] : memref<20000020xf32, #tpu.memory_space<hbm>> -> memref<20000020xf32, #tpu.memory_space<hbm>>
    tpu.enqueue_indirect_dma source(%dma_start3A_40 : memref<20000020xf32, #tpu.memory_space<hbm>>) target(%arg91 : memref<512xf32, #tpu.memory_space<vmem>>) offsets(%arg34 : memref<512xi32, #tpu.memory_space<vmem>>) semaphore(%arg133 : memref<!tpu.dma_semaphore, #tpu.memory_space<semaphore_mem>>)
    %dma_start3A_41 = arith.constant 0 : i32
    %dma_start3A_42 = tpu.memref_slice %arg7[%dma_start3A_41] : memref<20000020xf32, #tpu.memory_space<hbm>> -> memref<20000020xf32, #tpu.memory_space<hbm>>
    tpu.enqueue_indirect_dma source(%dma_start3A_42 : memref<20000020xf32, #tpu.memory_space<hbm>>) target(%arg92 : memref<512xf32, #tpu.memory_space<vmem>>) offsets(%arg35 : memref<512xi32, #tpu.memory_space<vmem>>) semaphore(%arg133 : memref<!tpu.dma_semaphore, #tpu.memory_space<semaphore_mem>>)
    %dma_start3A_43 = arith.constant 0 : i32
    %dma_start3A_44 = tpu.memref_slice %arg7[%dma_start3A_43] : memref<20000020xf32, #tpu.memory_space<hbm>> -> memref<20000020xf32, #tpu.memory_space<hbm>>
    tpu.enqueue_indirect_dma source(%dma_start3A_44 : memref<20000020xf32, #tpu.memory_space<hbm>>) target(%arg93 : memref<512xf32, #tpu.memory_space<vmem>>) offsets(%arg36 : memref<512xi32, #tpu.memory_space<vmem>>) semaphore(%arg133 : memref<!tpu.dma_semaphore, #tpu.memory_space<semaphore_mem>>)
    %dma_start3A_45 = arith.constant 0 : i32
    %dma_start3A_46 = tpu.memref_slice %arg7[%dma_start3A_45] : memref<20000020xf32, #tpu.memory_space<hbm>> -> memref<20000020xf32, #tpu.memory_space<hbm>>
    tpu.enqueue_indirect_dma source(%dma_start3A_46 : memref<20000020xf32, #tpu.memory_space<hbm>>) target(%arg94 : memref<512xf32, #tpu.memory_space<vmem>>) offsets(%arg37 : memref<512xi32, #tpu.memory_space<vmem>>) semaphore(%arg133 : memref<!tpu.dma_semaphore, #tpu.memory_space<semaphore_mem>>)
    %dma_start3A_47 = arith.constant 0 : i32
    %dma_start3A_48 = tpu.memref_slice %arg8[%dma_start3A_47] : memref<20000020xf32, #tpu.memory_space<hbm>> -> memref<20000020xf32, #tpu.memory_space<hbm>>
    tpu.enqueue_indirect_dma source(%dma_start3A_48 : memref<20000020xf32, #tpu.memory_space<hbm>>) target(%arg95 : memref<512xf32, #tpu.memory_space<vmem>>) offsets(%arg38 : memref<512xi32, #tpu.memory_space<vmem>>) semaphore(%arg133 : memref<!tpu.dma_semaphore, #tpu.memory_space<semaphore_mem>>)
    %dma_start3A_49 = arith.constant 0 : i32
    %dma_start3A_50 = tpu.memref_slice %arg8[%dma_start3A_49] : memref<20000020xf32, #tpu.memory_space<hbm>> -> memref<20000020xf32, #tpu.memory_space<hbm>>
    tpu.enqueue_indirect_dma source(%dma_start3A_50 : memref<20000020xf32, #tpu.memory_space<hbm>>) target(%arg96 : memref<512xf32, #tpu.memory_space<vmem>>) offsets(%arg39 : memref<512xi32, #tpu.memory_space<vmem>>) semaphore(%arg133 : memref<!tpu.dma_semaphore, #tpu.memory_space<semaphore_mem>>)
    %dma_start3A_51 = arith.constant 0 : i32
    %dma_start3A_52 = tpu.memref_slice %arg8[%dma_start3A_51] : memref<20000020xf32, #tpu.memory_space<hbm>> -> memref<20000020xf32, #tpu.memory_space<hbm>>
    tpu.enqueue_indirect_dma source(%dma_start3A_52 : memref<20000020xf32, #tpu.memory_space<hbm>>) target(%arg97 : memref<512xf32, #tpu.memory_space<vmem>>) offsets(%arg40 : memref<512xi32, #tpu.memory_space<vmem>>) semaphore(%arg133 : memref<!tpu.dma_semaphore, #tpu.memory_space<semaphore_mem>>)
    %dma_start3A_53 = arith.constant 0 : i32
    %dma_start3A_54 = tpu.memref_slice %arg8[%dma_start3A_53] : memref<20000020xf32, #tpu.memory_space<hbm>> -> memref<20000020xf32, #tpu.memory_space<hbm>>
    tpu.enqueue_indirect_dma source(%dma_start3A_54 : memref<20000020xf32, #tpu.memory_space<hbm>>) target(%arg98 : memref<512xf32, #tpu.memory_space<vmem>>) offsets(%arg41 : memref<512xi32, #tpu.memory_space<vmem>>) semaphore(%arg133 : memref<!tpu.dma_semaphore, #tpu.memory_space<semaphore_mem>>)
    %dma_start3A_55 = arith.constant 0 : i32
    %dma_start3A_56 = tpu.memref_slice %arg8[%dma_start3A_55] : memref<20000020xf32, #tpu.memory_space<hbm>> -> memref<20000020xf32, #tpu.memory_space<hbm>>
    tpu.enqueue_indirect_dma source(%dma_start3A_56 : memref<20000020xf32, #tpu.memory_space<hbm>>) target(%arg99 : memref<512xf32, #tpu.memory_space<vmem>>) offsets(%arg42 : memref<512xi32, #tpu.memory_space<vmem>>) semaphore(%arg133 : memref<!tpu.dma_semaphore, #tpu.memory_space<semaphore_mem>>)
    %dma_start3A_57 = arith.constant 0 : i32
    %dma_start3A_58 = tpu.memref_slice %arg8[%dma_start3A_57] : memref<20000020xf32, #tpu.memory_space<hbm>> -> memref<20000020xf32, #tpu.memory_space<hbm>>
    tpu.enqueue_indirect_dma source(%dma_start3A_58 : memref<20000020xf32, #tpu.memory_space<hbm>>) target(%arg100 : memref<512xf32, #tpu.memory_space<vmem>>) offsets(%arg43 : memref<512xi32, #tpu.memory_space<vmem>>) semaphore(%arg133 : memref<!tpu.dma_semaphore, #tpu.memory_space<semaphore_mem>>)
    %dma_start3A_59 = arith.constant 0 : i32
    %dma_start3A_60 = tpu.memref_slice %arg8[%dma_start3A_59] : memref<20000020xf32, #tpu.memory_space<hbm>> -> memref<20000020xf32, #tpu.memory_space<hbm>>
    tpu.enqueue_indirect_dma source(%dma_start3A_60 : memref<20000020xf32, #tpu.memory_space<hbm>>) target(%arg101 : memref<512xf32, #tpu.memory_space<vmem>>) offsets(%arg44 : memref<512xi32, #tpu.memory_space<vmem>>) semaphore(%arg133 : memref<!tpu.dma_semaphore, #tpu.memory_space<semaphore_mem>>)
    %dma_start3A_61 = arith.constant 0 : i32
    %dma_start3A_62 = tpu.memref_slice %arg8[%dma_start3A_61] : memref<20000020xf32, #tpu.memory_space<hbm>> -> memref<20000020xf32, #tpu.memory_space<hbm>>
    tpu.enqueue_indirect_dma source(%dma_start3A_62 : memref<20000020xf32, #tpu.memory_space<hbm>>) target(%arg102 : memref<512xf32, #tpu.memory_space<vmem>>) offsets(%arg45 : memref<512xi32, #tpu.memory_space<vmem>>) semaphore(%arg133 : memref<!tpu.dma_semaphore, #tpu.memory_space<semaphore_mem>>)
    %dma_start3A_63 = arith.constant 0 : i32
    %dma_start3A_64 = tpu.memref_slice %arg8[%dma_start3A_63] : memref<20000020xf32, #tpu.memory_space<hbm>> -> memref<20000020xf32, #tpu.memory_space<hbm>>
    tpu.enqueue_indirect_dma source(%dma_start3A_64 : memref<20000020xf32, #tpu.memory_space<hbm>>) target(%arg103 : memref<512xf32, #tpu.memory_space<vmem>>) offsets(%arg46 : memref<512xi32, #tpu.memory_space<vmem>>) semaphore(%arg133 : memref<!tpu.dma_semaphore, #tpu.memory_space<semaphore_mem>>)
    %dma_start3A_65 = arith.constant 0 : i32
    %dma_start3A_66 = tpu.memref_slice %arg8[%dma_start3A_65] : memref<20000020xf32, #tpu.memory_space<hbm>> -> memref<20000020xf32, #tpu.memory_space<hbm>>
    tpu.enqueue_indirect_dma source(%dma_start3A_66 : memref<20000020xf32, #tpu.memory_space<hbm>>) target(%arg104 : memref<512xf32, #tpu.memory_space<vmem>>) offsets(%arg47 : memref<512xi32, #tpu.memory_space<vmem>>) semaphore(%arg133 : memref<!tpu.dma_semaphore, #tpu.memory_space<semaphore_mem>>)
    %dma_start3A_67 = arith.constant 0 : i32
    %dma_start3A_68 = tpu.memref_slice %arg8[%dma_start3A_67] : memref<20000020xf32, #tpu.memory_space<hbm>> -> memref<20000020xf32, #tpu.memory_space<hbm>>
    tpu.enqueue_indirect_dma source(%dma_start3A_68 : memref<20000020xf32, #tpu.memory_space<hbm>>) target(%arg105 : memref<512xf32, #tpu.memory_space<vmem>>) offsets(%arg48 : memref<512xi32, #tpu.memory_space<vmem>>) semaphore(%arg133 : memref<!tpu.dma_semaphore, #tpu.memory_space<semaphore_mem>>)
    %dma_start3A_69 = arith.constant 0 : i32
    %dma_start3A_70 = tpu.memref_slice %arg8[%dma_start3A_69] : memref<20000020xf32, #tpu.memory_space<hbm>> -> memref<20000020xf32, #tpu.memory_space<hbm>>
    tpu.enqueue_indirect_dma source(%dma_start3A_70 : memref<20000020xf32, #tpu.memory_space<hbm>>) target(%arg106 : memref<512xf32, #tpu.memory_space<vmem>>) offsets(%arg49 : memref<512xi32, #tpu.memory_space<vmem>>) semaphore(%arg133 : memref<!tpu.dma_semaphore, #tpu.memory_space<semaphore_mem>>)
    %dma_start3A_71 = arith.constant 0 : i32
    %dma_start3A_72 = tpu.memref_slice %arg8[%dma_start3A_71] : memref<20000020xf32, #tpu.memory_space<hbm>> -> memref<20000020xf32, #tpu.memory_space<hbm>>
    tpu.enqueue_indirect_dma source(%dma_start3A_72 : memref<20000020xf32, #tpu.memory_space<hbm>>) target(%arg107 : memref<512xf32, #tpu.memory_space<vmem>>) offsets(%arg50 : memref<512xi32, #tpu.memory_space<vmem>>) semaphore(%arg133 : memref<!tpu.dma_semaphore, #tpu.memory_space<semaphore_mem>>)
    %dma_start3A_73 = arith.constant 0 : i32
    %dma_start3A_74 = tpu.memref_slice %arg8[%dma_start3A_73] : memref<20000020xf32, #tpu.memory_space<hbm>> -> memref<20000020xf32, #tpu.memory_space<hbm>>
    tpu.enqueue_indirect_dma source(%dma_start3A_74 : memref<20000020xf32, #tpu.memory_space<hbm>>) target(%arg108 : memref<512xf32, #tpu.memory_space<vmem>>) offsets(%arg51 : memref<512xi32, #tpu.memory_space<vmem>>) semaphore(%arg133 : memref<!tpu.dma_semaphore, #tpu.memory_space<semaphore_mem>>)
    %dma_start3A_75 = arith.constant 0 : i32
    %dma_start3A_76 = tpu.memref_slice %arg8[%dma_start3A_75] : memref<20000020xf32, #tpu.memory_space<hbm>> -> memref<20000020xf32, #tpu.memory_space<hbm>>
    tpu.enqueue_indirect_dma source(%dma_start3A_76 : memref<20000020xf32, #tpu.memory_space<hbm>>) target(%arg109 : memref<512xf32, #tpu.memory_space<vmem>>) offsets(%arg52 : memref<512xi32, #tpu.memory_space<vmem>>) semaphore(%arg133 : memref<!tpu.dma_semaphore, #tpu.memory_space<semaphore_mem>>)
    %dma_start3A_77 = arith.constant 0 : i32
    %dma_start3A_78 = tpu.memref_slice %arg8[%dma_start3A_77] : memref<20000020xf32, #tpu.memory_space<hbm>> -> memref<20000020xf32, #tpu.memory_space<hbm>>
    tpu.enqueue_indirect_dma source(%dma_start3A_78 : memref<20000020xf32, #tpu.memory_space<hbm>>) target(%arg110 : memref<512xf32, #tpu.memory_space<vmem>>) offsets(%arg53 : memref<512xi32, #tpu.memory_space<vmem>>) semaphore(%arg133 : memref<!tpu.dma_semaphore, #tpu.memory_space<semaphore_mem>>)
    %dma_start3A_79 = arith.constant 0 : i32
    %dma_start3A_80 = tpu.memref_slice %arg8[%dma_start3A_79] : memref<20000020xf32, #tpu.memory_space<hbm>> -> memref<20000020xf32, #tpu.memory_space<hbm>>
    tpu.enqueue_indirect_dma source(%dma_start3A_80 : memref<20000020xf32, #tpu.memory_space<hbm>>) target(%arg111 : memref<512xf32, #tpu.memory_space<vmem>>) offsets(%arg54 : memref<512xi32, #tpu.memory_space<vmem>>) semaphore(%arg133 : memref<!tpu.dma_semaphore, #tpu.memory_space<semaphore_mem>>)
    %dma_start3A_81 = arith.constant 0 : i32
    %dma_start3A_82 = tpu.memref_slice %arg8[%dma_start3A_81] : memref<20000020xf32, #tpu.memory_space<hbm>> -> memref<20000020xf32, #tpu.memory_space<hbm>>
    tpu.enqueue_indirect_dma source(%dma_start3A_82 : memref<20000020xf32, #tpu.memory_space<hbm>>) target(%arg112 : memref<512xf32, #tpu.memory_space<vmem>>) offsets(%arg55 : memref<512xi32, #tpu.memory_space<vmem>>) semaphore(%arg133 : memref<!tpu.dma_semaphore, #tpu.memory_space<semaphore_mem>>)
    %dma_start3A_83 = arith.constant 0 : i32
    %dma_start3A_84 = tpu.memref_slice %arg8[%dma_start3A_83] : memref<20000020xf32, #tpu.memory_space<hbm>> -> memref<20000020xf32, #tpu.memory_space<hbm>>
    tpu.enqueue_indirect_dma source(%dma_start3A_84 : memref<20000020xf32, #tpu.memory_space<hbm>>) target(%arg113 : memref<512xf32, #tpu.memory_space<vmem>>) offsets(%arg56 : memref<512xi32, #tpu.memory_space<vmem>>) semaphore(%arg133 : memref<!tpu.dma_semaphore, #tpu.memory_space<semaphore_mem>>)
    %dma_start3A_85 = arith.constant 0 : i32
    %dma_start3A_86 = tpu.memref_slice %arg8[%dma_start3A_85] : memref<20000020xf32, #tpu.memory_space<hbm>> -> memref<20000020xf32, #tpu.memory_space<hbm>>
    tpu.enqueue_indirect_dma source(%dma_start3A_86 : memref<20000020xf32, #tpu.memory_space<hbm>>) target(%arg114 : memref<512xf32, #tpu.memory_space<vmem>>) offsets(%arg57 : memref<512xi32, #tpu.memory_space<vmem>>) semaphore(%arg133 : memref<!tpu.dma_semaphore, #tpu.memory_space<semaphore_mem>>)
    %dma_start3A_87 = arith.constant 0 : i32
    %dma_start3A_88 = tpu.memref_slice %arg9[%dma_start3A_87] : memref<1700017xf32, #tpu.memory_space<hbm>> -> memref<1700017xf32, #tpu.memory_space<hbm>>
    tpu.enqueue_indirect_dma source(%dma_start3A_88 : memref<1700017xf32, #tpu.memory_space<hbm>>) target(%arg115 : memref<512xf32, #tpu.memory_space<vmem>>) offsets(%arg58 : memref<512xi32, #tpu.memory_space<vmem>>) semaphore(%arg133 : memref<!tpu.dma_semaphore, #tpu.memory_space<semaphore_mem>>)
    %dma_start3A_89 = arith.constant 0 : i32
    %dma_start3A_90 = tpu.memref_slice %arg9[%dma_start3A_89] : memref<1700017xf32, #tpu.memory_space<hbm>> -> memref<1700017xf32, #tpu.memory_space<hbm>>
    tpu.enqueue_indirect_dma source(%dma_start3A_90 : memref<1700017xf32, #tpu.memory_space<hbm>>) target(%arg116 : memref<512xf32, #tpu.memory_space<vmem>>) offsets(%arg59 : memref<512xi32, #tpu.memory_space<vmem>>) semaphore(%arg133 : memref<!tpu.dma_semaphore, #tpu.memory_space<semaphore_mem>>)
    %dma_start3A_91 = arith.constant 0 : i32
    %dma_start3A_92 = tpu.memref_slice %arg9[%dma_start3A_91] : memref<1700017xf32, #tpu.memory_space<hbm>> -> memref<1700017xf32, #tpu.memory_space<hbm>>
    tpu.enqueue_indirect_dma source(%dma_start3A_92 : memref<1700017xf32, #tpu.memory_space<hbm>>) target(%arg117 : memref<512xf32, #tpu.memory_space<vmem>>) offsets(%arg60 : memref<512xi32, #tpu.memory_space<vmem>>) semaphore(%arg133 : memref<!tpu.dma_semaphore, #tpu.memory_space<semaphore_mem>>)
    %dma_start3A_93 = arith.constant 0 : i32
    %dma_start3A_94 = tpu.memref_slice %arg9[%dma_start3A_93] : memref<1700017xf32, #tpu.memory_space<hbm>> -> memref<1700017xf32, #tpu.memory_space<hbm>>
    tpu.enqueue_indirect_dma source(%dma_start3A_94 : memref<1700017xf32, #tpu.memory_space<hbm>>) target(%arg118 : memref<512xf32, #tpu.memory_space<vmem>>) offsets(%arg61 : memref<512xi32, #tpu.memory_space<vmem>>) semaphore(%arg133 : memref<!tpu.dma_semaphore, #tpu.memory_space<semaphore_mem>>)
    %dma_start3A_95 = arith.constant 0 : i32
    %dma_start3A_96 = tpu.memref_slice %arg9[%dma_start3A_95] : memref<1700017xf32, #tpu.memory_space<hbm>> -> memref<1700017xf32, #tpu.memory_space<hbm>>
    tpu.enqueue_indirect_dma source(%dma_start3A_96 : memref<1700017xf32, #tpu.memory_space<hbm>>) target(%arg119 : memref<512xf32, #tpu.memory_space<vmem>>) offsets(%arg62 : memref<512xi32, #tpu.memory_space<vmem>>) semaphore(%arg133 : memref<!tpu.dma_semaphore, #tpu.memory_space<semaphore_mem>>)
    %dma_start3A_97 = arith.constant 0 : i32
    %dma_start3A_98 = tpu.memref_slice %arg9[%dma_start3A_97] : memref<1700017xf32, #tpu.memory_space<hbm>> -> memref<1700017xf32, #tpu.memory_space<hbm>>
    tpu.enqueue_indirect_dma source(%dma_start3A_98 : memref<1700017xf32, #tpu.memory_space<hbm>>) target(%arg120 : memref<512xf32, #tpu.memory_space<vmem>>) offsets(%arg63 : memref<512xi32, #tpu.memory_space<vmem>>) semaphore(%arg133 : memref<!tpu.dma_semaphore, #tpu.memory_space<semaphore_mem>>)
    %dma_start3A_99 = arith.constant 0 : i32
    %dma_start3A_100 = tpu.memref_slice %arg9[%dma_start3A_99] : memref<1700017xf32, #tpu.memory_space<hbm>> -> memref<1700017xf32, #tpu.memory_space<hbm>>
    tpu.enqueue_indirect_dma source(%dma_start3A_100 : memref<1700017xf32, #tpu.memory_space<hbm>>) target(%arg121 : memref<512xf32, #tpu.memory_space<vmem>>) offsets(%arg64 : memref<512xi32, #tpu.memory_space<vmem>>) semaphore(%arg133 : memref<!tpu.dma_semaphore, #tpu.memory_space<semaphore_mem>>)
    %dma_start3A_101 = arith.constant 0 : i32
    %dma_start3A_102 = tpu.memref_slice %arg9[%dma_start3A_101] : memref<1700017xf32, #tpu.memory_space<hbm>> -> memref<1700017xf32, #tpu.memory_space<hbm>>
    tpu.enqueue_indirect_dma source(%dma_start3A_102 : memref<1700017xf32, #tpu.memory_space<hbm>>) target(%arg122 : memref<512xf32, #tpu.memory_space<vmem>>) offsets(%arg65 : memref<512xi32, #tpu.memory_space<vmem>>) semaphore(%arg133 : memref<!tpu.dma_semaphore, #tpu.memory_space<semaphore_mem>>)
    %dma_start3A_103 = arith.constant 0 : i32
    %dma_start3A_104 = tpu.memref_slice %arg9[%dma_start3A_103] : memref<1700017xf32, #tpu.memory_space<hbm>> -> memref<1700017xf32, #tpu.memory_space<hbm>>
    tpu.enqueue_indirect_dma source(%dma_start3A_104 : memref<1700017xf32, #tpu.memory_space<hbm>>) target(%arg123 : memref<512xf32, #tpu.memory_space<vmem>>) offsets(%arg66 : memref<512xi32, #tpu.memory_space<vmem>>) semaphore(%arg133 : memref<!tpu.dma_semaphore, #tpu.memory_space<semaphore_mem>>)
    %dma_start3A_105 = arith.constant 0 : i32
    %dma_start3A_106 = tpu.memref_slice %arg9[%dma_start3A_105] : memref<1700017xf32, #tpu.memory_space<hbm>> -> memref<1700017xf32, #tpu.memory_space<hbm>>
    tpu.enqueue_indirect_dma source(%dma_start3A_106 : memref<1700017xf32, #tpu.memory_space<hbm>>) target(%arg124 : memref<512xf32, #tpu.memory_space<vmem>>) offsets(%arg67 : memref<512xi32, #tpu.memory_space<vmem>>) semaphore(%arg133 : memref<!tpu.dma_semaphore, #tpu.memory_space<semaphore_mem>>)
    %dma_start3A_107 = arith.constant 0 : i32
    %dma_start3A_108 = tpu.memref_slice %arg9[%dma_start3A_107] : memref<1700017xf32, #tpu.memory_space<hbm>> -> memref<1700017xf32, #tpu.memory_space<hbm>>
    tpu.enqueue_indirect_dma source(%dma_start3A_108 : memref<1700017xf32, #tpu.memory_space<hbm>>) target(%arg125 : memref<512xf32, #tpu.memory_space<vmem>>) offsets(%arg68 : memref<512xi32, #tpu.memory_space<vmem>>) semaphore(%arg133 : memref<!tpu.dma_semaphore, #tpu.memory_space<semaphore_mem>>)
    %dma_start3A_109 = arith.constant 0 : i32
    %dma_start3A_110 = tpu.memref_slice %arg9[%dma_start3A_109] : memref<1700017xf32, #tpu.memory_space<hbm>> -> memref<1700017xf32, #tpu.memory_space<hbm>>
    tpu.enqueue_indirect_dma source(%dma_start3A_110 : memref<1700017xf32, #tpu.memory_space<hbm>>) target(%arg126 : memref<512xf32, #tpu.memory_space<vmem>>) offsets(%arg69 : memref<512xi32, #tpu.memory_space<vmem>>) semaphore(%arg133 : memref<!tpu.dma_semaphore, #tpu.memory_space<semaphore_mem>>)
    %dma_start3A_111 = arith.constant 0 : i32
    %dma_start3A_112 = tpu.memref_slice %arg9[%dma_start3A_111] : memref<1700017xf32, #tpu.memory_space<hbm>> -> memref<1700017xf32, #tpu.memory_space<hbm>>
    tpu.enqueue_indirect_dma source(%dma_start3A_112 : memref<1700017xf32, #tpu.memory_space<hbm>>) target(%arg127 : memref<512xf32, #tpu.memory_space<vmem>>) offsets(%arg70 : memref<512xi32, #tpu.memory_space<vmem>>) semaphore(%arg133 : memref<!tpu.dma_semaphore, #tpu.memory_space<semaphore_mem>>)
    %dma_start3A_113 = arith.constant 0 : i32
    %dma_start3A_114 = tpu.memref_slice %arg9[%dma_start3A_113] : memref<1700017xf32, #tpu.memory_space<hbm>> -> memref<1700017xf32, #tpu.memory_space<hbm>>
    tpu.enqueue_indirect_dma source(%dma_start3A_114 : memref<1700017xf32, #tpu.memory_space<hbm>>) target(%arg128 : memref<512xf32, #tpu.memory_space<vmem>>) offsets(%arg71 : memref<512xi32, #tpu.memory_space<vmem>>) semaphore(%arg133 : memref<!tpu.dma_semaphore, #tpu.memory_space<semaphore_mem>>)
    %dma_start3A_115 = arith.constant 0 : i32
    %dma_start3A_116 = tpu.memref_slice %arg9[%dma_start3A_115] : memref<1700017xf32, #tpu.memory_space<hbm>> -> memref<1700017xf32, #tpu.memory_space<hbm>>
    tpu.enqueue_indirect_dma source(%dma_start3A_116 : memref<1700017xf32, #tpu.memory_space<hbm>>) target(%arg129 : memref<512xf32, #tpu.memory_space<vmem>>) offsets(%arg72 : memref<512xi32, #tpu.memory_space<vmem>>) semaphore(%arg133 : memref<!tpu.dma_semaphore, #tpu.memory_space<semaphore_mem>>)
    %dma_start3A_117 = arith.constant 0 : i32
    %dma_start3A_118 = tpu.memref_slice %arg9[%dma_start3A_117] : memref<1700017xf32, #tpu.memory_space<hbm>> -> memref<1700017xf32, #tpu.memory_space<hbm>>
    tpu.enqueue_indirect_dma source(%dma_start3A_118 : memref<1700017xf32, #tpu.memory_space<hbm>>) target(%arg130 : memref<512xf32, #tpu.memory_space<vmem>>) offsets(%arg73 : memref<512xi32, #tpu.memory_space<vmem>>) semaphore(%arg133 : memref<!tpu.dma_semaphore, #tpu.memory_space<semaphore_mem>>)
    %dma_start3A_119 = arith.constant 0 : i32
    %dma_start3A_120 = tpu.memref_slice %arg9[%dma_start3A_119] : memref<1700017xf32, #tpu.memory_space<hbm>> -> memref<1700017xf32, #tpu.memory_space<hbm>>
    tpu.enqueue_indirect_dma source(%dma_start3A_120 : memref<1700017xf32, #tpu.memory_space<hbm>>) target(%arg131 : memref<512xf32, #tpu.memory_space<vmem>>) offsets(%arg74 : memref<512xi32, #tpu.memory_space<vmem>>) semaphore(%arg133 : memref<!tpu.dma_semaphore, #tpu.memory_space<semaphore_mem>>)
    "tpu.region"() ({
      %run_scoped3A = tpu.sem_alloc : memref<!tpu.dma_semaphore, #tpu.memory_space<semaphore_mem>>
      %dma_start3A_246 = tpu.memref_slice %arg6[%mul3A_2] : memref<16384xf32, #tpu.memory_space<hbm>> -> memref<512xf32, #tpu.memory_space<hbm>>
      %dma_start3A_247 = tpu.memref_slice %arg6[%mul3A_2] : memref<16384xf32, #tpu.memory_space<hbm>> -> memref<512xf32, #tpu.memory_space<hbm>>
      tpu.enqueue_dma source(%dma_start3A_247 : memref<512xf32, #tpu.memory_space<hbm>>) target(%arg17 : memref<512xf32, #tpu.memory_space<vmem>>) target_semaphore(%run_scoped3A : memref<!tpu.dma_semaphore, #tpu.memory_space<semaphore_mem>>)
      %dma_wait3A_248 = tpu.memref_slice %arg6[%mul3A_2] : memref<16384xf32, #tpu.memory_space<hbm>> -> memref<512xf32, #tpu.memory_space<hbm>>
      %dma_wait3A_249 = tpu.memref_slice %arg6[%mul3A_2] : memref<16384xf32, #tpu.memory_space<hbm>> -> memref<512xf32, #tpu.memory_space<hbm>>
      tpu.wait_dma2 semaphore(%run_scoped3A : memref<!tpu.dma_semaphore, #tpu.memory_space<semaphore_mem>>) src(%dma_wait3A_249 : memref<512xf32, #tpu.memory_space<hbm>>) dst(%arg17 : memref<512xf32, #tpu.memory_space<vmem>>)
      tpu.yield
    }) : () -> ()
    %scan3A_121 = arith.constant 0 : i32
    %scan3A_122 = arith.constant 0 : i32
    %scan3A_123 = arith.constant 32 : i32
    %scan3A_124 = arith.addi %scan3A_122, %scan3A_123 : i32
    %scan3A_125 = arith.constant 1 : i32
    scf.for %scan3A_246 = %scan3A_122 to %scan3A_124 step %scan3A_125  : i32 {
      %mul3A_247 = arith.constant 16 : i32
      %mul3A_248 = arith.muli %scan3A_246, %mul3A_247 : i32
      %get3A = arith.index_cast %mul3A_248 : i32 to index
      %get3A_249 = tpu.vector_load %arg15[%get3A] {strides = array<i32>} : memref<512xi32, #tpu.memory_space<vmem>>, vector<16xi32>,
      %mul3A_250 = arith.constant 7 : i32
      %mul3A_251 = vector.broadcast %mul3A_250 : i32 to vector<16xi32>
      %mul3A_252 = arith.muli %get3A_249, %mul3A_251 : vector<16xi32>
      %add3A_253 = arith.constant 0 : i32
      %add3A_254 = vector.broadcast %add3A_253 : i32 to vector<16xi32>
      %add3A_255 = arith.addi %mul3A_252, %add3A_254 : vector<16xi32>
      %gather3A = tpu.vector_load_idx %arg16[%add3A_255] : memref<707xf32, #tpu.memory_space<vmem>>[vector<16xi32>], vector<16xf32>,
      %swap3A = arith.constant 57 : i32
      %swap3A_256 = arith.index_cast %swap3A : i32 to index
      %swap3A_257 = arith.index_cast %mul3A_248 : i32 to index
      %swap3A_258 = tpu.vector_load %arg132[%swap3A_256, %swap3A_257] {strides = array<i32>} : memref<65x512xf32, #tpu.memory_space<vmem>>, vector<16xf32>,
      tpu.vector_store %arg132[%swap3A_256, %swap3A_257], %gather3A {strides = array<i32>} : memref<65x512xf32, #tpu.memory_space<vmem>>, vector<16xf32>,
      %add3A_259 = arith.constant 1 : i32
      %add3A_260 = vector.broadcast %add3A_259 : i32 to vector<16xi32>
      %add3A_261 = arith.addi %mul3A_252, %add3A_260 : vector<16xi32>
      %gather3A_262 = tpu.vector_load_idx %arg16[%add3A_261] : memref<707xf32, #tpu.memory_space<vmem>>[vector<16xi32>], vector<16xf32>,
      %swap3A_263 = arith.constant 58 : i32
      %swap3A_264 = arith.index_cast %swap3A_263 : i32 to index
      %swap3A_265 = arith.index_cast %mul3A_248 : i32 to index
      %swap3A_266 = tpu.vector_load %arg132[%swap3A_264, %swap3A_265] {strides = array<i32>} : memref<65x512xf32, #tpu.memory_space<vmem>>, vector<16xf32>,
      tpu.vector_store %arg132[%swap3A_264, %swap3A_265], %gather3A_262 {strides = array<i32>} : memref<65x512xf32, #tpu.memory_space<vmem>>, vector<16xf32>,
      %add3A_267 = arith.constant 2 : i32
      %add3A_268 = vector.broadcast %add3A_267 : i32 to vector<16xi32>
      %add3A_269 = arith.addi %mul3A_252, %add3A_268 : vector<16xi32>
      %gather3A_270 = tpu.vector_load_idx %arg16[%add3A_269] : memref<707xf32, #tpu.memory_space<vmem>>[vector<16xi32>], vector<16xf32>,
      %swap3A_271 = arith.constant 59 : i32
      %swap3A_272 = arith.index_cast %swap3A_271 : i32 to index
      %swap3A_273 = arith.index_cast %mul3A_248 : i32 to index
      %swap3A_274 = tpu.vector_load %arg132[%swap3A_272, %swap3A_273] {strides = array<i32>} : memref<65x512xf32, #tpu.memory_space<vmem>>, vector<16xf32>,
      tpu.vector_store %arg132[%swap3A_272, %swap3A_273], %gather3A_270 {strides = array<i32>} : memref<65x512xf32, #tpu.memory_space<vmem>>, vector<16xf32>,
      %add3A_275 = arith.constant 3 : i32
      %add3A_276 = vector.broadcast %add3A_275 : i32 to vector<16xi32>
      %add3A_277 = arith.addi %mul3A_252, %add3A_276 : vector<16xi32>
      %gather3A_278 = tpu.vector_load_idx %arg16[%add3A_277] : memref<707xf32, #tpu.memory_space<vmem>>[vector<16xi32>], vector<16xf32>,
      %swap3A_279 = arith.constant 60 : i32
      %swap3A_280 = arith.index_cast %swap3A_279 : i32 to index
      %swap3A_281 = arith.index_cast %mul3A_248 : i32 to index
      %swap3A_282 = tpu.vector_load %arg132[%swap3A_280, %swap3A_281] {strides = array<i32>} : memref<65x512xf32, #tpu.memory_space<vmem>>, vector<16xf32>,
      tpu.vector_store %arg132[%swap3A_280, %swap3A_281], %gather3A_278 {strides = array<i32>} : memref<65x512xf32, #tpu.memory_space<vmem>>, vector<16xf32>,
      %add3A_283 = arith.constant 4 : i32
      %add3A_284 = vector.broadcast %add3A_283 : i32 to vector<16xi32>
      %add3A_285 = arith.addi %mul3A_252, %add3A_284 : vector<16xi32>
      %gather3A_286 = tpu.vector_load_idx %arg16[%add3A_285] : memref<707xf32, #tpu.memory_space<vmem>>[vector<16xi32>], vector<16xf32>,
      %swap3A_287 = arith.constant 61 : i32
      %swap3A_288 = arith.index_cast %swap3A_287 : i32 to index
      %swap3A_289 = arith.index_cast %mul3A_248 : i32 to index
      %swap3A_290 = tpu.vector_load %arg132[%swap3A_288, %swap3A_289] {strides = array<i32>} : memref<65x512xf32, #tpu.memory_space<vmem>>, vector<16xf32>,
      tpu.vector_store %arg132[%swap3A_288, %swap3A_289], %gather3A_286 {strides = array<i32>} : memref<65x512xf32, #tpu.memory_space<vmem>>, vector<16xf32>,
      %add3A_291 = arith.constant 5 : i32
      %add3A_292 = vector.broadcast %add3A_291 : i32 to vector<16xi32>
      %add3A_293 = arith.addi %mul3A_252, %add3A_292 : vector<16xi32>
      %gather3A_294 = tpu.vector_load_idx %arg16[%add3A_293] : memref<707xf32, #tpu.memory_space<vmem>>[vector<16xi32>], vector<16xf32>,
      %swap3A_295 = arith.constant 62 : i32
      %swap3A_296 = arith.index_cast %swap3A_295 : i32 to index
      %swap3A_297 = arith.index_cast %mul3A_248 : i32 to index
      %swap3A_298 = tpu.vector_load %arg132[%swap3A_296, %swap3A_297] {strides = array<i32>} : memref<65x512xf32, #tpu.memory_space<vmem>>, vector<16xf32>,
      tpu.vector_store %arg132[%swap3A_296, %swap3A_297], %gather3A_294 {strides = array<i32>} : memref<65x512xf32, #tpu.memory_space<vmem>>, vector<16xf32>,
      %add3A_299 = arith.constant 6 : i32
      %add3A_300 = vector.broadcast %add3A_299 : i32 to vector<16xi32>
      %add3A_301 = arith.addi %mul3A_252, %add3A_300 : vector<16xi32>
      %gather3A_302 = tpu.vector_load_idx %arg16[%add3A_301] : memref<707xf32, #tpu.memory_space<vmem>>[vector<16xi32>], vector<16xf32>,
      %swap3A_303 = arith.constant 63 : i32
      %swap3A_304 = arith.index_cast %swap3A_303 : i32 to index
      %swap3A_305 = arith.index_cast %mul3A_248 : i32 to index
      %swap3A_306 = tpu.vector_load %arg132[%swap3A_304, %swap3A_305] {strides = array<i32>} : memref<65x512xf32, #tpu.memory_space<vmem>>, vector<16xf32>,
      tpu.vector_store %arg132[%swap3A_304, %swap3A_305], %gather3A_302 {strides = array<i32>} : memref<65x512xf32, #tpu.memory_space<vmem>>, vector<16xf32>,
      %get3A_307 = arith.index_cast %mul3A_248 : i32 to index
      %get3A_308 = tpu.vector_load %arg17[%get3A_307] {strides = array<i32>} : memref<512xf32, #tpu.memory_space<vmem>>, vector<16xf32>,
      %swap3A_309 = arith.constant 64 : i32
      %swap3A_310 = arith.index_cast %swap3A_309 : i32 to index
      %swap3A_311 = arith.index_cast %mul3A_248 : i32 to index
      %swap3A_312 = tpu.vector_load %arg132[%swap3A_310, %swap3A_311] {strides = array<i32>} : memref<65x512xf32, #tpu.memory_space<vmem>>, vector<16xf32>,
      tpu.vector_store %arg132[%swap3A_310, %swap3A_311], %get3A_308 {strides = array<i32>} : memref<65x512xf32, #tpu.memory_space<vmem>>, vector<16xf32>,
    }
    %scan3A_126 = arith.constant 32 : i32
    %dma_wait3A = arith.constant 0 : i32
    %dma_wait3A_127 = tpu.memref_slice %arg7[%dma_wait3A] : memref<20000020xf32, #tpu.memory_space<hbm>> -> memref<20000020xf32, #tpu.memory_space<hbm>>
    tpu.wait_indirect_dma semaphore(%arg133 : memref<!tpu.dma_semaphore, #tpu.memory_space<semaphore_mem>>) src(%dma_wait3A_127 : memref<20000020xf32, #tpu.memory_space<hbm>>) dst(%arg75 : memref<512xf32, #tpu.memory_space<vmem>>)
    %dma_wait3A_128 = arith.constant 0 : i32
    %dma_wait3A_129 = tpu.memref_slice %arg7[%dma_wait3A_128] : memref<20000020xf32, #tpu.memory_space<hbm>> -> memref<20000020xf32, #tpu.memory_space<hbm>>
    tpu.wait_indirect_dma semaphore(%arg133 : memref<!tpu.dma_semaphore, #tpu.memory_space<semaphore_mem>>) src(%dma_wait3A_129 : memref<20000020xf32, #tpu.memory_space<hbm>>) dst(%arg76 : memref<512xf32, #tpu.memory_space<vmem>>)
    %dma_wait3A_130 = arith.constant 0 : i32
    %dma_wait3A_131 = tpu.memref_slice %arg7[%dma_wait3A_130] : memref<20000020xf32, #tpu.memory_space<hbm>> -> memref<20000020xf32, #tpu.memory_space<hbm>>
    tpu.wait_indirect_dma semaphore(%arg133 : memref<!tpu.dma_semaphore, #tpu.memory_space<semaphore_mem>>) src(%dma_wait3A_131 : memref<20000020xf32, #tpu.memory_space<hbm>>) dst(%arg77 : memref<512xf32, #tpu.memory_space<vmem>>)
    %dma_wait3A_132 = arith.constant 0 : i32
    %dma_wait3A_133 = tpu.memref_slice %arg7[%dma_wait3A_132] : memref<20000020xf32, #tpu.memory_space<hbm>> -> memref<20000020xf32, #tpu.memory_space<hbm>>
    tpu.wait_indirect_dma semaphore(%arg133 : memref<!tpu.dma_semaphore, #tpu.memory_space<semaphore_mem>>) src(%dma_wait3A_133 : memref<20000020xf32, #tpu.memory_space<hbm>>) dst(%arg78 : memref<512xf32, #tpu.memory_space<vmem>>)
    %dma_wait3A_134 = arith.constant 0 : i32
    %dma_wait3A_135 = tpu.memref_slice %arg7[%dma_wait3A_134] : memref<20000020xf32, #tpu.memory_space<hbm>> -> memref<20000020xf32, #tpu.memory_space<hbm>>
    tpu.wait_indirect_dma semaphore(%arg133 : memref<!tpu.dma_semaphore, #tpu.memory_space<semaphore_mem>>) src(%dma_wait3A_135 : memref<20000020xf32, #tpu.memory_space<hbm>>) dst(%arg79 : memref<512xf32, #tpu.memory_space<vmem>>)
    %dma_wait3A_136 = arith.constant 0 : i32
    %dma_wait3A_137 = tpu.memref_slice %arg7[%dma_wait3A_136] : memref<20000020xf32, #tpu.memory_space<hbm>> -> memref<20000020xf32, #tpu.memory_space<hbm>>
    tpu.wait_indirect_dma semaphore(%arg133 : memref<!tpu.dma_semaphore, #tpu.memory_space<semaphore_mem>>) src(%dma_wait3A_137 : memref<20000020xf32, #tpu.memory_space<hbm>>) dst(%arg80 : memref<512xf32, #tpu.memory_space<vmem>>)
    %dma_wait3A_138 = arith.constant 0 : i32
    %dma_wait3A_139 = tpu.memref_slice %arg7[%dma_wait3A_138] : memref<20000020xf32, #tpu.memory_space<hbm>> -> memref<20000020xf32, #tpu.memory_space<hbm>>
    tpu.wait_indirect_dma semaphore(%arg133 : memref<!tpu.dma_semaphore, #tpu.memory_space<semaphore_mem>>) src(%dma_wait3A_139 : memref<20000020xf32, #tpu.memory_space<hbm>>) dst(%arg81 : memref<512xf32, #tpu.memory_space<vmem>>)
    %dma_wait3A_140 = arith.constant 0 : i32
    %dma_wait3A_141 = tpu.memref_slice %arg7[%dma_wait3A_140] : memref<20000020xf32, #tpu.memory_space<hbm>> -> memref<20000020xf32, #tpu.memory_space<hbm>>
    tpu.wait_indirect_dma semaphore(%arg133 : memref<!tpu.dma_semaphore, #tpu.memory_space<semaphore_mem>>) src(%dma_wait3A_141 : memref<20000020xf32, #tpu.memory_space<hbm>>) dst(%arg82 : memref<512xf32, #tpu.memory_space<vmem>>)
    %dma_wait3A_142 = arith.constant 0 : i32
    %dma_wait3A_143 = tpu.memref_slice %arg7[%dma_wait3A_142] : memref<20000020xf32, #tpu.memory_space<hbm>> -> memref<20000020xf32, #tpu.memory_space<hbm>>
    tpu.wait_indirect_dma semaphore(%arg133 : memref<!tpu.dma_semaphore, #tpu.memory_space<semaphore_mem>>) src(%dma_wait3A_143 : memref<20000020xf32, #tpu.memory_space<hbm>>) dst(%arg83 : memref<512xf32, #tpu.memory_space<vmem>>)
    %dma_wait3A_144 = arith.constant 0 : i32
    %dma_wait3A_145 = tpu.memref_slice %arg7[%dma_wait3A_144] : memref<20000020xf32, #tpu.memory_space<hbm>> -> memref<20000020xf32, #tpu.memory_space<hbm>>
    tpu.wait_indirect_dma semaphore(%arg133 : memref<!tpu.dma_semaphore, #tpu.memory_space<semaphore_mem>>) src(%dma_wait3A_145 : memref<20000020xf32, #tpu.memory_space<hbm>>) dst(%arg84 : memref<512xf32, #tpu.memory_space<vmem>>)
    %dma_wait3A_146 = arith.constant 0 : i32
    %dma_wait3A_147 = tpu.memref_slice %arg7[%dma_wait3A_146] : memref<20000020xf32, #tpu.memory_space<hbm>> -> memref<20000020xf32, #tpu.memory_space<hbm>>
    tpu.wait_indirect_dma semaphore(%arg133 : memref<!tpu.dma_semaphore, #tpu.memory_space<semaphore_mem>>) src(%dma_wait3A_147 : memref<20000020xf32, #tpu.memory_space<hbm>>) dst(%arg85 : memref<512xf32, #tpu.memory_space<vmem>>)
    %dma_wait3A_148 = arith.constant 0 : i32
    %dma_wait3A_149 = tpu.memref_slice %arg7[%dma_wait3A_148] : memref<20000020xf32, #tpu.memory_space<hbm>> -> memref<20000020xf32, #tpu.memory_space<hbm>>
    tpu.wait_indirect_dma semaphore(%arg133 : memref<!tpu.dma_semaphore, #tpu.memory_space<semaphore_mem>>) src(%dma_wait3A_149 : memref<20000020xf32, #tpu.memory_space<hbm>>) dst(%arg86 : memref<512xf32, #tpu.memory_space<vmem>>)
    %dma_wait3A_150 = arith.constant 0 : i32
    %dma_wait3A_151 = tpu.memref_slice %arg7[%dma_wait3A_150] : memref<20000020xf32, #tpu.memory_space<hbm>> -> memref<20000020xf32, #tpu.memory_space<hbm>>
    tpu.wait_indirect_dma semaphore(%arg133 : memref<!tpu.dma_semaphore, #tpu.memory_space<semaphore_mem>>) src(%dma_wait3A_151 : memref<20000020xf32, #tpu.memory_space<hbm>>) dst(%arg87 : memref<512xf32, #tpu.memory_space<vmem>>)
    %dma_wait3A_152 = arith.constant 0 : i32
    %dma_wait3A_153 = tpu.memref_slice %arg7[%dma_wait3A_152] : memref<20000020xf32, #tpu.memory_space<hbm>> -> memref<20000020xf32, #tpu.memory_space<hbm>>
    tpu.wait_indirect_dma semaphore(%arg133 : memref<!tpu.dma_semaphore, #tpu.memory_space<semaphore_mem>>) src(%dma_wait3A_153 : memref<20000020xf32, #tpu.memory_space<hbm>>) dst(%arg88 : memref<512xf32, #tpu.memory_space<vmem>>)
    %dma_wait3A_154 = arith.constant 0 : i32
    %dma_wait3A_155 = tpu.memref_slice %arg7[%dma_wait3A_154] : memref<20000020xf32, #tpu.memory_space<hbm>> -> memref<20000020xf32, #tpu.memory_space<hbm>>
    tpu.wait_indirect_dma semaphore(%arg133 : memref<!tpu.dma_semaphore, #tpu.memory_space<semaphore_mem>>) src(%dma_wait3A_155 : memref<20000020xf32, #tpu.memory_space<hbm>>) dst(%arg89 : memref<512xf32, #tpu.memory_space<vmem>>)
    %dma_wait3A_156 = arith.constant 0 : i32
    %dma_wait3A_157 = tpu.memref_slice %arg7[%dma_wait3A_156] : memref<20000020xf32, #tpu.memory_space<hbm>> -> memref<20000020xf32, #tpu.memory_space<hbm>>
    tpu.wait_indirect_dma semaphore(%arg133 : memref<!tpu.dma_semaphore, #tpu.memory_space<semaphore_mem>>) src(%dma_wait3A_157 : memref<20000020xf32, #tpu.memory_space<hbm>>) dst(%arg90 : memref<512xf32, #tpu.memory_space<vmem>>)
    %dma_wait3A_158 = arith.constant 0 : i32
    %dma_wait3A_159 = tpu.memref_slice %arg7[%dma_wait3A_158] : memref<20000020xf32, #tpu.memory_space<hbm>> -> memref<20000020xf32, #tpu.memory_space<hbm>>
    tpu.wait_indirect_dma semaphore(%arg133 : memref<!tpu.dma_semaphore, #tpu.memory_space<semaphore_mem>>) src(%dma_wait3A_159 : memref<20000020xf32, #tpu.memory_space<hbm>>) dst(%arg91 : memref<512xf32, #tpu.memory_space<vmem>>)
    %dma_wait3A_160 = arith.constant 0 : i32
    %dma_wait3A_161 = tpu.memref_slice %arg7[%dma_wait3A_160] : memref<20000020xf32, #tpu.memory_space<hbm>> -> memref<20000020xf32, #tpu.memory_space<hbm>>
    tpu.wait_indirect_dma semaphore(%arg133 : memref<!tpu.dma_semaphore, #tpu.memory_space<semaphore_mem>>) src(%dma_wait3A_161 : memref<20000020xf32, #tpu.memory_space<hbm>>) dst(%arg92 : memref<512xf32, #tpu.memory_space<vmem>>)
    %dma_wait3A_162 = arith.constant 0 : i32
    %dma_wait3A_163 = tpu.memref_slice %arg7[%dma_wait3A_162] : memref<20000020xf32, #tpu.memory_space<hbm>> -> memref<20000020xf32, #tpu.memory_space<hbm>>
    tpu.wait_indirect_dma semaphore(%arg133 : memref<!tpu.dma_semaphore, #tpu.memory_space<semaphore_mem>>) src(%dma_wait3A_163 : memref<20000020xf32, #tpu.memory_space<hbm>>) dst(%arg93 : memref<512xf32, #tpu.memory_space<vmem>>)
    %dma_wait3A_164 = arith.constant 0 : i32
    %dma_wait3A_165 = tpu.memref_slice %arg7[%dma_wait3A_164] : memref<20000020xf32, #tpu.memory_space<hbm>> -> memref<20000020xf32, #tpu.memory_space<hbm>>
    tpu.wait_indirect_dma semaphore(%arg133 : memref<!tpu.dma_semaphore, #tpu.memory_space<semaphore_mem>>) src(%dma_wait3A_165 : memref<20000020xf32, #tpu.memory_space<hbm>>) dst(%arg94 : memref<512xf32, #tpu.memory_space<vmem>>)
    %dma_wait3A_166 = arith.constant 0 : i32
    %dma_wait3A_167 = tpu.memref_slice %arg8[%dma_wait3A_166] : memref<20000020xf32, #tpu.memory_space<hbm>> -> memref<20000020xf32, #tpu.memory_space<hbm>>
    tpu.wait_indirect_dma semaphore(%arg133 : memref<!tpu.dma_semaphore, #tpu.memory_space<semaphore_mem>>) src(%dma_wait3A_167 : memref<20000020xf32, #tpu.memory_space<hbm>>) dst(%arg95 : memref<512xf32, #tpu.memory_space<vmem>>)
    %dma_wait3A_168 = arith.constant 0 : i32
    %dma_wait3A_169 = tpu.memref_slice %arg8[%dma_wait3A_168] : memref<20000020xf32, #tpu.memory_space<hbm>> -> memref<20000020xf32, #tpu.memory_space<hbm>>
    tpu.wait_indirect_dma semaphore(%arg133 : memref<!tpu.dma_semaphore, #tpu.memory_space<semaphore_mem>>) src(%dma_wait3A_169 : memref<20000020xf32, #tpu.memory_space<hbm>>) dst(%arg96 : memref<512xf32, #tpu.memory_space<vmem>>)
    %dma_wait3A_170 = arith.constant 0 : i32
    %dma_wait3A_171 = tpu.memref_slice %arg8[%dma_wait3A_170] : memref<20000020xf32, #tpu.memory_space<hbm>> -> memref<20000020xf32, #tpu.memory_space<hbm>>
    tpu.wait_indirect_dma semaphore(%arg133 : memref<!tpu.dma_semaphore, #tpu.memory_space<semaphore_mem>>) src(%dma_wait3A_171 : memref<20000020xf32, #tpu.memory_space<hbm>>) dst(%arg97 : memref<512xf32, #tpu.memory_space<vmem>>)
    %dma_wait3A_172 = arith.constant 0 : i32
    %dma_wait3A_173 = tpu.memref_slice %arg8[%dma_wait3A_172] : memref<20000020xf32, #tpu.memory_space<hbm>> -> memref<20000020xf32, #tpu.memory_space<hbm>>
    tpu.wait_indirect_dma semaphore(%arg133 : memref<!tpu.dma_semaphore, #tpu.memory_space<semaphore_mem>>) src(%dma_wait3A_173 : memref<20000020xf32, #tpu.memory_space<hbm>>) dst(%arg98 : memref<512xf32, #tpu.memory_space<vmem>>)
    %dma_wait3A_174 = arith.constant 0 : i32
    %dma_wait3A_175 = tpu.memref_slice %arg8[%dma_wait3A_174] : memref<20000020xf32, #tpu.memory_space<hbm>> -> memref<20000020xf32, #tpu.memory_space<hbm>>
    tpu.wait_indirect_dma semaphore(%arg133 : memref<!tpu.dma_semaphore, #tpu.memory_space<semaphore_mem>>) src(%dma_wait3A_175 : memref<20000020xf32, #tpu.memory_space<hbm>>) dst(%arg99 : memref<512xf32, #tpu.memory_space<vmem>>)
    %dma_wait3A_176 = arith.constant 0 : i32
    %dma_wait3A_177 = tpu.memref_slice %arg8[%dma_wait3A_176] : memref<20000020xf32, #tpu.memory_space<hbm>> -> memref<20000020xf32, #tpu.memory_space<hbm>>
    tpu.wait_indirect_dma semaphore(%arg133 : memref<!tpu.dma_semaphore, #tpu.memory_space<semaphore_mem>>) src(%dma_wait3A_177 : memref<20000020xf32, #tpu.memory_space<hbm>>) dst(%arg100 : memref<512xf32, #tpu.memory_space<vmem>>)
    %dma_wait3A_178 = arith.constant 0 : i32
    %dma_wait3A_179 = tpu.memref_slice %arg8[%dma_wait3A_178] : memref<20000020xf32, #tpu.memory_space<hbm>> -> memref<20000020xf32, #tpu.memory_space<hbm>>
    tpu.wait_indirect_dma semaphore(%arg133 : memref<!tpu.dma_semaphore, #tpu.memory_space<semaphore_mem>>) src(%dma_wait3A_179 : memref<20000020xf32, #tpu.memory_space<hbm>>) dst(%arg101 : memref<512xf32, #tpu.memory_space<vmem>>)
    %dma_wait3A_180 = arith.constant 0 : i32
    %dma_wait3A_181 = tpu.memref_slice %arg8[%dma_wait3A_180] : memref<20000020xf32, #tpu.memory_space<hbm>> -> memref<20000020xf32, #tpu.memory_space<hbm>>
    tpu.wait_indirect_dma semaphore(%arg133 : memref<!tpu.dma_semaphore, #tpu.memory_space<semaphore_mem>>) src(%dma_wait3A_181 : memref<20000020xf32, #tpu.memory_space<hbm>>) dst(%arg102 : memref<512xf32, #tpu.memory_space<vmem>>)
    %dma_wait3A_182 = arith.constant 0 : i32
    %dma_wait3A_183 = tpu.memref_slice %arg8[%dma_wait3A_182] : memref<20000020xf32, #tpu.memory_space<hbm>> -> memref<20000020xf32, #tpu.memory_space<hbm>>
    tpu.wait_indirect_dma semaphore(%arg133 : memref<!tpu.dma_semaphore, #tpu.memory_space<semaphore_mem>>) src(%dma_wait3A_183 : memref<20000020xf32, #tpu.memory_space<hbm>>) dst(%arg103 : memref<512xf32, #tpu.memory_space<vmem>>)
    %dma_wait3A_184 = arith.constant 0 : i32
    %dma_wait3A_185 = tpu.memref_slice %arg8[%dma_wait3A_184] : memref<20000020xf32, #tpu.memory_space<hbm>> -> memref<20000020xf32, #tpu.memory_space<hbm>>
    tpu.wait_indirect_dma semaphore(%arg133 : memref<!tpu.dma_semaphore, #tpu.memory_space<semaphore_mem>>) src(%dma_wait3A_185 : memref<20000020xf32, #tpu.memory_space<hbm>>) dst(%arg104 : memref<512xf32, #tpu.memory_space<vmem>>)
    %dma_wait3A_186 = arith.constant 0 : i32
    %dma_wait3A_187 = tpu.memref_slice %arg8[%dma_wait3A_186] : memref<20000020xf32, #tpu.memory_space<hbm>> -> memref<20000020xf32, #tpu.memory_space<hbm>>
    tpu.wait_indirect_dma semaphore(%arg133 : memref<!tpu.dma_semaphore, #tpu.memory_space<semaphore_mem>>) src(%dma_wait3A_187 : memref<20000020xf32, #tpu.memory_space<hbm>>) dst(%arg105 : memref<512xf32, #tpu.memory_space<vmem>>)
    %dma_wait3A_188 = arith.constant 0 : i32
    %dma_wait3A_189 = tpu.memref_slice %arg8[%dma_wait3A_188] : memref<20000020xf32, #tpu.memory_space<hbm>> -> memref<20000020xf32, #tpu.memory_space<hbm>>
    tpu.wait_indirect_dma semaphore(%arg133 : memref<!tpu.dma_semaphore, #tpu.memory_space<semaphore_mem>>) src(%dma_wait3A_189 : memref<20000020xf32, #tpu.memory_space<hbm>>) dst(%arg106 : memref<512xf32, #tpu.memory_space<vmem>>)
    %dma_wait3A_190 = arith.constant 0 : i32
    %dma_wait3A_191 = tpu.memref_slice %arg8[%dma_wait3A_190] : memref<20000020xf32, #tpu.memory_space<hbm>> -> memref<20000020xf32, #tpu.memory_space<hbm>>
    tpu.wait_indirect_dma semaphore(%arg133 : memref<!tpu.dma_semaphore, #tpu.memory_space<semaphore_mem>>) src(%dma_wait3A_191 : memref<20000020xf32, #tpu.memory_space<hbm>>) dst(%arg107 : memref<512xf32, #tpu.memory_space<vmem>>)
    %dma_wait3A_192 = arith.constant 0 : i32
    %dma_wait3A_193 = tpu.memref_slice %arg8[%dma_wait3A_192] : memref<20000020xf32, #tpu.memory_space<hbm>> -> memref<20000020xf32, #tpu.memory_space<hbm>>
    tpu.wait_indirect_dma semaphore(%arg133 : memref<!tpu.dma_semaphore, #tpu.memory_space<semaphore_mem>>) src(%dma_wait3A_193 : memref<20000020xf32, #tpu.memory_space<hbm>>) dst(%arg108 : memref<512xf32, #tpu.memory_space<vmem>>)
    %dma_wait3A_194 = arith.constant 0 : i32
    %dma_wait3A_195 = tpu.memref_slice %arg8[%dma_wait3A_194] : memref<20000020xf32, #tpu.memory_space<hbm>> -> memref<20000020xf32, #tpu.memory_space<hbm>>
    tpu.wait_indirect_dma semaphore(%arg133 : memref<!tpu.dma_semaphore, #tpu.memory_space<semaphore_mem>>) src(%dma_wait3A_195 : memref<20000020xf32, #tpu.memory_space<hbm>>) dst(%arg109 : memref<512xf32, #tpu.memory_space<vmem>>)
    %dma_wait3A_196 = arith.constant 0 : i32
    %dma_wait3A_197 = tpu.memref_slice %arg8[%dma_wait3A_196] : memref<20000020xf32, #tpu.memory_space<hbm>> -> memref<20000020xf32, #tpu.memory_space<hbm>>
    tpu.wait_indirect_dma semaphore(%arg133 : memref<!tpu.dma_semaphore, #tpu.memory_space<semaphore_mem>>) src(%dma_wait3A_197 : memref<20000020xf32, #tpu.memory_space<hbm>>) dst(%arg110 : memref<512xf32, #tpu.memory_space<vmem>>)
    %dma_wait3A_198 = arith.constant 0 : i32
    %dma_wait3A_199 = tpu.memref_slice %arg8[%dma_wait3A_198] : memref<20000020xf32, #tpu.memory_space<hbm>> -> memref<20000020xf32, #tpu.memory_space<hbm>>
    tpu.wait_indirect_dma semaphore(%arg133 : memref<!tpu.dma_semaphore, #tpu.memory_space<semaphore_mem>>) src(%dma_wait3A_199 : memref<20000020xf32, #tpu.memory_space<hbm>>) dst(%arg111 : memref<512xf32, #tpu.memory_space<vmem>>)
    %dma_wait3A_200 = arith.constant 0 : i32
    %dma_wait3A_201 = tpu.memref_slice %arg8[%dma_wait3A_200] : memref<20000020xf32, #tpu.memory_space<hbm>> -> memref<20000020xf32, #tpu.memory_space<hbm>>
    tpu.wait_indirect_dma semaphore(%arg133 : memref<!tpu.dma_semaphore, #tpu.memory_space<semaphore_mem>>) src(%dma_wait3A_201 : memref<20000020xf32, #tpu.memory_space<hbm>>) dst(%arg112 : memref<512xf32, #tpu.memory_space<vmem>>)
    %dma_wait3A_202 = arith.constant 0 : i32
    %dma_wait3A_203 = tpu.memref_slice %arg8[%dma_wait3A_202] : memref<20000020xf32, #tpu.memory_space<hbm>> -> memref<20000020xf32, #tpu.memory_space<hbm>>
    tpu.wait_indirect_dma semaphore(%arg133 : memref<!tpu.dma_semaphore, #tpu.memory_space<semaphore_mem>>) src(%dma_wait3A_203 : memref<20000020xf32, #tpu.memory_space<hbm>>) dst(%arg113 : memref<512xf32, #tpu.memory_space<vmem>>)
    %dma_wait3A_204 = arith.constant 0 : i32
    %dma_wait3A_205 = tpu.memref_slice %arg8[%dma_wait3A_204] : memref<20000020xf32, #tpu.memory_space<hbm>> -> memref<20000020xf32, #tpu.memory_space<hbm>>
    tpu.wait_indirect_dma semaphore(%arg133 : memref<!tpu.dma_semaphore, #tpu.memory_space<semaphore_mem>>) src(%dma_wait3A_205 : memref<20000020xf32, #tpu.memory_space<hbm>>) dst(%arg114 : memref<512xf32, #tpu.memory_space<vmem>>)
    %dma_wait3A_206 = arith.constant 0 : i32
    %dma_wait3A_207 = tpu.memref_slice %arg9[%dma_wait3A_206] : memref<1700017xf32, #tpu.memory_space<hbm>> -> memref<1700017xf32, #tpu.memory_space<hbm>>
    tpu.wait_indirect_dma semaphore(%arg133 : memref<!tpu.dma_semaphore, #tpu.memory_space<semaphore_mem>>) src(%dma_wait3A_207 : memref<1700017xf32, #tpu.memory_space<hbm>>) dst(%arg115 : memref<512xf32, #tpu.memory_space<vmem>>)
    %dma_wait3A_208 = arith.constant 0 : i32
    %dma_wait3A_209 = tpu.memref_slice %arg9[%dma_wait3A_208] : memref<1700017xf32, #tpu.memory_space<hbm>> -> memref<1700017xf32, #tpu.memory_space<hbm>>
    tpu.wait_indirect_dma semaphore(%arg133 : memref<!tpu.dma_semaphore, #tpu.memory_space<semaphore_mem>>) src(%dma_wait3A_209 : memref<1700017xf32, #tpu.memory_space<hbm>>) dst(%arg116 : memref<512xf32, #tpu.memory_space<vmem>>)
    %dma_wait3A_210 = arith.constant 0 : i32
    %dma_wait3A_211 = tpu.memref_slice %arg9[%dma_wait3A_210] : memref<1700017xf32, #tpu.memory_space<hbm>> -> memref<1700017xf32, #tpu.memory_space<hbm>>
    tpu.wait_indirect_dma semaphore(%arg133 : memref<!tpu.dma_semaphore, #tpu.memory_space<semaphore_mem>>) src(%dma_wait3A_211 : memref<1700017xf32, #tpu.memory_space<hbm>>) dst(%arg117 : memref<512xf32, #tpu.memory_space<vmem>>)
    %dma_wait3A_212 = arith.constant 0 : i32
    %dma_wait3A_213 = tpu.memref_slice %arg9[%dma_wait3A_212] : memref<1700017xf32, #tpu.memory_space<hbm>> -> memref<1700017xf32, #tpu.memory_space<hbm>>
    tpu.wait_indirect_dma semaphore(%arg133 : memref<!tpu.dma_semaphore, #tpu.memory_space<semaphore_mem>>) src(%dma_wait3A_213 : memref<1700017xf32, #tpu.memory_space<hbm>>) dst(%arg118 : memref<512xf32, #tpu.memory_space<vmem>>)
    %dma_wait3A_214 = arith.constant 0 : i32
    %dma_wait3A_215 = tpu.memref_slice %arg9[%dma_wait3A_214] : memref<1700017xf32, #tpu.memory_space<hbm>> -> memref<1700017xf32, #tpu.memory_space<hbm>>
    tpu.wait_indirect_dma semaphore(%arg133 : memref<!tpu.dma_semaphore, #tpu.memory_space<semaphore_mem>>) src(%dma_wait3A_215 : memref<1700017xf32, #tpu.memory_space<hbm>>) dst(%arg119 : memref<512xf32, #tpu.memory_space<vmem>>)
    %dma_wait3A_216 = arith.constant 0 : i32
    %dma_wait3A_217 = tpu.memref_slice %arg9[%dma_wait3A_216] : memref<1700017xf32, #tpu.memory_space<hbm>> -> memref<1700017xf32, #tpu.memory_space<hbm>>
    tpu.wait_indirect_dma semaphore(%arg133 : memref<!tpu.dma_semaphore, #tpu.memory_space<semaphore_mem>>) src(%dma_wait3A_217 : memref<1700017xf32, #tpu.memory_space<hbm>>) dst(%arg120 : memref<512xf32, #tpu.memory_space<vmem>>)
    %dma_wait3A_218 = arith.constant 0 : i32
    %dma_wait3A_219 = tpu.memref_slice %arg9[%dma_wait3A_218] : memref<1700017xf32, #tpu.memory_space<hbm>> -> memref<1700017xf32, #tpu.memory_space<hbm>>
    tpu.wait_indirect_dma semaphore(%arg133 : memref<!tpu.dma_semaphore, #tpu.memory_space<semaphore_mem>>) src(%dma_wait3A_219 : memref<1700017xf32, #tpu.memory_space<hbm>>) dst(%arg121 : memref<512xf32, #tpu.memory_space<vmem>>)
    %dma_wait3A_220 = arith.constant 0 : i32
    %dma_wait3A_221 = tpu.memref_slice %arg9[%dma_wait3A_220] : memref<1700017xf32, #tpu.memory_space<hbm>> -> memref<1700017xf32, #tpu.memory_space<hbm>>
    tpu.wait_indirect_dma semaphore(%arg133 : memref<!tpu.dma_semaphore, #tpu.memory_space<semaphore_mem>>) src(%dma_wait3A_221 : memref<1700017xf32, #tpu.memory_space<hbm>>) dst(%arg122 : memref<512xf32, #tpu.memory_space<vmem>>)
    %dma_wait3A_222 = arith.constant 0 : i32
    %dma_wait3A_223 = tpu.memref_slice %arg9[%dma_wait3A_222] : memref<1700017xf32, #tpu.memory_space<hbm>> -> memref<1700017xf32, #tpu.memory_space<hbm>>
    tpu.wait_indirect_dma semaphore(%arg133 : memref<!tpu.dma_semaphore, #tpu.memory_space<semaphore_mem>>) src(%dma_wait3A_223 : memref<1700017xf32, #tpu.memory_space<hbm>>) dst(%arg123 : memref<512xf32, #tpu.memory_space<vmem>>)
    %dma_wait3A_224 = arith.constant 0 : i32
    %dma_wait3A_225 = tpu.memref_slice %arg9[%dma_wait3A_224] : memref<1700017xf32, #tpu.memory_space<hbm>> -> memref<1700017xf32, #tpu.memory_space<hbm>>
    tpu.wait_indirect_dma semaphore(%arg133 : memref<!tpu.dma_semaphore, #tpu.memory_space<semaphore_mem>>) src(%dma_wait3A_225 : memref<1700017xf32, #tpu.memory_space<hbm>>) dst(%arg124 : memref<512xf32, #tpu.memory_space<vmem>>)
    %dma_wait3A_226 = arith.constant 0 : i32
    %dma_wait3A_227 = tpu.memref_slice %arg9[%dma_wait3A_226] : memref<1700017xf32, #tpu.memory_space<hbm>> -> memref<1700017xf32, #tpu.memory_space<hbm>>
    tpu.wait_indirect_dma semaphore(%arg133 : memref<!tpu.dma_semaphore, #tpu.memory_space<semaphore_mem>>) src(%dma_wait3A_227 : memref<1700017xf32, #tpu.memory_space<hbm>>) dst(%arg125 : memref<512xf32, #tpu.memory_space<vmem>>)
    %dma_wait3A_228 = arith.constant 0 : i32
    %dma_wait3A_229 = tpu.memref_slice %arg9[%dma_wait3A_228] : memref<1700017xf32, #tpu.memory_space<hbm>> -> memref<1700017xf32, #tpu.memory_space<hbm>>
    tpu.wait_indirect_dma semaphore(%arg133 : memref<!tpu.dma_semaphore, #tpu.memory_space<semaphore_mem>>) src(%dma_wait3A_229 : memref<1700017xf32, #tpu.memory_space<hbm>>) dst(%arg126 : memref<512xf32, #tpu.memory_space<vmem>>)
    %dma_wait3A_230 = arith.constant 0 : i32
    %dma_wait3A_231 = tpu.memref_slice %arg9[%dma_wait3A_230] : memref<1700017xf32, #tpu.memory_space<hbm>> -> memref<1700017xf32, #tpu.memory_space<hbm>>
    tpu.wait_indirect_dma semaphore(%arg133 : memref<!tpu.dma_semaphore, #tpu.memory_space<semaphore_mem>>) src(%dma_wait3A_231 : memref<1700017xf32, #tpu.memory_space<hbm>>) dst(%arg127 : memref<512xf32, #tpu.memory_space<vmem>>)
    %dma_wait3A_232 = arith.constant 0 : i32
    %dma_wait3A_233 = tpu.memref_slice %arg9[%dma_wait3A_232] : memref<1700017xf32, #tpu.memory_space<hbm>> -> memref<1700017xf32, #tpu.memory_space<hbm>>
    tpu.wait_indirect_dma semaphore(%arg133 : memref<!tpu.dma_semaphore, #tpu.memory_space<semaphore_mem>>) src(%dma_wait3A_233 : memref<1700017xf32, #tpu.memory_space<hbm>>) dst(%arg128 : memref<512xf32, #tpu.memory_space<vmem>>)
    %dma_wait3A_234 = arith.constant 0 : i32
    %dma_wait3A_235 = tpu.memref_slice %arg9[%dma_wait3A_234] : memref<1700017xf32, #tpu.memory_space<hbm>> -> memref<1700017xf32, #tpu.memory_space<hbm>>
    tpu.wait_indirect_dma semaphore(%arg133 : memref<!tpu.dma_semaphore, #tpu.memory_space<semaphore_mem>>) src(%dma_wait3A_235 : memref<1700017xf32, #tpu.memory_space<hbm>>) dst(%arg129 : memref<512xf32, #tpu.memory_space<vmem>>)
    %dma_wait3A_236 = arith.constant 0 : i32
    %dma_wait3A_237 = tpu.memref_slice %arg9[%dma_wait3A_236] : memref<1700017xf32, #tpu.memory_space<hbm>> -> memref<1700017xf32, #tpu.memory_space<hbm>>
    tpu.wait_indirect_dma semaphore(%arg133 : memref<!tpu.dma_semaphore, #tpu.memory_space<semaphore_mem>>) src(%dma_wait3A_237 : memref<1700017xf32, #tpu.memory_space<hbm>>) dst(%arg130 : memref<512xf32, #tpu.memory_space<vmem>>)
    %dma_wait3A_238 = arith.constant 0 : i32
    %dma_wait3A_239 = tpu.memref_slice %arg9[%dma_wait3A_238] : memref<1700017xf32, #tpu.memory_space<hbm>> -> memref<1700017xf32, #tpu.memory_space<hbm>>
    tpu.wait_indirect_dma semaphore(%arg133 : memref<!tpu.dma_semaphore, #tpu.memory_space<semaphore_mem>>) src(%dma_wait3A_239 : memref<1700017xf32, #tpu.memory_space<hbm>>) dst(%arg131 : memref<512xf32, #tpu.memory_space<vmem>>)
    %scan3A_240 = arith.constant 0 : i32
    %scan3A_241 = arith.constant 0 : i32
    %scan3A_242 = arith.constant 32 : i32
    %scan3A_243 = arith.addi %scan3A_241, %scan3A_242 : i32
    %scan3A_244 = arith.constant 1 : i32
    scf.for %scan3A_246 = %scan3A_241 to %scan3A_243 step %scan3A_244  : i32 {
      %mul3A_247 = arith.constant 16 : i32
      %mul3A_248 = arith.muli %scan3A_246, %mul3A_247 : i32
      %get3A = arith.index_cast %mul3A_248 : i32 to index
      %get3A_249 = tpu.vector_load %arg75[%get3A] {strides = array<i32>} : memref<512xf32, #tpu.memory_space<vmem>>, vector<16xf32>,
      %swap3A = arith.constant 0 : i32
      %swap3A_250 = arith.index_cast %swap3A : i32 to index
      %swap3A_251 = arith.index_cast %mul3A_248 : i32 to index
      %swap3A_252 = tpu.vector_load %arg132[%swap3A_250, %swap3A_251] {strides = array<i32>} : memref<65x512xf32, #tpu.memory_space<vmem>>, vector<16xf32>,
      tpu.vector_store %arg132[%swap3A_250, %swap3A_251], %get3A_249 {strides = array<i32>} : memref<65x512xf32, #tpu.memory_space<vmem>>, vector<16xf32>,
      %get3A_253 = arith.index_cast %mul3A_248 : i32 to index
      %get3A_254 = tpu.vector_load %arg76[%get3A_253] {strides = array<i32>} : memref<512xf32, #tpu.memory_space<vmem>>, vector<16xf32>,
      %swap3A_255 = arith.constant 1 : i32
      %swap3A_256 = arith.index_cast %swap3A_255 : i32 to index
      %swap3A_257 = arith.index_cast %mul3A_248 : i32 to index
      %swap3A_258 = tpu.vector_load %arg132[%swap3A_256, %swap3A_257] {strides = array<i32>} : memref<65x512xf32, #tpu.memory_space<vmem>>, vector<16xf32>,
      tpu.vector_store %arg132[%swap3A_256, %swap3A_257], %get3A_254 {strides = array<i32>} : memref<65x512xf32, #tpu.memory_space<vmem>>, vector<16xf32>,
      %get3A_259 = arith.index_cast %mul3A_248 : i32 to index
      %get3A_260 = tpu.vector_load %arg77[%get3A_259] {strides = array<i32>} : memref<512xf32, #tpu.memory_space<vmem>>, vector<16xf32>,
      %swap3A_261 = arith.constant 2 : i32
      %swap3A_262 = arith.index_cast %swap3A_261 : i32 to index
      %swap3A_263 = arith.index_cast %mul3A_248 : i32 to index
      %swap3A_264 = tpu.vector_load %arg132[%swap3A_262, %swap3A_263] {strides = array<i32>} : memref<65x512xf32, #tpu.memory_space<vmem>>, vector<16xf32>,
      tpu.vector_store %arg132[%swap3A_262, %swap3A_263], %get3A_260 {strides = array<i32>} : memref<65x512xf32, #tpu.memory_space<vmem>>, vector<16xf32>,
      %get3A_265 = arith.index_cast %mul3A_248 : i32 to index
      %get3A_266 = tpu.vector_load %arg78[%get3A_265] {strides = array<i32>} : memref<512xf32, #tpu.memory_space<vmem>>, vector<16xf32>,
      %swap3A_267 = arith.constant 3 : i32
      %swap3A_268 = arith.index_cast %swap3A_267 : i32 to index
      %swap3A_269 = arith.index_cast %mul3A_248 : i32 to index
      %swap3A_270 = tpu.vector_load %arg132[%swap3A_268, %swap3A_269] {strides = array<i32>} : memref<65x512xf32, #tpu.memory_space<vmem>>, vector<16xf32>,
      tpu.vector_store %arg132[%swap3A_268, %swap3A_269], %get3A_266 {strides = array<i32>} : memref<65x512xf32, #tpu.memory_space<vmem>>, vector<16xf32>,
      %get3A_271 = arith.index_cast %mul3A_248 : i32 to index
      %get3A_272 = tpu.vector_load %arg79[%get3A_271] {strides = array<i32>} : memref<512xf32, #tpu.memory_space<vmem>>, vector<16xf32>,
      %swap3A_273 = arith.constant 4 : i32
      %swap3A_274 = arith.index_cast %swap3A_273 : i32 to index
      %swap3A_275 = arith.index_cast %mul3A_248 : i32 to index
      %swap3A_276 = tpu.vector_load %arg132[%swap3A_274, %swap3A_275] {strides = array<i32>} : memref<65x512xf32, #tpu.memory_space<vmem>>, vector<16xf32>,
      tpu.vector_store %arg132[%swap3A_274, %swap3A_275], %get3A_272 {strides = array<i32>} : memref<65x512xf32, #tpu.memory_space<vmem>>, vector<16xf32>,
      %get3A_277 = arith.index_cast %mul3A_248 : i32 to index
      %get3A_278 = tpu.vector_load %arg80[%get3A_277] {strides = array<i32>} : memref<512xf32, #tpu.memory_space<vmem>>, vector<16xf32>,
      %swap3A_279 = arith.constant 5 : i32
      %swap3A_280 = arith.index_cast %swap3A_279 : i32 to index
      %swap3A_281 = arith.index_cast %mul3A_248 : i32 to index
      %swap3A_282 = tpu.vector_load %arg132[%swap3A_280, %swap3A_281] {strides = array<i32>} : memref<65x512xf32, #tpu.memory_space<vmem>>, vector<16xf32>,
      tpu.vector_store %arg132[%swap3A_280, %swap3A_281], %get3A_278 {strides = array<i32>} : memref<65x512xf32, #tpu.memory_space<vmem>>, vector<16xf32>,
      %get3A_283 = arith.index_cast %mul3A_248 : i32 to index
      %get3A_284 = tpu.vector_load %arg81[%get3A_283] {strides = array<i32>} : memref<512xf32, #tpu.memory_space<vmem>>, vector<16xf32>,
      %swap3A_285 = arith.constant 6 : i32
      %swap3A_286 = arith.index_cast %swap3A_285 : i32 to index
      %swap3A_287 = arith.index_cast %mul3A_248 : i32 to index
      %swap3A_288 = tpu.vector_load %arg132[%swap3A_286, %swap3A_287] {strides = array<i32>} : memref<65x512xf32, #tpu.memory_space<vmem>>, vector<16xf32>,
      tpu.vector_store %arg132[%swap3A_286, %swap3A_287], %get3A_284 {strides = array<i32>} : memref<65x512xf32, #tpu.memory_space<vmem>>, vector<16xf32>,
      %get3A_289 = arith.index_cast %mul3A_248 : i32 to index
      %get3A_290 = tpu.vector_load %arg82[%get3A_289] {strides = array<i32>} : memref<512xf32, #tpu.memory_space<vmem>>, vector<16xf32>,
      %swap3A_291 = arith.constant 7 : i32
      %swap3A_292 = arith.index_cast %swap3A_291 : i32 to index
      %swap3A_293 = arith.index_cast %mul3A_248 : i32 to index
      %swap3A_294 = tpu.vector_load %arg132[%swap3A_292, %swap3A_293] {strides = array<i32>} : memref<65x512xf32, #tpu.memory_space<vmem>>, vector<16xf32>,
      tpu.vector_store %arg132[%swap3A_292, %swap3A_293], %get3A_290 {strides = array<i32>} : memref<65x512xf32, #tpu.memory_space<vmem>>, vector<16xf32>,
      %get3A_295 = arith.index_cast %mul3A_248 : i32 to index
      %get3A_296 = tpu.vector_load %arg83[%get3A_295] {strides = array<i32>} : memref<512xf32, #tpu.memory_space<vmem>>, vector<16xf32>,
      %swap3A_297 = arith.constant 8 : i32
      %swap3A_298 = arith.index_cast %swap3A_297 : i32 to index
      %swap3A_299 = arith.index_cast %mul3A_248 : i32 to index
      %swap3A_300 = tpu.vector_load %arg132[%swap3A_298, %swap3A_299] {strides = array<i32>} : memref<65x512xf32, #tpu.memory_space<vmem>>, vector<16xf32>,
      tpu.vector_store %arg132[%swap3A_298, %swap3A_299], %get3A_296 {strides = array<i32>} : memref<65x512xf32, #tpu.memory_space<vmem>>, vector<16xf32>,
      %get3A_301 = arith.index_cast %mul3A_248 : i32 to index
      %get3A_302 = tpu.vector_load %arg84[%get3A_301] {strides = array<i32>} : memref<512xf32, #tpu.memory_space<vmem>>, vector<16xf32>,
      %swap3A_303 = arith.constant 9 : i32
      %swap3A_304 = arith.index_cast %swap3A_303 : i32 to index
      %swap3A_305 = arith.index_cast %mul3A_248 : i32 to index
      %swap3A_306 = tpu.vector_load %arg132[%swap3A_304, %swap3A_305] {strides = array<i32>} : memref<65x512xf32, #tpu.memory_space<vmem>>, vector<16xf32>,
      tpu.vector_store %arg132[%swap3A_304, %swap3A_305], %get3A_302 {strides = array<i32>} : memref<65x512xf32, #tpu.memory_space<vmem>>, vector<16xf32>,
      %get3A_307 = arith.index_cast %mul3A_248 : i32 to index
      %get3A_308 = tpu.vector_load %arg85[%get3A_307] {strides = array<i32>} : memref<512xf32, #tpu.memory_space<vmem>>, vector<16xf32>,
      %swap3A_309 = arith.constant 10 : i32
      %swap3A_310 = arith.index_cast %swap3A_309 : i32 to index
      %swap3A_311 = arith.index_cast %mul3A_248 : i32 to index
      %swap3A_312 = tpu.vector_load %arg132[%swap3A_310, %swap3A_311] {strides = array<i32>} : memref<65x512xf32, #tpu.memory_space<vmem>>, vector<16xf32>,
      tpu.vector_store %arg132[%swap3A_310, %swap3A_311], %get3A_308 {strides = array<i32>} : memref<65x512xf32, #tpu.memory_space<vmem>>, vector<16xf32>,
      %get3A_313 = arith.index_cast %mul3A_248 : i32 to index
      %get3A_314 = tpu.vector_load %arg86[%get3A_313] {strides = array<i32>} : memref<512xf32, #tpu.memory_space<vmem>>, vector<16xf32>,
      %swap3A_315 = arith.constant 11 : i32
      %swap3A_316 = arith.index_cast %swap3A_315 : i32 to index
      %swap3A_317 = arith.index_cast %mul3A_248 : i32 to index
      %swap3A_318 = tpu.vector_load %arg132[%swap3A_316, %swap3A_317] {strides = array<i32>} : memref<65x512xf32, #tpu.memory_space<vmem>>, vector<16xf32>,
      tpu.vector_store %arg132[%swap3A_316, %swap3A_317], %get3A_314 {strides = array<i32>} : memref<65x512xf32, #tpu.memory_space<vmem>>, vector<16xf32>,
      %get3A_319 = arith.index_cast %mul3A_248 : i32 to index
      %get3A_320 = tpu.vector_load %arg87[%get3A_319] {strides = array<i32>} : memref<512xf32, #tpu.memory_space<vmem>>, vector<16xf32>,
      %swap3A_321 = arith.constant 12 : i32
      %swap3A_322 = arith.index_cast %swap3A_321 : i32 to index
      %swap3A_323 = arith.index_cast %mul3A_248 : i32 to index
      %swap3A_324 = tpu.vector_load %arg132[%swap3A_322, %swap3A_323] {strides = array<i32>} : memref<65x512xf32, #tpu.memory_space<vmem>>, vector<16xf32>,
      tpu.vector_store %arg132[%swap3A_322, %swap3A_323], %get3A_320 {strides = array<i32>} : memref<65x512xf32, #tpu.memory_space<vmem>>, vector<16xf32>,
      %get3A_325 = arith.index_cast %mul3A_248 : i32 to index
      %get3A_326 = tpu.vector_load %arg88[%get3A_325] {strides = array<i32>} : memref<512xf32, #tpu.memory_space<vmem>>, vector<16xf32>,
      %swap3A_327 = arith.constant 13 : i32
      %swap3A_328 = arith.index_cast %swap3A_327 : i32 to index
      %swap3A_329 = arith.index_cast %mul3A_248 : i32 to index
      %swap3A_330 = tpu.vector_load %arg132[%swap3A_328, %swap3A_329] {strides = array<i32>} : memref<65x512xf32, #tpu.memory_space<vmem>>, vector<16xf32>,
      tpu.vector_store %arg132[%swap3A_328, %swap3A_329], %get3A_326 {strides = array<i32>} : memref<65x512xf32, #tpu.memory_space<vmem>>, vector<16xf32>,
      %get3A_331 = arith.index_cast %mul3A_248 : i32 to index
      %get3A_332 = tpu.vector_load %arg89[%get3A_331] {strides = array<i32>} : memref<512xf32, #tpu.memory_space<vmem>>, vector<16xf32>,
      %swap3A_333 = arith.constant 14 : i32
      %swap3A_334 = arith.index_cast %swap3A_333 : i32 to index
      %swap3A_335 = arith.index_cast %mul3A_248 : i32 to index
      %swap3A_336 = tpu.vector_load %arg132[%swap3A_334, %swap3A_335] {strides = array<i32>} : memref<65x512xf32, #tpu.memory_space<vmem>>, vector<16xf32>,
      tpu.vector_store %arg132[%swap3A_334, %swap3A_335], %get3A_332 {strides = array<i32>} : memref<65x512xf32, #tpu.memory_space<vmem>>, vector<16xf32>,
      %get3A_337 = arith.index_cast %mul3A_248 : i32 to index
      %get3A_338 = tpu.vector_load %arg90[%get3A_337] {strides = array<i32>} : memref<512xf32, #tpu.memory_space<vmem>>, vector<16xf32>,
      %swap3A_339 = arith.constant 15 : i32
      %swap3A_340 = arith.index_cast %swap3A_339 : i32 to index
      %swap3A_341 = arith.index_cast %mul3A_248 : i32 to index
      %swap3A_342 = tpu.vector_load %arg132[%swap3A_340, %swap3A_341] {strides = array<i32>} : memref<65x512xf32, #tpu.memory_space<vmem>>, vector<16xf32>,
      tpu.vector_store %arg132[%swap3A_340, %swap3A_341], %get3A_338 {strides = array<i32>} : memref<65x512xf32, #tpu.memory_space<vmem>>, vector<16xf32>,
      %get3A_343 = arith.index_cast %mul3A_248 : i32 to index
      %get3A_344 = tpu.vector_load %arg91[%get3A_343] {strides = array<i32>} : memref<512xf32, #tpu.memory_space<vmem>>, vector<16xf32>,
      %swap3A_345 = arith.constant 16 : i32
      %swap3A_346 = arith.index_cast %swap3A_345 : i32 to index
      %swap3A_347 = arith.index_cast %mul3A_248 : i32 to index
      %swap3A_348 = tpu.vector_load %arg132[%swap3A_346, %swap3A_347] {strides = array<i32>} : memref<65x512xf32, #tpu.memory_space<vmem>>, vector<16xf32>,
      tpu.vector_store %arg132[%swap3A_346, %swap3A_347], %get3A_344 {strides = array<i32>} : memref<65x512xf32, #tpu.memory_space<vmem>>, vector<16xf32>,
      %get3A_349 = arith.index_cast %mul3A_248 : i32 to index
      %get3A_350 = tpu.vector_load %arg92[%get3A_349] {strides = array<i32>} : memref<512xf32, #tpu.memory_space<vmem>>, vector<16xf32>,
      %swap3A_351 = arith.constant 17 : i32
      %swap3A_352 = arith.index_cast %swap3A_351 : i32 to index
      %swap3A_353 = arith.index_cast %mul3A_248 : i32 to index
      %swap3A_354 = tpu.vector_load %arg132[%swap3A_352, %swap3A_353] {strides = array<i32>} : memref<65x512xf32, #tpu.memory_space<vmem>>, vector<16xf32>,
      tpu.vector_store %arg132[%swap3A_352, %swap3A_353], %get3A_350 {strides = array<i32>} : memref<65x512xf32, #tpu.memory_space<vmem>>, vector<16xf32>,
      %get3A_355 = arith.index_cast %mul3A_248 : i32 to index
      %get3A_356 = tpu.vector_load %arg93[%get3A_355] {strides = array<i32>} : memref<512xf32, #tpu.memory_space<vmem>>, vector<16xf32>,
      %swap3A_357 = arith.constant 18 : i32
      %swap3A_358 = arith.index_cast %swap3A_357 : i32 to index
      %swap3A_359 = arith.index_cast %mul3A_248 : i32 to index
      %swap3A_360 = tpu.vector_load %arg132[%swap3A_358, %swap3A_359] {strides = array<i32>} : memref<65x512xf32, #tpu.memory_space<vmem>>, vector<16xf32>,
      tpu.vector_store %arg132[%swap3A_358, %swap3A_359], %get3A_356 {strides = array<i32>} : memref<65x512xf32, #tpu.memory_space<vmem>>, vector<16xf32>,
      %get3A_361 = arith.index_cast %mul3A_248 : i32 to index
      %get3A_362 = tpu.vector_load %arg94[%get3A_361] {strides = array<i32>} : memref<512xf32, #tpu.memory_space<vmem>>, vector<16xf32>,
      %swap3A_363 = arith.constant 19 : i32
      %swap3A_364 = arith.index_cast %swap3A_363 : i32 to index
      %swap3A_365 = arith.index_cast %mul3A_248 : i32 to index
      %swap3A_366 = tpu.vector_load %arg132[%swap3A_364, %swap3A_365] {strides = array<i32>} : memref<65x512xf32, #tpu.memory_space<vmem>>, vector<16xf32>,
      tpu.vector_store %arg132[%swap3A_364, %swap3A_365], %get3A_362 {strides = array<i32>} : memref<65x512xf32, #tpu.memory_space<vmem>>, vector<16xf32>,
      %get3A_367 = arith.index_cast %mul3A_248 : i32 to index
      %get3A_368 = tpu.vector_load %arg95[%get3A_367] {strides = array<i32>} : memref<512xf32, #tpu.memory_space<vmem>>, vector<16xf32>,
      %swap3A_369 = arith.constant 20 : i32
      %swap3A_370 = arith.index_cast %swap3A_369 : i32 to index
      %swap3A_371 = arith.index_cast %mul3A_248 : i32 to index
      %swap3A_372 = tpu.vector_load %arg132[%swap3A_370, %swap3A_371] {strides = array<i32>} : memref<65x512xf32, #tpu.memory_space<vmem>>, vector<16xf32>,
      tpu.vector_store %arg132[%swap3A_370, %swap3A_371], %get3A_368 {strides = array<i32>} : memref<65x512xf32, #tpu.memory_space<vmem>>, vector<16xf32>,
      %get3A_373 = arith.index_cast %mul3A_248 : i32 to index
      %get3A_374 = tpu.vector_load %arg96[%get3A_373] {strides = array<i32>} : memref<512xf32, #tpu.memory_space<vmem>>, vector<16xf32>,
      %swap3A_375 = arith.constant 21 : i32
      %swap3A_376 = arith.index_cast %swap3A_375 : i32 to index
      %swap3A_377 = arith.index_cast %mul3A_248 : i32 to index
      %swap3A_378 = tpu.vector_load %arg132[%swap3A_376, %swap3A_377] {strides = array<i32>} : memref<65x512xf32, #tpu.memory_space<vmem>>, vector<16xf32>,
      tpu.vector_store %arg132[%swap3A_376, %swap3A_377], %get3A_374 {strides = array<i32>} : memref<65x512xf32, #tpu.memory_space<vmem>>, vector<16xf32>,
      %get3A_379 = arith.index_cast %mul3A_248 : i32 to index
      %get3A_380 = tpu.vector_load %arg97[%get3A_379] {strides = array<i32>} : memref<512xf32, #tpu.memory_space<vmem>>, vector<16xf32>,
      %swap3A_381 = arith.constant 22 : i32
      %swap3A_382 = arith.index_cast %swap3A_381 : i32 to index
      %swap3A_383 = arith.index_cast %mul3A_248 : i32 to index
      %swap3A_384 = tpu.vector_load %arg132[%swap3A_382, %swap3A_383] {strides = array<i32>} : memref<65x512xf32, #tpu.memory_space<vmem>>, vector<16xf32>,
      tpu.vector_store %arg132[%swap3A_382, %swap3A_383], %get3A_380 {strides = array<i32>} : memref<65x512xf32, #tpu.memory_space<vmem>>, vector<16xf32>,
      %get3A_385 = arith.index_cast %mul3A_248 : i32 to index
      %get3A_386 = tpu.vector_load %arg98[%get3A_385] {strides = array<i32>} : memref<512xf32, #tpu.memory_space<vmem>>, vector<16xf32>,
      %swap3A_387 = arith.constant 23 : i32
      %swap3A_388 = arith.index_cast %swap3A_387 : i32 to index
      %swap3A_389 = arith.index_cast %mul3A_248 : i32 to index
      %swap3A_390 = tpu.vector_load %arg132[%swap3A_388, %swap3A_389] {strides = array<i32>} : memref<65x512xf32, #tpu.memory_space<vmem>>, vector<16xf32>,
      tpu.vector_store %arg132[%swap3A_388, %swap3A_389], %get3A_386 {strides = array<i32>} : memref<65x512xf32, #tpu.memory_space<vmem>>, vector<16xf32>,
      %get3A_391 = arith.index_cast %mul3A_248 : i32 to index
      %get3A_392 = tpu.vector_load %arg99[%get3A_391] {strides = array<i32>} : memref<512xf32, #tpu.memory_space<vmem>>, vector<16xf32>,
      %swap3A_393 = arith.constant 24 : i32
      %swap3A_394 = arith.index_cast %swap3A_393 : i32 to index
      %swap3A_395 = arith.index_cast %mul3A_248 : i32 to index
      %swap3A_396 = tpu.vector_load %arg132[%swap3A_394, %swap3A_395] {strides = array<i32>} : memref<65x512xf32, #tpu.memory_space<vmem>>, vector<16xf32>,
      tpu.vector_store %arg132[%swap3A_394, %swap3A_395], %get3A_392 {strides = array<i32>} : memref<65x512xf32, #tpu.memory_space<vmem>>, vector<16xf32>,
      %get3A_397 = arith.index_cast %mul3A_248 : i32 to index
      %get3A_398 = tpu.vector_load %arg100[%get3A_397] {strides = array<i32>} : memref<512xf32, #tpu.memory_space<vmem>>, vector<16xf32>,
      %swap3A_399 = arith.constant 25 : i32
      %swap3A_400 = arith.index_cast %swap3A_399 : i32 to index
      %swap3A_401 = arith.index_cast %mul3A_248 : i32 to index
      %swap3A_402 = tpu.vector_load %arg132[%swap3A_400, %swap3A_401] {strides = array<i32>} : memref<65x512xf32, #tpu.memory_space<vmem>>, vector<16xf32>,
      tpu.vector_store %arg132[%swap3A_400, %swap3A_401], %get3A_398 {strides = array<i32>} : memref<65x512xf32, #tpu.memory_space<vmem>>, vector<16xf32>,
      %get3A_403 = arith.index_cast %mul3A_248 : i32 to index
      %get3A_404 = tpu.vector_load %arg101[%get3A_403] {strides = array<i32>} : memref<512xf32, #tpu.memory_space<vmem>>, vector<16xf32>,
      %swap3A_405 = arith.constant 26 : i32
      %swap3A_406 = arith.index_cast %swap3A_405 : i32 to index
      %swap3A_407 = arith.index_cast %mul3A_248 : i32 to index
      %swap3A_408 = tpu.vector_load %arg132[%swap3A_406, %swap3A_407] {strides = array<i32>} : memref<65x512xf32, #tpu.memory_space<vmem>>, vector<16xf32>,
      tpu.vector_store %arg132[%swap3A_406, %swap3A_407], %get3A_404 {strides = array<i32>} : memref<65x512xf32, #tpu.memory_space<vmem>>, vector<16xf32>,
      %get3A_409 = arith.index_cast %mul3A_248 : i32 to index
      %get3A_410 = tpu.vector_load %arg102[%get3A_409] {strides = array<i32>} : memref<512xf32, #tpu.memory_space<vmem>>, vector<16xf32>,
      %swap3A_411 = arith.constant 27 : i32
      %swap3A_412 = arith.index_cast %swap3A_411 : i32 to index
      %swap3A_413 = arith.index_cast %mul3A_248 : i32 to index
      %swap3A_414 = tpu.vector_load %arg132[%swap3A_412, %swap3A_413] {strides = array<i32>} : memref<65x512xf32, #tpu.memory_space<vmem>>, vector<16xf32>,
      tpu.vector_store %arg132[%swap3A_412, %swap3A_413], %get3A_410 {strides = array<i32>} : memref<65x512xf32, #tpu.memory_space<vmem>>, vector<16xf32>,
      %get3A_415 = arith.index_cast %mul3A_248 : i32 to index
      %get3A_416 = tpu.vector_load %arg103[%get3A_415] {strides = array<i32>} : memref<512xf32, #tpu.memory_space<vmem>>, vector<16xf32>,
      %swap3A_417 = arith.constant 28 : i32
      %swap3A_418 = arith.index_cast %swap3A_417 : i32 to index
      %swap3A_419 = arith.index_cast %mul3A_248 : i32 to index
      %swap3A_420 = tpu.vector_load %arg132[%swap3A_418, %swap3A_419] {strides = array<i32>} : memref<65x512xf32, #tpu.memory_space<vmem>>, vector<16xf32>,
      tpu.vector_store %arg132[%swap3A_418, %swap3A_419], %get3A_416 {strides = array<i32>} : memref<65x512xf32, #tpu.memory_space<vmem>>, vector<16xf32>,
      %get3A_421 = arith.index_cast %mul3A_248 : i32 to index
      %get3A_422 = tpu.vector_load %arg104[%get3A_421] {strides = array<i32>} : memref<512xf32, #tpu.memory_space<vmem>>, vector<16xf32>,
      %swap3A_423 = arith.constant 29 : i32
      %swap3A_424 = arith.index_cast %swap3A_423 : i32 to index
      %swap3A_425 = arith.index_cast %mul3A_248 : i32 to index
      %swap3A_426 = tpu.vector_load %arg132[%swap3A_424, %swap3A_425] {strides = array<i32>} : memref<65x512xf32, #tpu.memory_space<vmem>>, vector<16xf32>,
      tpu.vector_store %arg132[%swap3A_424, %swap3A_425], %get3A_422 {strides = array<i32>} : memref<65x512xf32, #tpu.memory_space<vmem>>, vector<16xf32>,
      %get3A_427 = arith.index_cast %mul3A_248 : i32 to index
      %get3A_428 = tpu.vector_load %arg105[%get3A_427] {strides = array<i32>} : memref<512xf32, #tpu.memory_space<vmem>>, vector<16xf32>,
      %swap3A_429 = arith.constant 30 : i32
      %swap3A_430 = arith.index_cast %swap3A_429 : i32 to index
      %swap3A_431 = arith.index_cast %mul3A_248 : i32 to index
      %swap3A_432 = tpu.vector_load %arg132[%swap3A_430, %swap3A_431] {strides = array<i32>} : memref<65x512xf32, #tpu.memory_space<vmem>>, vector<16xf32>,
      tpu.vector_store %arg132[%swap3A_430, %swap3A_431], %get3A_428 {strides = array<i32>} : memref<65x512xf32, #tpu.memory_space<vmem>>, vector<16xf32>,
      %get3A_433 = arith.index_cast %mul3A_248 : i32 to index
      %get3A_434 = tpu.vector_load %arg106[%get3A_433] {strides = array<i32>} : memref<512xf32, #tpu.memory_space<vmem>>, vector<16xf32>,
      %swap3A_435 = arith.constant 31 : i32
      %swap3A_436 = arith.index_cast %swap3A_435 : i32 to index
      %swap3A_437 = arith.index_cast %mul3A_248 : i32 to index
      %swap3A_438 = tpu.vector_load %arg132[%swap3A_436, %swap3A_437] {strides = array<i32>} : memref<65x512xf32, #tpu.memory_space<vmem>>, vector<16xf32>,
      tpu.vector_store %arg132[%swap3A_436, %swap3A_437], %get3A_434 {strides = array<i32>} : memref<65x512xf32, #tpu.memory_space<vmem>>, vector<16xf32>,
      %get3A_439 = arith.index_cast %mul3A_248 : i32 to index
      %get3A_440 = tpu.vector_load %arg107[%get3A_439] {strides = array<i32>} : memref<512xf32, #tpu.memory_space<vmem>>, vector<16xf32>,
      %swap3A_441 = arith.constant 32 : i32
      %swap3A_442 = arith.index_cast %swap3A_441 : i32 to index
      %swap3A_443 = arith.index_cast %mul3A_248 : i32 to index
      %swap3A_444 = tpu.vector_load %arg132[%swap3A_442, %swap3A_443] {strides = array<i32>} : memref<65x512xf32, #tpu.memory_space<vmem>>, vector<16xf32>,
      tpu.vector_store %arg132[%swap3A_442, %swap3A_443], %get3A_440 {strides = array<i32>} : memref<65x512xf32, #tpu.memory_space<vmem>>, vector<16xf32>,
      %get3A_445 = arith.index_cast %mul3A_248 : i32 to index
      %get3A_446 = tpu.vector_load %arg108[%get3A_445] {strides = array<i32>} : memref<512xf32, #tpu.memory_space<vmem>>, vector<16xf32>,
      %swap3A_447 = arith.constant 33 : i32
      %swap3A_448 = arith.index_cast %swap3A_447 : i32 to index
      %swap3A_449 = arith.index_cast %mul3A_248 : i32 to index
      %swap3A_450 = tpu.vector_load %arg132[%swap3A_448, %swap3A_449] {strides = array<i32>} : memref<65x512xf32, #tpu.memory_space<vmem>>, vector<16xf32>,
      tpu.vector_store %arg132[%swap3A_448, %swap3A_449], %get3A_446 {strides = array<i32>} : memref<65x512xf32, #tpu.memory_space<vmem>>, vector<16xf32>,
      %get3A_451 = arith.index_cast %mul3A_248 : i32 to index
      %get3A_452 = tpu.vector_load %arg109[%get3A_451] {strides = array<i32>} : memref<512xf32, #tpu.memory_space<vmem>>, vector<16xf32>,
      %swap3A_453 = arith.constant 34 : i32
      %swap3A_454 = arith.index_cast %swap3A_453 : i32 to index
      %swap3A_455 = arith.index_cast %mul3A_248 : i32 to index
      %swap3A_456 = tpu.vector_load %arg132[%swap3A_454, %swap3A_455] {strides = array<i32>} : memref<65x512xf32, #tpu.memory_space<vmem>>, vector<16xf32>,
      tpu.vector_store %arg132[%swap3A_454, %swap3A_455], %get3A_452 {strides = array<i32>} : memref<65x512xf32, #tpu.memory_space<vmem>>, vector<16xf32>,
      %get3A_457 = arith.index_cast %mul3A_248 : i32 to index
      %get3A_458 = tpu.vector_load %arg110[%get3A_457] {strides = array<i32>} : memref<512xf32, #tpu.memory_space<vmem>>, vector<16xf32>,
      %swap3A_459 = arith.constant 35 : i32
      %swap3A_460 = arith.index_cast %swap3A_459 : i32 to index
      %swap3A_461 = arith.index_cast %mul3A_248 : i32 to index
      %swap3A_462 = tpu.vector_load %arg132[%swap3A_460, %swap3A_461] {strides = array<i32>} : memref<65x512xf32, #tpu.memory_space<vmem>>, vector<16xf32>,
      tpu.vector_store %arg132[%swap3A_460, %swap3A_461], %get3A_458 {strides = array<i32>} : memref<65x512xf32, #tpu.memory_space<vmem>>, vector<16xf32>,
      %get3A_463 = arith.index_cast %mul3A_248 : i32 to index
      %get3A_464 = tpu.vector_load %arg111[%get3A_463] {strides = array<i32>} : memref<512xf32, #tpu.memory_space<vmem>>, vector<16xf32>,
      %swap3A_465 = arith.constant 36 : i32
      %swap3A_466 = arith.index_cast %swap3A_465 : i32 to index
      %swap3A_467 = arith.index_cast %mul3A_248 : i32 to index
      %swap3A_468 = tpu.vector_load %arg132[%swap3A_466, %swap3A_467] {strides = array<i32>} : memref<65x512xf32, #tpu.memory_space<vmem>>, vector<16xf32>,
      tpu.vector_store %arg132[%swap3A_466, %swap3A_467], %get3A_464 {strides = array<i32>} : memref<65x512xf32, #tpu.memory_space<vmem>>, vector<16xf32>,
      %get3A_469 = arith.index_cast %mul3A_248 : i32 to index
      %get3A_470 = tpu.vector_load %arg112[%get3A_469] {strides = array<i32>} : memref<512xf32, #tpu.memory_space<vmem>>, vector<16xf32>,
      %swap3A_471 = arith.constant 37 : i32
      %swap3A_472 = arith.index_cast %swap3A_471 : i32 to index
      %swap3A_473 = arith.index_cast %mul3A_248 : i32 to index
      %swap3A_474 = tpu.vector_load %arg132[%swap3A_472, %swap3A_473] {strides = array<i32>} : memref<65x512xf32, #tpu.memory_space<vmem>>, vector<16xf32>,
      tpu.vector_store %arg132[%swap3A_472, %swap3A_473], %get3A_470 {strides = array<i32>} : memref<65x512xf32, #tpu.memory_space<vmem>>, vector<16xf32>,
      %get3A_475 = arith.index_cast %mul3A_248 : i32 to index
      %get3A_476 = tpu.vector_load %arg113[%get3A_475] {strides = array<i32>} : memref<512xf32, #tpu.memory_space<vmem>>, vector<16xf32>,
      %swap3A_477 = arith.constant 38 : i32
      %swap3A_478 = arith.index_cast %swap3A_477 : i32 to index
      %swap3A_479 = arith.index_cast %mul3A_248 : i32 to index
      %swap3A_480 = tpu.vector_load %arg132[%swap3A_478, %swap3A_479] {strides = array<i32>} : memref<65x512xf32, #tpu.memory_space<vmem>>, vector<16xf32>,
      tpu.vector_store %arg132[%swap3A_478, %swap3A_479], %get3A_476 {strides = array<i32>} : memref<65x512xf32, #tpu.memory_space<vmem>>, vector<16xf32>,
      %get3A_481 = arith.index_cast %mul3A_248 : i32 to index
      %get3A_482 = tpu.vector_load %arg114[%get3A_481] {strides = array<i32>} : memref<512xf32, #tpu.memory_space<vmem>>, vector<16xf32>,
      %swap3A_483 = arith.constant 39 : i32
      %swap3A_484 = arith.index_cast %swap3A_483 : i32 to index
      %swap3A_485 = arith.index_cast %mul3A_248 : i32 to index
      %swap3A_486 = tpu.vector_load %arg132[%swap3A_484, %swap3A_485] {strides = array<i32>} : memref<65x512xf32, #tpu.memory_space<vmem>>, vector<16xf32>,
      tpu.vector_store %arg132[%swap3A_484, %swap3A_485], %get3A_482 {strides = array<i32>} : memref<65x512xf32, #tpu.memory_space<vmem>>, vector<16xf32>,
      %get3A_487 = arith.index_cast %mul3A_248 : i32 to index
      %get3A_488 = tpu.vector_load %arg115[%get3A_487] {strides = array<i32>} : memref<512xf32, #tpu.memory_space<vmem>>, vector<16xf32>,
      %swap3A_489 = arith.constant 40 : i32
      %swap3A_490 = arith.index_cast %swap3A_489 : i32 to index
      %swap3A_491 = arith.index_cast %mul3A_248 : i32 to index
      %swap3A_492 = tpu.vector_load %arg132[%swap3A_490, %swap3A_491] {strides = array<i32>} : memref<65x512xf32, #tpu.memory_space<vmem>>, vector<16xf32>,
      tpu.vector_store %arg132[%swap3A_490, %swap3A_491], %get3A_488 {strides = array<i32>} : memref<65x512xf32, #tpu.memory_space<vmem>>, vector<16xf32>,
      %get3A_493 = arith.index_cast %mul3A_248 : i32 to index
      %get3A_494 = tpu.vector_load %arg116[%get3A_493] {strides = array<i32>} : memref<512xf32, #tpu.memory_space<vmem>>, vector<16xf32>,
      %swap3A_495 = arith.constant 41 : i32
      %swap3A_496 = arith.index_cast %swap3A_495 : i32 to index
      %swap3A_497 = arith.index_cast %mul3A_248 : i32 to index
      %swap3A_498 = tpu.vector_load %arg132[%swap3A_496, %swap3A_497] {strides = array<i32>} : memref<65x512xf32, #tpu.memory_space<vmem>>, vector<16xf32>,
      tpu.vector_store %arg132[%swap3A_496, %swap3A_497], %get3A_494 {strides = array<i32>} : memref<65x512xf32, #tpu.memory_space<vmem>>, vector<16xf32>,
      %get3A_499 = arith.index_cast %mul3A_248 : i32 to index
      %get3A_500 = tpu.vector_load %arg117[%get3A_499] {strides = array<i32>} : memref<512xf32, #tpu.memory_space<vmem>>, vector<16xf32>,
      %swap3A_501 = arith.constant 42 : i32
      %swap3A_502 = arith.index_cast %swap3A_501 : i32 to index
      %swap3A_503 = arith.index_cast %mul3A_248 : i32 to index
      %swap3A_504 = tpu.vector_load %arg132[%swap3A_502, %swap3A_503] {strides = array<i32>} : memref<65x512xf32, #tpu.memory_space<vmem>>, vector<16xf32>,
      tpu.vector_store %arg132[%swap3A_502, %swap3A_503], %get3A_500 {strides = array<i32>} : memref<65x512xf32, #tpu.memory_space<vmem>>, vector<16xf32>,
      %get3A_505 = arith.index_cast %mul3A_248 : i32 to index
      %get3A_506 = tpu.vector_load %arg118[%get3A_505] {strides = array<i32>} : memref<512xf32, #tpu.memory_space<vmem>>, vector<16xf32>,
      %swap3A_507 = arith.constant 43 : i32
      %swap3A_508 = arith.index_cast %swap3A_507 : i32 to index
      %swap3A_509 = arith.index_cast %mul3A_248 : i32 to index
      %swap3A_510 = tpu.vector_load %arg132[%swap3A_508, %swap3A_509] {strides = array<i32>} : memref<65x512xf32, #tpu.memory_space<vmem>>, vector<16xf32>,
      tpu.vector_store %arg132[%swap3A_508, %swap3A_509], %get3A_506 {strides = array<i32>} : memref<65x512xf32, #tpu.memory_space<vmem>>, vector<16xf32>,
      %get3A_511 = arith.index_cast %mul3A_248 : i32 to index
      %get3A_512 = tpu.vector_load %arg119[%get3A_511] {strides = array<i32>} : memref<512xf32, #tpu.memory_space<vmem>>, vector<16xf32>,
      %swap3A_513 = arith.constant 44 : i32
      %swap3A_514 = arith.index_cast %swap3A_513 : i32 to index
      %swap3A_515 = arith.index_cast %mul3A_248 : i32 to index
      %swap3A_516 = tpu.vector_load %arg132[%swap3A_514, %swap3A_515] {strides = array<i32>} : memref<65x512xf32, #tpu.memory_space<vmem>>, vector<16xf32>,
      tpu.vector_store %arg132[%swap3A_514, %swap3A_515], %get3A_512 {strides = array<i32>} : memref<65x512xf32, #tpu.memory_space<vmem>>, vector<16xf32>,
      %get3A_517 = arith.index_cast %mul3A_248 : i32 to index
      %get3A_518 = tpu.vector_load %arg120[%get3A_517] {strides = array<i32>} : memref<512xf32, #tpu.memory_space<vmem>>, vector<16xf32>,
      %swap3A_519 = arith.constant 45 : i32
      %swap3A_520 = arith.index_cast %swap3A_519 : i32 to index
      %swap3A_521 = arith.index_cast %mul3A_248 : i32 to index
      %swap3A_522 = tpu.vector_load %arg132[%swap3A_520, %swap3A_521] {strides = array<i32>} : memref<65x512xf32, #tpu.memory_space<vmem>>, vector<16xf32>,
      tpu.vector_store %arg132[%swap3A_520, %swap3A_521], %get3A_518 {strides = array<i32>} : memref<65x512xf32, #tpu.memory_space<vmem>>, vector<16xf32>,
      %get3A_523 = arith.index_cast %mul3A_248 : i32 to index
      %get3A_524 = tpu.vector_load %arg121[%get3A_523] {strides = array<i32>} : memref<512xf32, #tpu.memory_space<vmem>>, vector<16xf32>,
      %swap3A_525 = arith.constant 46 : i32
      %swap3A_526 = arith.index_cast %swap3A_525 : i32 to index
      %swap3A_527 = arith.index_cast %mul3A_248 : i32 to index
      %swap3A_528 = tpu.vector_load %arg132[%swap3A_526, %swap3A_527] {strides = array<i32>} : memref<65x512xf32, #tpu.memory_space<vmem>>, vector<16xf32>,
      tpu.vector_store %arg132[%swap3A_526, %swap3A_527], %get3A_524 {strides = array<i32>} : memref<65x512xf32, #tpu.memory_space<vmem>>, vector<16xf32>,
      %get3A_529 = arith.index_cast %mul3A_248 : i32 to index
      %get3A_530 = tpu.vector_load %arg122[%get3A_529] {strides = array<i32>} : memref<512xf32, #tpu.memory_space<vmem>>, vector<16xf32>,
      %swap3A_531 = arith.constant 47 : i32
      %swap3A_532 = arith.index_cast %swap3A_531 : i32 to index
      %swap3A_533 = arith.index_cast %mul3A_248 : i32 to index
      %swap3A_534 = tpu.vector_load %arg132[%swap3A_532, %swap3A_533] {strides = array<i32>} : memref<65x512xf32, #tpu.memory_space<vmem>>, vector<16xf32>,
      tpu.vector_store %arg132[%swap3A_532, %swap3A_533], %get3A_530 {strides = array<i32>} : memref<65x512xf32, #tpu.memory_space<vmem>>, vector<16xf32>,
      %get3A_535 = arith.index_cast %mul3A_248 : i32 to index
      %get3A_536 = tpu.vector_load %arg123[%get3A_535] {strides = array<i32>} : memref<512xf32, #tpu.memory_space<vmem>>, vector<16xf32>,
      %swap3A_537 = arith.constant 48 : i32
      %swap3A_538 = arith.index_cast %swap3A_537 : i32 to index
      %swap3A_539 = arith.index_cast %mul3A_248 : i32 to index
      %swap3A_540 = tpu.vector_load %arg132[%swap3A_538, %swap3A_539] {strides = array<i32>} : memref<65x512xf32, #tpu.memory_space<vmem>>, vector<16xf32>,
      tpu.vector_store %arg132[%swap3A_538, %swap3A_539], %get3A_536 {strides = array<i32>} : memref<65x512xf32, #tpu.memory_space<vmem>>, vector<16xf32>,
      %get3A_541 = arith.index_cast %mul3A_248 : i32 to index
      %get3A_542 = tpu.vector_load %arg124[%get3A_541] {strides = array<i32>} : memref<512xf32, #tpu.memory_space<vmem>>, vector<16xf32>,
      %swap3A_543 = arith.constant 49 : i32
      %swap3A_544 = arith.index_cast %swap3A_543 : i32 to index
      %swap3A_545 = arith.index_cast %mul3A_248 : i32 to index
      %swap3A_546 = tpu.vector_load %arg132[%swap3A_544, %swap3A_545] {strides = array<i32>} : memref<65x512xf32, #tpu.memory_space<vmem>>, vector<16xf32>,
      tpu.vector_store %arg132[%swap3A_544, %swap3A_545], %get3A_542 {strides = array<i32>} : memref<65x512xf32, #tpu.memory_space<vmem>>, vector<16xf32>,
      %get3A_547 = arith.index_cast %mul3A_248 : i32 to index
      %get3A_548 = tpu.vector_load %arg125[%get3A_547] {strides = array<i32>} : memref<512xf32, #tpu.memory_space<vmem>>, vector<16xf32>,
      %swap3A_549 = arith.constant 50 : i32
      %swap3A_550 = arith.index_cast %swap3A_549 : i32 to index
      %swap3A_551 = arith.index_cast %mul3A_248 : i32 to index
      %swap3A_552 = tpu.vector_load %arg132[%swap3A_550, %swap3A_551] {strides = array<i32>} : memref<65x512xf32, #tpu.memory_space<vmem>>, vector<16xf32>,
      tpu.vector_store %arg132[%swap3A_550, %swap3A_551], %get3A_548 {strides = array<i32>} : memref<65x512xf32, #tpu.memory_space<vmem>>, vector<16xf32>,
      %get3A_553 = arith.index_cast %mul3A_248 : i32 to index
      %get3A_554 = tpu.vector_load %arg126[%get3A_553] {strides = array<i32>} : memref<512xf32, #tpu.memory_space<vmem>>, vector<16xf32>,
      %swap3A_555 = arith.constant 51 : i32
      %swap3A_556 = arith.index_cast %swap3A_555 : i32 to index
      %swap3A_557 = arith.index_cast %mul3A_248 : i32 to index
      %swap3A_558 = tpu.vector_load %arg132[%swap3A_556, %swap3A_557] {strides = array<i32>} : memref<65x512xf32, #tpu.memory_space<vmem>>, vector<16xf32>,
      tpu.vector_store %arg132[%swap3A_556, %swap3A_557], %get3A_554 {strides = array<i32>} : memref<65x512xf32, #tpu.memory_space<vmem>>, vector<16xf32>,
      %get3A_559 = arith.index_cast %mul3A_248 : i32 to index
      %get3A_560 = tpu.vector_load %arg127[%get3A_559] {strides = array<i32>} : memref<512xf32, #tpu.memory_space<vmem>>, vector<16xf32>,
      %swap3A_561 = arith.constant 52 : i32
      %swap3A_562 = arith.index_cast %swap3A_561 : i32 to index
      %swap3A_563 = arith.index_cast %mul3A_248 : i32 to index
      %swap3A_564 = tpu.vector_load %arg132[%swap3A_562, %swap3A_563] {strides = array<i32>} : memref<65x512xf32, #tpu.memory_space<vmem>>, vector<16xf32>,
      tpu.vector_store %arg132[%swap3A_562, %swap3A_563], %get3A_560 {strides = array<i32>} : memref<65x512xf32, #tpu.memory_space<vmem>>, vector<16xf32>,
      %get3A_565 = arith.index_cast %mul3A_248 : i32 to index
      %get3A_566 = tpu.vector_load %arg128[%get3A_565] {strides = array<i32>} : memref<512xf32, #tpu.memory_space<vmem>>, vector<16xf32>,
      %swap3A_567 = arith.constant 53 : i32
      %swap3A_568 = arith.index_cast %swap3A_567 : i32 to index
      %swap3A_569 = arith.index_cast %mul3A_248 : i32 to index
      %swap3A_570 = tpu.vector_load %arg132[%swap3A_568, %swap3A_569] {strides = array<i32>} : memref<65x512xf32, #tpu.memory_space<vmem>>, vector<16xf32>,
      tpu.vector_store %arg132[%swap3A_568, %swap3A_569], %get3A_566 {strides = array<i32>} : memref<65x512xf32, #tpu.memory_space<vmem>>, vector<16xf32>,
      %get3A_571 = arith.index_cast %mul3A_248 : i32 to index
      %get3A_572 = tpu.vector_load %arg129[%get3A_571] {strides = array<i32>} : memref<512xf32, #tpu.memory_space<vmem>>, vector<16xf32>,
      %swap3A_573 = arith.constant 54 : i32
      %swap3A_574 = arith.index_cast %swap3A_573 : i32 to index
      %swap3A_575 = arith.index_cast %mul3A_248 : i32 to index
      %swap3A_576 = tpu.vector_load %arg132[%swap3A_574, %swap3A_575] {strides = array<i32>} : memref<65x512xf32, #tpu.memory_space<vmem>>, vector<16xf32>,
      tpu.vector_store %arg132[%swap3A_574, %swap3A_575], %get3A_572 {strides = array<i32>} : memref<65x512xf32, #tpu.memory_space<vmem>>, vector<16xf32>,
      %get3A_577 = arith.index_cast %mul3A_248 : i32 to index
      %get3A_578 = tpu.vector_load %arg130[%get3A_577] {strides = array<i32>} : memref<512xf32, #tpu.memory_space<vmem>>, vector<16xf32>,
      %swap3A_579 = arith.constant 55 : i32
      %swap3A_580 = arith.index_cast %swap3A_579 : i32 to index
      %swap3A_581 = arith.index_cast %mul3A_248 : i32 to index
      %swap3A_582 = tpu.vector_load %arg132[%swap3A_580, %swap3A_581] {strides = array<i32>} : memref<65x512xf32, #tpu.memory_space<vmem>>, vector<16xf32>,
      tpu.vector_store %arg132[%swap3A_580, %swap3A_581], %get3A_578 {strides = array<i32>} : memref<65x512xf32, #tpu.memory_space<vmem>>, vector<16xf32>,
      %get3A_583 = arith.index_cast %mul3A_248 : i32 to index
      %get3A_584 = tpu.vector_load %arg131[%get3A_583] {strides = array<i32>} : memref<512xf32, #tpu.memory_space<vmem>>, vector<16xf32>,
      %swap3A_585 = arith.constant 56 : i32
      %swap3A_586 = arith.index_cast %swap3A_585 : i32 to index
      %swap3A_587 = arith.index_cast %mul3A_248 : i32 to index
      %swap3A_588 = tpu.vector_load %arg132[%swap3A_586, %swap3A_587] {strides = array<i32>} : memref<65x512xf32, #tpu.memory_space<vmem>>, vector<16xf32>,
      tpu.vector_store %arg132[%swap3A_586, %swap3A_587], %get3A_584 {strides = array<i32>} : memref<65x512xf32, #tpu.memory_space<vmem>>, vector<16xf32>,
    }
    %scan3A_245 = arith.constant 32 : i32
    "tpu.region"() ({
      %run_scoped3A = tpu.sem_alloc : memref<!tpu.dma_semaphore, #tpu.memory_space<semaphore_mem>>
      %dma_start3A_246 = arith.constant 0 : i32
      %dma_start3A_247 = tpu.memref_slice %arg11[%dma_start3A_246, %mul3A_2] : memref<65x16384xf32, #tpu.memory_space<hbm>> -> memref<65x512xf32, #tpu.memory_space<hbm>>
      %dma_start3A_248 = arith.constant 0 : i32
      %dma_start3A_249 = tpu.memref_slice %arg11[%dma_start3A_248, %mul3A_2] : memref<65x16384xf32, #tpu.memory_space<hbm>> -> memref<65x512xf32, #tpu.memory_space<hbm>>
      tpu.enqueue_dma source(%arg132 : memref<65x512xf32, #tpu.memory_space<vmem>>) target(%dma_start3A_249 : memref<65x512xf32, #tpu.memory_space<hbm>>) target_semaphore(%run_scoped3A : memref<!tpu.dma_semaphore, #tpu.memory_space<semaphore_mem>>)
      %dma_wait3A_250 = arith.constant 0 : i32
      %dma_wait3A_251 = tpu.memref_slice %arg11[%dma_wait3A_250, %mul3A_2] : memref<65x16384xf32, #tpu.memory_space<hbm>> -> memref<65x512xf32, #tpu.memory_space<hbm>>
      %dma_wait3A_252 = arith.constant 0 : i32
      %dma_wait3A_253 = tpu.memref_slice %arg11[%dma_wait3A_252, %mul3A_2] : memref<65x16384xf32, #tpu.memory_space<hbm>> -> memref<65x512xf32, #tpu.memory_space<hbm>>
      tpu.wait_dma2 semaphore(%run_scoped3A : memref<!tpu.dma_semaphore, #tpu.memory_space<semaphore_mem>>) src(%arg132 : memref<65x512xf32, #tpu.memory_space<vmem>>) dst(%dma_wait3A_253 : memref<65x512xf32, #tpu.memory_space<hbm>>)
      tpu.yield
    }) : () -> ()
    return
  }
}

</mosaic_0001>

<sc_bundles>
// kernel: kernel.3.cloned.1.call-start
scs
__scs_entry_jumppad:
0x0: {  	(pc) =	sbr.rel $0x88, $3  }
0x1: {  	(tag) =	ssettag $0x0;
	lr =	simm.s32 $0x1  }
0x2: {  	[smem:$0x3F98] =	sst lr;
	_ =	strace $0xD0000000  }
0x3: {  	_ = 	snop  }
0x4: {  	_ = 	snop  }
0x5: {  	_ = 	snop  }
0x6: {  	_ = 	snop  }
0x7: {  	_ = 	snop  }
__scs_overlays_trampoline_lowered:
0x8: {  	[smem:$0x3FA7] =	sst s0  }
0x9: {  	[smem:$0x3FA8] =	sst s1  }
0xa: {  	[smem:$0x3FA9] =	sst s2  }
0xb: {  	[smem:$0x3FAA] =	sst s3  }
0xc: {  	[smem:$0x3FAB] =	sst s4  }
0xd: {  	[smem:$0x3FAC] =	sst s5  }
0xe: {  	[smem:$0x3FAD] =	sst s6  }
0xf: {  	[smem:$0x3FAE] =	sst s7  }
0x10: {  	[smem:$0x3FAF] =	sst s8  }
0x11: {  	[smem:$0x3FB0] =	sst s9;
	s0 =	simm.s32 @!p0 $0x0  }
0x12: {  	s1 =	sld [smem:$0x3F96];
	s0 =	simm.s32 @p0 $0x1  }
0x13: {  	[smem:$0x3FB1] =	sst s0;
	s0 =	simm.s32 @!p1 $0x0  }
0x14: {  	s2 =	sld [smem:$0x3F95];
	s0 =	simm.s32 @p1 $0x1  }
0x15: {  	[smem:$0x3FB2] =	sst s0;
	s0 =	simm.s32 @!p2 $0x0  }
0x16: {  	s3 =	sld [smem:$0x3FDB];
	s0 =	simm.s32 @p2 $0x1  }
0x17: {  	s4 =	simm.s32 $0x1BF5;
	[smem:$0x3FB4] =	sst s0  }
0x18: {  	s0 =	sld [smem:$0x3F97];
	_ =	swait.ge [sflag:s4], $0x0  }
0x19: {  	s7 =	sld [smem:$0x3F98]  }
0x1a: {  	s8 =	sadd.s32 $0xFFFFE003, lr  }
0x1b: {  	s9 =	sadd.s32 $0xFFFFFEF7, lr;
	s5 =	simm.s32 $0xFFFFFFFF;
	p2 =	slt.u32 s8, $0xFFFFF086  }
0x1c: {  	p1 =	slt.u32 s9, $0xF7A;
	s5 =	simm.s32 @!p2 $0x0  }
0x1d: {  	s5 =	simm.s32 @p1 $0x1;
	p0 =	seq.s32 s7, s2  }
0x1e: {  	s7 =	smul.u32 @!p0 $0xF7A, s2;
	p2 =	seq.s32 @!p0 s5, $0x0  }
0x1f: {  	s9 =	smul.u32 $0xF7A, s1;
	s8 =	simm.s32 @!p0 $0x1BF5;
	p2 =	por !p2, p0  }
0x20: {  	[sflag:s8] =	ssyncset.s32 @!p0 $0xFFFFF086;
	s6 =	sadd.s32 @!p0 s3, s7;
	s7 =	simm.s32 @!p0 $0x108  }
0x21: {  	s3 =	sadd.s32 s3, s9;
	s6 =	sadd.s32 @!p0 $0x88, s6;
	s7 =	simm.s32 @p2 $0x1082  }
0x22: {  	[simem:s7], [sflag:s8] =	dma.local @!p0 [hbm:s6], $0xF7A  }
0x23: {  	s9 =	sor.u32 $0xD0000000, s2;
	s6 =	simm.s32 $0x108;
	_ =	swait.ge @!p0 [sflag:s8], $0x0  }
0x24: {  	s3 =	sadd.s32 $0x88, s3;
	s6 =	simm.s32 @!p1 $0x1082;
	[sflag:s4] =	ssyncset.s32 $0xFFFFF086  }
0x25: {  	[simem:s6], [sflag:s4] =	dma.local [hbm:s3], $0xF7A  }
0x26: {  	[smem:$0x3F98] =	sst s1;
	(tag) =	ssettag s2;
	_ =	strace s9  }
0x27: {  	s1 =	sld [smem:$0x3FA8]  }
0x28: {  	s2 =	sld [smem:$0x3FA9]  }
0x29: {  	s4 =	sld [smem:$0x3FAB]  }
0x2a: {  	p0 =	seq.s32 s5, $0x0;
	s5 =	sld [smem:$0x3FAC]  }
0x2b: {  	s6 =	sld [smem:$0x3FAD]  }
0x2c: {  	s7 =	sld [smem:$0x3FAE]  }
0x2d: {  	s3 =	simm.s32 $0x108;
	s8 =	sld [smem:$0x3FAF]  }
0x2e: {  	s3 =	simm.s32 @!p0 $0x1082;
	s9 =	sld [smem:$0x3FB0]  }
0x2f: {  	lr =	sadd.s32 s0, s3;
	s0 =	sld [smem:$0x3FA7]  }
0x30: {  	s3 =	sld [smem:$0x3FAA]  }
0x31: {  	[smem:$0x3FB3] =	sst s10  }
0x32: {  	s10 =	sld [smem:$0x3FB1];
	_ =	sdelay $0x3  }
0x33: {  	p0 =	seq.s32 s10, $0x1;
	s10 =	sld [smem:$0x3FB3];
	_ =	sdelay $0x3  }
0x34: {  	[smem:$0x3FB3] =	sst s10  }
0x35: {  	s10 =	sld [smem:$0x3FB2];
	_ =	sdelay $0x3  }
0x36: {  	p1 =	seq.s32 s10, $0x1;
	s10 =	sld [smem:$0x3FB3];
	_ =	sdelay $0x3  }
0x37: {  	[smem:$0x3FB3] =	sst s10  }
0x38: {  	s10 =	sld [smem:$0x3FB4]  }
0x39: {  	_ = 	snop;
	(pc) =	sbr.ind lr, $3  }
0x3a: {  	_ = 	snop  }
0x3b: {  	_ = 	snop  }
0x3c: {  	p2 =	seq.s32 s10, $0x1;
	s10 =	sld [smem:$0x3FB3]  }
0x3d: {  	_ =	shalt  }
0x3e: {  	_ =	shalt  }
0x3f: {  	_ =	shalt  }
0x40: {  	_ =	shalt  }
0x41: {  	_ =	shalt  }
0x42: {  	_ =	shalt  }
0x43: {  	_ =	shalt  }
0x44: {  	_ =	shalt  }
0x45: {  	_ =	shalt  }
0x46: {  	_ =	shalt  }
0x47: {  	_ =	shalt  }
0x48: {  	_ =	shalt  }
0x49: {  	_ =	shalt  }
0x4a: {  	_ =	shalt  }
0x4b: {  	_ =	shalt  }
0x4c: {  	_ =	shalt  }
0x4d: {  	_ =	shalt  }
0x4e: {  	_ =	shalt  }
0x4f: {  	_ =	shalt  }
0x50: {  	_ =	shalt  }
0x51: {  	_ =	shalt  }
0x52: {  	_ =	shalt  }
0x53: {  	_ =	shalt  }
0x54: {  	_ =	shalt  }
0x55: {  	_ =	shalt  }
0x56: {  	_ =	shalt  }
0x57: {  	_ =	shalt  }
0x58: {  	_ =	shalt  }
0x59: {  	_ =	shalt  }
0x5a: {  	_ =	shalt  }
0x5b: {  	_ =	shalt  }
0x5c: {  	_ =	shalt  }
0x5d: {  	_ =	shalt  }
0x5e: {  	_ =	shalt  }
0x5f: {  	_ =	shalt  }
0x60: {  	_ =	shalt  }
0x61: {  	_ =	shalt  }
0x62: {  	_ =	shalt  }
0x63: {  	_ =	shalt  }
0x64: {  	_ =	shalt  }
0x65: {  	_ =	shalt  }
0x66: {  	_ =	shalt  }
0x67: {  	_ =	shalt  }
0x68: {  	_ =	shalt  }
0x69: {  	_ =	shalt  }
0x6a: {  	_ =	shalt  }
0x6b: {  	_ =	shalt  }
0x6c: {  	_ =	shalt  }
0x6d: {  	_ =	shalt  }
0x6e: {  	_ =	shalt  }
0x6f: {  	_ =	shalt  }
0x70: {  	_ =	shalt  }
0x71: {  	_ =	shalt  }
0x72: {  	_ =	shalt  }
0x73: {  	_ =	shalt  }
0x74: {  	_ =	shalt  }
0x75: {  	_ =	shalt  }
0x76: {  	_ =	shalt  }
0x77: {  	_ =	shalt  }
0x78: {  	_ =	shalt  }
0x79: {  	_ =	shalt  }
0x7a: {  	_ =	shalt  }
0x7b: {  	_ =	shalt  }
0x7c: {  	_ =	shalt  }
0x7d: {  	_ =	shalt  }
0x7e: {  	_ =	shalt  }
0x7f: {  	_ =	shalt  }
0x80: {  	_ =	shalt  }
0x81: {  	_ =	shalt  }
0x82: {  	_ =	shalt  }
0x83: {  	_ =	shalt  }
0x84: {  	_ =	shalt  }
0x85: {  	_ =	shalt  }
0x86: {  	_ =	shalt  }
0x87: {  	_ =	shalt  }
.Lfunc_end0:
.L_simem_size_0:
called_computation_lowered:
.L_overlay_start_0:
0x88: {  	s2 =	sld [smem:$0x3FD9]  }
0x89: {  	s3 =	sld [smem:$0x3FFE];
	_ =	sdelay $0x1  }
0x8a: {  	s1 =	srdreg.scid  }
0x8b: {  	s0 =	sand.u32 $0x1, s1  }
0x8c: {  	s17 =	sshll.u32 s0, $0xA;
	s2 =	sadd.s32 s3, s2  }
0x8d: {  	s2 =	sadd.s32 s2, s17  }
0x8e: {  	[smem:$0x3FBF] =	sst s2  }
0x8f: {  	_ = 	snop  }
0x90: {  	s2 =	sld [smem:$0x3FC9]  }
0x91: {  	s18 =	sld [smem:$0x3FC8]  }
0x92: {  	s4 =	sld [smem:$0x3FC7]  }
0x93: {  	s5 =	sld [smem:$0x3FC6]  }
0x94: {  	s6 =	sld [smem:$0x3FC5]  }
0x95: {  	s7 =	sld [smem:$0x3FD0];
	(tm) =	ssettm $0x1  }
0x96: {  	s8 =	sld [smem:$0x3FFB];
	_ =	sdelay $0x3  }
0x97: {  	_ =	strace s8  }
0x98: {  	s8 =	sld [smem:$0x3FFC];
	_ =	sdelay $0x3  }
0x99: {  	_ =	strace s8  }
0x9a: {  	s8 =	sld [smem:$0x3FFD];
	_ =	sdelay $0x3  }
0x9b: {  	_ =	strace s8  }
0x9c: {  	_ =	strace $0x8FFFFFFF  }
0x9d: {  	s19 =	sld [smem:$0x3FDB];
	_ =	sdelay $0x1  }
0x9e: {  	s9 =	simm.s32 $_scs_section_size  }
0x9f: {  	s10 =	simm.s32 $_size__tile_overlayer_lowered;
	s11 =	simm.s32 $_tile_overlayer_lowered  }
0xa0: {  	s22 =	simm.s32 $0x1BFF;
	s21 =	sshll.u32 s11, $0x1;
	s8 =	sadd.s32 s9, s19  }
0xa1: {  	s12 =	simm.s32 $0x0;
	s20 =	sshll.u32 s10, $0x1;
	s10 =	sadd.s32 s21, s8  }
0xa2: {  	[timem:s12], [sflag:s22] =	dma.local [hbm:s10], s20  }
0xa3: {  	_ =	swait.ge [sflag:s22], s20  }
0xa4: {  	s9 =	ssub.s32 $0x0, s20;
	[sflag:s22] =	ssyncset.done $0x0  }
0xa5: {  	[sflag:s22] =	ssyncadd.s32 s9;
	_ =	sdelay $0x1  }
0xa6: {  	s23 =	simm.s32 $0x1B8B  }
0xa7: {  	_ =	swait.ge [sflag:s23], $0x1  }
0xa8: {  	[sflag:s23] =	ssyncset.done $0x0  }
0xa9: {  	s25 =	simm.s32 $0x1B8E;
	s24 =	sld [smem:$0x3FFE];
	[sflag:s23] =	ssyncadd.s32 $0xFFFFFFFF  }
0xaa: {  	s26 =	simm.s32 $execute0_lowered;
	[smem:$0x3FD2] =	sst s25  }
0xab: {  	s10 =	sshll.u32 s26, $0x1;
	_ =	strace $0x80000046;
	[dreg:$0x1] =	wrdreg $0xFFFFFFFF  }
0xac: {  	s28 =	simm.s32 $_size_execute0_lowered;
	s8 =	sadd.s32 s8, s10;
	[dreg:$0x0] =	wrdreg $0x0  }
0xad: {  	s10 =	sshll.u32 s28, $0x1;
	[dreg:$0x2] =	wrdreg s8  }
0xae: {  	[dreg:$0x3] =	wrdreg s10  }
0xaf: {  	[dreg:$0x4] =	wrdreg $0xC0  }
0xb0: {  	_ =	task [dreg:s12], $0x5FFFF  }
0xb1: {  	[dreg:$0x1] =	wrdreg $0xFFFFFFFF  }
0xb2: {  	[dreg:$0x0] =	wrdreg $0x60  }
0xb3: {  	[dreg:$0x2] =	wrdreg s2  }
0xb4: {  	[dreg:$0x3] =	wrdreg s18  }
0xb5: {  	[dreg:$0x4] =	wrdreg s4  }
0xb6: {  	[dreg:$0x5] =	wrdreg s5  }
0xb7: {  	[dreg:$0x6] =	wrdreg s6  }
0xb8: {  	[dreg:$0x7] =	wrdreg s24  }
0xb9: {  	[dreg:$0x8] =	wrdreg s7  }
0xba: {  	[dreg:$0x9] =	wrdreg $0x9  }
0xbb: {  	_ =	task.clear_ibuf [dreg:s12], $0xAFFFF;
	_ =	strace $0x90000046  }
0xbc: {  	s29 =	simm.s32 $0x9;
	_ =	strace $0x80000048  }
0xbd: {  	_ =	swait.ge [sflag:s29], $0x1  }
0xbe: {  	[sflag:s29] =	ssyncadd.s32 $0xFFFFFFFF  }
0xbf: {  	_ =	strace $0x90000048  }
0xc0: {  	_ =	sfence  }
0xc1: {  	s30 =	sld [smem:$0x0];
	_ =	sdelay $0x2  }
0xc2: {  	s31 =	sshll.u32 s1, $0xD;
	s1 =	sshrl.u32 s1, $0x2  }
0xc3: {  	s3 =	sand.u32 $0x4000, s31;
	s1 =	sadd.s32 s1, s30  }
0xc4: {  	s0 =	sor.u32 s3, s0;
	s1 =	sshll.u32 s1, $0x11  }
0xc5: {  	s0 =	sor.u32 s1, s0  }
0xc6: {  	s0 =	sadd.s32 $0x8F2B, s0  }
0xc7: {  	[sflag:s0] =	ssyncadd.remote.s32 $0x1  }
0xc8: {  	_ =	sfence.sel $0xFFFF  }
0xc9: {  	[dreg:$0x0] =	wrdreg $0xFFFFFFFF;
	(pc) =	sbr.abs _section_cstart, $3  }
0xca: {  	[dreg:$0x1] =	wrdreg $0xFFFFFFFF  }
0xcb: {  	_ =	task.clear_ibuf [dreg:s12], $0x2FFFF;
	_ =	strace $0x9FFFFFFF  }
0xcc: {  	(tm) =	ssettm $0x7FFFFFFF  }
0xcd: {  	_ =	shalt  }
tec
execute0_lowered:
.L_overlay_start_1:
0x0: {  	(tag) =	ssettag $0x1  }
0x1: {  	s0 =	rddreg [dreg:$0x0]  }
0x2: {  	s2 =	rddreg [dreg:$0x1]  }
0x3: {  	s9 =	rddreg [dreg:$0x2]  }
0x4: {  	s10 =	rddreg [dreg:$0x3]  }
0x5: {  	s11 =	rddreg [dreg:$0x4]  }
0x6: {  	s6 =	rddreg [dreg:$0x5]  }
0x7: {  	s12 =	rddreg [dreg:$0x6];
	s1 =	simm.s32 $0x0  }
0x8: {  	s4 =	srdreg.scid;
	s5 =	stileid.u32;
	s18 =	simm.s32 $0x800  }
0x9: {  	s16 =	simm.s32 $0x7B00;
	s17 =	simm.s32 $0xED00;
	s19 =	simm.s32 $0x7D00  }
0xa: {  	s20 =	simm.s32 $0xEF00;
	s21 =	simm.s32 $0x1;
	s22 =	simm.s32 $0x1000  }
0xb: {  	s23 =	simm.s32 $0x20000;
	s24 =	simm.s32 $0xF100;
	s25 =	simm.s32 $0x0  }
0xc: {  	s3 =	sadd.s32 $0xF42E00, s6;
	s7 =	sand.u32 $0x1, s4;
	s4 =	sadd.s32 $0x11A5400, s6  }
0xd: {  	[smem:$0x7FF] =	sst s1;
	s8 =	sshll.u32 s5, $0xA;
	s5 =	sadd.s32 $0x187400, s6  }
0xe: {  	s6 =	sadd.s32 $0x800, s6;
	s13 =	sshll.u32 s7, $0x9;
	s7 =	ssub.s32 $0x2, s7  }
0xf: {  	_ =	strace $0x80000047;
	s13 =	sor.u32 s13, s8;
	s31 =	sshrl.u32 s7, $0x1  }
0x10: {  	s14 =	sshrl.u32 s13, $0x3;
	s15 =	ssub.s32 s7, s31;
	s12 =	sadd.s32 s12, s13  }
0x11: {  	s7 =	sadd.s32 s0, s14;
	s8 =	sadd.s32 s2, s14;
	s9 =	sadd.s32 s9, s14  }
0x12: {  	s10 =	sadd.s32 s10, s14;
	s11 =	sadd.s32 s11, s14;
	s13 =	smax.u32 s15, $0x1  }
0x13: {  	s14 =	simm.s32 $0x2;
	s15 =	simm.s32 $0x200;
	s2 =	simm.s32 $0xEB00  }
.LBB2_1:
0x14: {  	[tilespmem:s1], [sflag:$0x2] =	stream.linear.gather [hbm4b:s7+s1], $0x200, $0x38;
	[tilespmem:$0x18100] =	vst v63  }
0x15: {  	_ =	swait.ge [sflag:s14], $0x200  }
0x16: {  	[sflag:s14] =	ssyncset.done $0x0  }
0x17: {  	[sflag:s14] =	ssyncadd.s32 $0xFFFFFE00  }
0x18: {  	[tilespmem:s15], [sflag:$0x2] =	stream.linear.gather [hbm4b:s8+s1], $0x200, $0x38;
	[tilespmem:$0x18100] =	vst v63  }
0x19: {  	_ =	swait.ge [sflag:s14], $0x200  }
0x1a: {  	[sflag:s14] =	ssyncset.done $0x0  }
0x1b: {  	s0 =	simm.s32 $0x400;
	[sflag:s14] =	ssyncadd.s32 $0xFFFFFE00  }
0x1c: {  	[tilespmem:s0], [sflag:$0x2] =	stream.linear.gather [hbm4b:s9+s1], $0x200, $0x38;
	[tilespmem:$0x18100] =	vst v63  }
0x1d: {  	_ =	swait.ge [sflag:s14], $0x200  }
0x1e: {  	[sflag:s14] =	ssyncset.done $0x0  }
0x1f: {  	s31 =	simm.s32 $0x600;
	[sflag:s14] =	ssyncadd.s32 $0xFFFFFE00  }
0x20: {  	[tilespmem:s31], [sflag:$0x2] =	stream.linear.gather [hbm4b:s10+s1], $0x200, $0x38;
	[tilespmem:$0x18100] =	vst v63  }
0x21: {  	_ =	swait.ge [sflag:s14], $0x200  }
0x22: {  	[sflag:s14] =	ssyncset.done $0x0  }
0x23: {  	[sflag:s14] =	ssyncadd.s32 $0xFFFFFE00  }
0x24: {  	[tilespmem:s18], [sflag:$0x2] =	stream.linear.gather [hbm4b:s6+s1], $0x300, $0x38;
	[tilespmem:$0x18100] =	vst v63  }
0x25: {  	_ =	swait.ge [sflag:s14], $0x300  }
0x26: {  	[sflag:s14] =	ssyncset.done $0x0  }
0x27: {  	s26 =	simm.s32 $0x0;
	[sflag:s14] =	ssyncadd.s32 $0xFFFFFD00  }
0x28: {  	v0 =	vld [tilespmem:s26+$0x400]  }
0x29: {  	v1 =	vld [tilespmem:s26+$0x0];
	_ =	sdelay $0x3  }
0x2a: {  	v2 =	vmul.u32 $0x11, v0  }
0x2b: {  	v0 =	vmul.u32 $0x14, v1  }
0x2c: {  	[tilespmem:s26+$0x5D00] =	vst v2;
	v1 =	vadd.s32 $0x10, v2  }
0x2d: {  	v4 =	vor.u32 $0x1, v0;
	[tilespmem:s26+$0x7D00] =	vst v1  }
0x2e: {  	v8 =	vadd.s32 $0xA, v2;
	[tilespmem:s26+$0xF00] =	vst v4  }
0x2f: {  	v1 =	vor.u32 $0x2, v0;
	[tilespmem:s26+$0x7100] =	vst v8  }
0x30: {  	v4 =	vor.u32 $0x3, v0;
	[tilespmem:s26+$0x1100] =	vst v1  }
0x31: {  	v1 =	vadd.s32 $0x4, v0;
	[tilespmem:s26+$0x1300] =	vst v4  }
0x32: {  	v4 =	vadd.s32 $0x5, v0;
	[tilespmem:s26+$0x1500] =	vst v1  }
0x33: {  	v1 =	vadd.s32 $0x6, v0;
	[tilespmem:s26+$0x1700] =	vst v4  }
0x34: {  	v4 =	vadd.s32 $0x7, v0;
	[tilespmem:s26+$0x1900] =	vst v1  }
0x35: {  	v1 =	vadd.s32 $0x8, v0;
	[tilespmem:s26+$0x1B00] =	vst v4  }
0x36: {  	v4 =	vadd.s32 $0x9, v0;
	[tilespmem:s26+$0x1D00] =	vst v1  }
0x37: {  	v1 =	vadd.s32 $0xA, v0;
	[tilespmem:s26+$0x1F00] =	vst v4  }
0x38: {  	v4 =	vadd.s32 $0xB, v0;
	[tilespmem:s26+$0x2100] =	vst v1  }
0x39: {  	v1 =	vadd.s32 $0xC, v0;
	[tilespmem:s26+$0x2300] =	vst v4  }
0x3a: {  	v3 =	vld [tilespmem:s26+$0x200];
	v4 =	vadd.s32 $0xD, v0;
	[tilespmem:s26+$0x2500] =	vst v1  }
0x3b: {  	v1 =	vadd.s32 $0xE, v0;
	[tilespmem:s26+$0x2700] =	vst v4  }
0x3c: {  	v4 =	vadd.s32 $0xF, v0;
	[tilespmem:s26+$0x2900] =	vst v1  }
0x3d: {  	v1 =	vadd.s32 $0x10, v0;
	[tilespmem:s26+$0x2B00] =	vst v4  }
0x3e: {  	v4 =	vadd.s32 $0x11, v0;
	[tilespmem:s26+$0x2D00] =	vst v1  }
0x3f: {  	v1 =	vmul.u32 $0x14, v3;
	v3 =	vadd.s32 $0x12, v0;
	[tilespmem:s26+$0x2F00] =	vst v4  }
0x40: {  	v4 =	vadd.s32 $0x13, v0;
	[tilespmem:s26+$0x3100] =	vst v3  }
0x41: {  	[tilespmem:s26+$0x3300] =	vst v4;
	v3 =	vor.u32 $0x1, v1  }
0x42: {  	v4 =	vor.u32 $0x2, v1;
	[tilespmem:s26+$0x3700] =	vst v3  }
0x43: {  	v3 =	vor.u32 $0x3, v1;
	[tilespmem:s26+$0x3900] =	vst v4  }
0x44: {  	v4 =	vadd.s32 $0x4, v1;
	[tilespmem:s26+$0x3B00] =	vst v3  }
0x45: {  	v3 =	vadd.s32 $0x5, v1;
	[tilespmem:s26+$0x3D00] =	vst v4  }
0x46: {  	v4 =	vadd.s32 $0x6, v1;
	[tilespmem:s26+$0x3F00] =	vst v3  }
0x47: {  	v3 =	vadd.s32 $0x7, v1;
	[tilespmem:s26+$0x4100] =	vst v4  }
0x48: {  	v4 =	vadd.s32 $0x8, v1;
	[tilespmem:s26+$0x4300] =	vst v3  }
0x49: {  	v3 =	vadd.s32 $0x9, v1;
	[tilespmem:s26+$0x4500] =	vst v4  }
0x4a: {  	v4 =	vadd.s32 $0xA, v1;
	[tilespmem:s26+$0x4700] =	vst v3  }
0x4b: {  	v3 =	vadd.s32 $0xB, v1;
	[tilespmem:s26+$0x4900] =	vst v4  }
0x4c: {  	v4 =	vadd.s32 $0xC, v1;
	[tilespmem:s26+$0x4B00] =	vst v3  }
0x4d: {  	v3 =	vadd.s32 $0xD, v1;
	[tilespmem:s26+$0x4D00] =	vst v4  }
0x4e: {  	v4 =	vadd.s32 $0xE, v1;
	[tilespmem:s26+$0x4F00] =	vst v3  }
0x4f: {  	v3 =	vadd.s32 $0xF, v1;
	[tilespmem:s26+$0x5100] =	vst v4  }
0x50: {  	v4 =	vadd.s32 $0x10, v1;
	[tilespmem:s26+$0x5300] =	vst v3  }
0x51: {  	v3 =	vadd.s32 $0x11, v1;
	[tilespmem:s26+$0x5500] =	vst v4  }
0x52: {  	v4 =	vadd.s32 $0x12, v1;
	[tilespmem:s26+$0x5700] =	vst v3  }
0x53: {  	v3 =	vadd.s32 $0x13, v1;
	[tilespmem:s26+$0x5900] =	vst v4  }
0x54: {  	v4 =	vadd.s32 $0x1, v2;
	[tilespmem:s26+$0x5B00] =	vst v3  }
0x55: {  	v3 =	vadd.s32 $0x2, v2;
	[tilespmem:s26+$0x5F00] =	vst v4  }
0x56: {  	v4 =	vadd.s32 $0x3, v2;
	[tilespmem:s26+$0x6100] =	vst v3  }
0x57: {  	v3 =	vadd.s32 $0x4, v2;
	[tilespmem:s26+$0x6300] =	vst v4  }
0x58: {  	v4 =	vadd.s32 $0x5, v2;
	[tilespmem:s26+$0x6500] =	vst v3  }
0x59: {  	v3 =	vadd.s32 $0x6, v2;
	[tilespmem:s26+$0x6700] =	vst v4  }
0x5a: {  	v4 =	vadd.s32 $0x7, v2;
	[tilespmem:s26+$0x6900] =	vst v3  }
0x5b: {  	v3 =	vadd.s32 $0x8, v2;
	[tilespmem:s26+$0x6B00] =	vst v4  }
0x5c: {  	v7 =	vadd.s32 $0xB, v2;
	v6 =	vadd.s32 $0xC, v2;
	v4 =	vadd.s32 $0x9, v2;
	[tilespmem:s26+$0x6D00] =	vst v3  }
0x5d: {  	s29 =	simm.s32 $0x10;
	s28 =	simm.s32 $0x80;
	v5 =	vadd.s32 $0xF, v2;
	[tilespmem:s26+$0x6F00] =	vst v4;
	v4 =	vadd.s32 $0xD, v2;
	v3 =	vadd.s32 $0xE, v2  }
.LBB2_2:
0x5e: {  	p0 =	sne.s32 s28, $0x7C0;
	v2 =	vld [tilespmem:s29+$0x400];
	[tilespmem:s26+$0x7300] =	vst v7  }
0x5f: {  	v7 =	vld [tilespmem:s29+$0x0];
	[tilespmem:s26+$0x7500] =	vst v6  }
0x60: {  	v6 =	vld [tilespmem:s29+$0x200];
	[tilespmem:s26+$0x7700] =	vst v4  }
0x61: {  	[tilespmem:s26+$0x7900] =	vst v3  }
0x62: {  	[tilespmem:s26+$0x7B00] =	vst v5  }
0x63: {  	v5 =	vmul.u32 $0x11, v2;
	[tilespmem:s26+$0xD00] =	vst v0  }
0x64: {  	v0 =	vmul.u32 $0x14, v7;
	[tilespmem:s26+$0x3500] =	vst v1;
	s26 =	smov.u32 s29  }
0x65: {  	v1 =	vmul.u32 $0x14, v6;
	[tilespmem:s26+$0x5D00] =	vst v5;
	v2 =	vadd.s32 $0x1, v5;
	v3 =	vadd.s32 $0x10, v5  }
0x66: {  	v4 =	vor.u32 $0x1, v0;
	v6 =	vor.u32 $0x2, v0;
	v7 =	vor.u32 $0x3, v0;
	[tilespmem:s26+$0x7D00] =	vst v3  }
0x67: {  	v3 =	vadd.s32 $0x4, v0;
	v8 =	vadd.s32 $0x6, v0;
	[tilespmem:s26+$0xF00] =	vst v4;
	v4 =	vadd.s32 $0x5, v0  }
0x68: {  	v9 =	vadd.s32 $0x8, v0;
	v10 =	vadd.s32 $0x9, v0;
	[tilespmem:s26+$0x1100] =	vst v6;
	v6 =	vadd.s32 $0x7, v0  }
0x69: {  	v11 =	vadd.s32 $0xB, v0;
	v12 =	vadd.s32 $0xC, v0;
	[tilespmem:s26+$0x1300] =	vst v7;
	v7 =	vadd.s32 $0xA, v0  }
0x6a: {  	v13 =	vadd.s32 $0xE, v0;
	v14 =	vadd.s32 $0xF, v0;
	[tilespmem:s26+$0x1500] =	vst v3;
	v3 =	vadd.s32 $0xD, v0  }
0x6b: {  	v15 =	vadd.s32 $0x11, v0;
	v16 =	vadd.s32 $0x12, v0;
	[tilespmem:s26+$0x1700] =	vst v4;
	v4 =	vadd.s32 $0x10, v0  }
0x6c: {  	v17 =	vor.u32 $0x1, v1;
	v18 =	vor.u32 $0x2, v1;
	[tilespmem:s26+$0x1900] =	vst v8;
	v8 =	vadd.s32 $0x13, v0  }
0x6d: {  	v19 =	vor.u32 $0x3, v1;
	v20 =	vadd.s32 $0x4, v1;
	v21 =	vadd.s32 $0x5, v1;
	[tilespmem:s26+$0x1B00] =	vst v6  }
0x6e: {  	v22 =	vadd.s32 $0x7, v1;
	v23 =	vadd.s32 $0x8, v1;
	[tilespmem:s26+$0x1D00] =	vst v9;
	v9 =	vadd.s32 $0x6, v1  }
0x6f: {  	v24 =	vadd.s32 $0xA, v1;
	v25 =	vadd.s32 $0xB, v1;
	[tilespmem:s26+$0x1F00] =	vst v10;
	v10 =	vadd.s32 $0x9, v1  }
0x70: {  	v26 =	vadd.s32 $0xC, v1;
	v27 =	vadd.s32 $0xD, v1;
	v28 =	vadd.s32 $0xE, v1;
	[tilespmem:s26+$0x2100] =	vst v7  }
0x71: {  	v29 =	vadd.s32 $0x10, v1;
	v30 =	vadd.s32 $0x11, v1;
	[tilespmem:s26+$0x2300] =	vst v11;
	v11 =	vadd.s32 $0xF, v1  }
0x72: {  	v32 =	vadd.s32 $0x2, v5;
	v31 =	vadd.s32 $0x13, v1;
	[tilespmem:s26+$0x2500] =	vst v12;
	v12 =	vadd.s32 $0x12, v1  }
0x73: {  	v33 =	vadd.s32 $0x3, v5;
	v34 =	vadd.s32 $0x4, v5;
	v35 =	vadd.s32 $0x5, v5;
	[tilespmem:s26+$0x2700] =	vst v3  }
0x74: {  	v36 =	vadd.s32 $0x7, v5;
	v37 =	vadd.s32 $0x8, v5;
	[tilespmem:s26+$0x2900] =	vst v13;
	v13 =	vadd.s32 $0x6, v5  }
0x75: {  	v38 =	vadd.s32 $0xA, v5;
	v7 =	vadd.s32 $0xB, v5;
	[tilespmem:s26+$0x2B00] =	vst v14;
	v14 =	vadd.s32 $0x9, v5  }
0x76: {  	v6 =	vadd.s32 $0xC, v5;
	v3 =	vadd.s32 $0xE, v5;
	[tilespmem:s26+$0x2D00] =	vst v4;
	v4 =	vadd.s32 $0xD, v5  }
0x77: {  	v5 =	vadd.s32 $0xF, v5;
	[tilespmem:s26+$0x2F00] =	vst v15  }
0x78: {  	[tilespmem:s26+$0x3100] =	vst v16  }
0x79: {  	[tilespmem:s26+$0x3300] =	vst v8  }
0x7a: {  	[tilespmem:s26+$0x3700] =	vst v17  }
0x7b: {  	[tilespmem:s26+$0x3900] =	vst v18  }
0x7c: {  	[tilespmem:s26+$0x3B00] =	vst v19  }
0x7d: {  	[tilespmem:s26+$0x3D00] =	vst v20  }
0x7e: {  	[tilespmem:s26+$0x3F00] =	vst v21  }
0x7f: {  	[tilespmem:s26+$0x4100] =	vst v9  }
0x80: {  	[tilespmem:s26+$0x4300] =	vst v22  }
0x81: {  	[tilespmem:s26+$0x4500] =	vst v23  }
0x82: {  	[tilespmem:s26+$0x4700] =	vst v10  }
0x83: {  	[tilespmem:s26+$0x4900] =	vst v24  }
0x84: {  	[tilespmem:s26+$0x4B00] =	vst v25  }
0x85: {  	[tilespmem:s26+$0x4D00] =	vst v26  }
0x86: {  	[tilespmem:s26+$0x4F00] =	vst v27  }
0x87: {  	[tilespmem:s26+$0x5100] =	vst v28  }
0x88: {  	[tilespmem:s26+$0x5300] =	vst v11  }
0x89: {  	[tilespmem:s26+$0x5500] =	vst v29  }
0x8a: {  	[tilespmem:s26+$0x5700] =	vst v30  }
0x8b: {  	[tilespmem:s26+$0x5900] =	vst v12  }
0x8c: {  	[tilespmem:s26+$0x5B00] =	vst v31  }
0x8d: {  	[tilespmem:s26+$0x5F00] =	vst v2  }
0x8e: {  	[tilespmem:s26+$0x6100] =	vst v32  }
0x8f: {  	[tilespmem:s26+$0x6300] =	vst v33  }
0x90: {  	[tilespmem:s26+$0x6500] =	vst v34  }
0x91: {  	[tilespmem:s26+$0x6700] =	vst v35  }
.Ltmp0:
0x92: {  	[tilespmem:s26+$0x6900] =	vst v13;
	(pc) =	sbr.rel @p0 .LBB2_2-.Ltmp0, $4  }
0x93: {  	[tilespmem:s26+$0x6B00] =	vst v36  }
0x94: {  	[tilespmem:s26+$0x6D00] =	vst v37  }
0x95: {  	[tilespmem:s26+$0x6F00] =	vst v14  }
0x96: {  	s29 =	sshra.s32 s28, $0x2;
	s28 =	sadd.s32 $0x40, s28;
	[tilespmem:s26+$0x7100] =	vst v38  }
0x97: {  	v2 =	vld [tilespmem:s29+$0x400];
	[tilespmem:s26+$0x7300] =	vst v7  }
0x98: {  	v7 =	vld [tilespmem:s29+$0x0];
	[tilespmem:s26+$0x7500] =	vst v6  }
0x99: {  	v6 =	vld [tilespmem:s29+$0x200];
	[tilespmem:s26+$0x7700] =	vst v4  }
0x9a: {  	[tilespmem:s26+$0x7900] =	vst v3  }
0x9b: {  	[tilespmem:s26+$0x7B00] =	vst v5  }
0x9c: {  	[tilespmem:s26+$0xD00] =	vst v0;
	v2 =	vmul.u32 $0x11, v2  }
0x9d: {  	[tilespmem:s26+$0x3500] =	vst v1  }
0x9e: {  	[tilespmem:s29+$0x5D00] =	vst v2;
	v1 =	vadd.s32 $0x10, v2  }
0x9f: {  	v57 =	vadd.s32 $0x2, v2;
	[tilespmem:s29+$0x7D00] =	vst v1  }
0xa0: {  	v58 =	vadd.s32 $0x4, v2;
	[tilespmem:s29+$0x6100] =	vst v57  }
0xa1: {  	v59 =	vadd.s32 $0x6, v2;
	[tilespmem:s29+$0x6500] =	vst v58  }
0xa2: {  	v60 =	vadd.s32 $0x8, v2;
	[tilespmem:s29+$0x6900] =	vst v59  }
0xa3: {  	v61 =	vadd.s32 $0xA, v2;
	[tilespmem:s29+$0x6D00] =	vst v60  }
0xa4: {  	v62 =	vadd.s32 $0xC, v2;
	[tilespmem:s29+$0x7100] =	vst v61  }
0xa5: {  	v0 =	vmul.u32 $0x14, v7;
	v63 =	vadd.s32 $0xE, v2;
	[tilespmem:s29+$0x7500] =	vst v62  }
0xa6: {  	[tilespmem:s29+$0x7900] =	vst v63  }
0xa7: {  	v3 =	vor.u32 $0x1, v0;
	[tilespmem:s29+$0xD00] =	vst v0  }
0xa8: {  	v1 =	vor.u32 $0x2, v0;
	[tilespmem:s29+$0xF00] =	vst v3  }
0xa9: {  	v46 =	vadd.s32 $0x12, v0;
	[tilespmem:s29+$0x1100] =	vst v1  }
0xaa: {  	v3 =	vor.u32 $0x3, v0;
	[tilespmem:s29+$0x3100] =	vst v46  }
0xab: {  	v1 =	vadd.s32 $0x4, v0;
	[tilespmem:s29+$0x1300] =	vst v3  }
0xac: {  	v3 =	vadd.s32 $0x5, v0;
	[tilespmem:s29+$0x1500] =	vst v1  }
0xad: {  	v1 =	vadd.s32 $0x6, v0;
	[tilespmem:s29+$0x1700] =	vst v3  }
0xae: {  	v3 =	vadd.s32 $0x7, v0;
	[tilespmem:s29+$0x1900] =	vst v1  }
0xaf: {  	v1 =	vadd.s32 $0x8, v0;
	[tilespmem:s29+$0x1B00] =	vst v3  }
0xb0: {  	v3 =	vadd.s32 $0x9, v0;
	[tilespmem:s29+$0x1D00] =	vst v1  }
0xb1: {  	v1 =	vadd.s32 $0xA, v0;
	[tilespmem:s29+$0x1F00] =	vst v3  }
0xb2: {  	v3 =	vadd.s32 $0xB, v0;
	[tilespmem:s29+$0x2100] =	vst v1  }
0xb3: {  	v1 =	vadd.s32 $0xC, v0;
	[tilespmem:s29+$0x2300] =	vst v3  }
0xb4: {  	v3 =	vadd.s32 $0xD, v0;
	[tilespmem:s29+$0x2500] =	vst v1  }
0xb5: {  	v1 =	vadd.s32 $0xE, v0;
	[tilespmem:s29+$0x2700] =	vst v3  }
0xb6: {  	v3 =	vadd.s32 $0xF, v0;
	[tilespmem:s29+$0x2900] =	vst v1  }
0xb7: {  	v1 =	vadd.s32 $0x10, v0;
	[tilespmem:s29+$0x2B00] =	vst v3  }
0xb8: {  	v3 =	vadd.s32 $0x11, v0;
	[tilespmem:s29+$0x2D00] =	vst v1  }
0xb9: {  	v1 =	vmul.u32 $0x14, v6;
	[tilespmem:s29+$0x2F00] =	vst v3;
	v3 =	vadd.s32 $0x13, v0  }
0xba: {  	[tilespmem:s29+$0x3300] =	vst v3  }
0xbb: {  	v47 =	vor.u32 $0x1, v1;
	[tilespmem:s29+$0x3500] =	vst v1  }
0xbc: {  	v3 =	vor.u32 $0x2, v1;
	[tilespmem:s29+$0x3700] =	vst v47  }
0xbd: {  	v48 =	vor.u32 $0x3, v1;
	[tilespmem:s29+$0x3900] =	vst v3  }
0xbe: {  	v49 =	vadd.s32 $0x5, v1;
	[tilespmem:s29+$0x3B00] =	vst v48  }
0xbf: {  	v50 =	vadd.s32 $0x7, v1;
	[tilespmem:s29+$0x3F00] =	vst v49  }
0xc0: {  	v51 =	vadd.s32 $0x9, v1;
	[tilespmem:s29+$0x4300] =	vst v50  }
0xc1: {  	v52 =	vadd.s32 $0xB, v1;
	[tilespmem:s29+$0x4700] =	vst v51  }
0xc2: {  	v53 =	vadd.s32 $0xD, v1;
	[tilespmem:s29+$0x4B00] =	vst v52  }
0xc3: {  	v54 =	vadd.s32 $0xF, v1;
	[tilespmem:s29+$0x4F00] =	vst v53  }
0xc4: {  	v55 =	vadd.s32 $0x11, v1;
	[tilespmem:s29+$0x5300] =	vst v54  }
0xc5: {  	v56 =	vadd.s32 $0x13, v1;
	[tilespmem:s29+$0x5700] =	vst v55  }
0xc6: {  	v3 =	vadd.s32 $0x4, v1;
	[tilespmem:s29+$0x5B00] =	vst v56  }
0xc7: {  	[tilespmem:s29+$0x3D00] =	vst v3;
	v3 =	vadd.s32 $0x6, v1  }
0xc8: {  	[tilespmem:s29+$0x4100] =	vst v3;
	v3 =	vadd.s32 $0x8, v1  }
0xc9: {  	[tilespmem:s29+$0x4500] =	vst v3;
	v3 =	vadd.s32 $0xA, v1  }
0xca: {  	[tilespmem:s29+$0x4900] =	vst v3;
	v3 =	vadd.s32 $0xC, v1  }
0xcb: {  	[tilespmem:s29+$0x4D00] =	vst v3;
	v3 =	vadd.s32 $0xE, v1  }
0xcc: {  	[tilespmem:s29+$0x5100] =	vst v3;
	v3 =	vadd.s32 $0x10, v1  }
0xcd: {  	[tilespmem:s29+$0x5500] =	vst v3;
	v3 =	vadd.s32 $0x12, v1  }
0xce: {  	[tilespmem:s29+$0x5900] =	vst v3;
	v3 =	vadd.s32 $0x1, v2  }
0xcf: {  	[tilespmem:s29+$0x5F00] =	vst v3;
	v3 =	vadd.s32 $0x3, v2  }
0xd0: {  	[tilespmem:s29+$0x6300] =	vst v3;
	v3 =	vadd.s32 $0x5, v2  }
0xd1: {  	[tilespmem:s29+$0x6700] =	vst v3;
	v3 =	vadd.s32 $0x7, v2  }
0xd2: {  	[tilespmem:s29+$0x6B00] =	vst v3;
	v3 =	vadd.s32 $0x9, v2  }
0xd3: {  	[tilespmem:s29+$0x6F00] =	vst v3;
	v3 =	vadd.s32 $0xB, v2  }
0xd4: {  	[tilespmem:s29+$0x7300] =	vst v3;
	v3 =	vadd.s32 $0xD, v2  }
0xd5: {  	v2 =	vadd.s32 $0xF, v2;
	[tilespmem:s29+$0x7700] =	vst v3  }
0xd6: {  	s0 =	simm.s32 $0xD00;
	s26 =	simm.s32 $0x7F00;
	[tilespmem:s29+$0x7B00] =	vst v2  }
0xd7: {  	[tilespmem:s26], [sflag:$0x1] =	stream.indirect.gather [hbm4b:s3+s15], $0x1, s0, s15, $0xb8;
	[tilespmem:$0x18100] =	vst v63  }
0xd8: {  	s0 =	simm.s32 $0xF00;
	s26 =	simm.s32 $0x8100  }
0xd9: {  	[tilespmem:s26], [sflag:$0x1] =	stream.indirect.gather [hbm4b:s3+s15], $0x1, s0, s15, $0xb8;
	[tilespmem:$0x18100] =	vst v63  }
0xda: {  	s0 =	simm.s32 $0x1100;
	s26 =	simm.s32 $0x8300  }
0xdb: {  	[tilespmem:s26], [sflag:$0x1] =	stream.indirect.gather [hbm4b:s3+s15], $0x1, s0, s15, $0xb8;
	[tilespmem:$0x18100] =	vst v63  }
0xdc: {  	s0 =	simm.s32 $0x1300;
	s26 =	simm.s32 $0x8500  }
0xdd: {  	[tilespmem:s26], [sflag:$0x1] =	stream.indirect.gather [hbm4b:s3+s15], $0x1, s0, s15, $0xb8;
	[tilespmem:$0x18100] =	vst v63  }
0xde: {  	s0 =	simm.s32 $0x1500;
	s26 =	simm.s32 $0x8700  }
0xdf: {  	[tilespmem:s26], [sflag:$0x1] =	stream.indirect.gather [hbm4b:s3+s15], $0x1, s0, s15, $0xb8;
	[tilespmem:$0x18100] =	vst v63  }
0xe0: {  	s0 =	simm.s32 $0x1700;
	s26 =	simm.s32 $0x8900  }
0xe1: {  	[tilespmem:s26], [sflag:$0x1] =	stream.indirect.gather [hbm4b:s3+s15], $0x1, s0, s15, $0xb8;
	[tilespmem:$0x18100] =	vst v63  }
0xe2: {  	s0 =	simm.s32 $0x1900;
	s26 =	simm.s32 $0x8B00  }
0xe3: {  	[tilespmem:s26], [sflag:$0x1] =	stream.indirect.gather [hbm4b:s3+s15], $0x1, s0, s15, $0xb8;
	[tilespmem:$0x18100] =	vst v63  }
0xe4: {  	s0 =	simm.s32 $0x1B00;
	s26 =	simm.s32 $0x8D00  }
0xe5: {  	[tilespmem:s26], [sflag:$0x1] =	stream.indirect.gather [hbm4b:s3+s15], $0x1, s0, s15, $0xb8;
	[tilespmem:$0x18100] =	vst v63  }
0xe6: {  	s0 =	simm.s32 $0x1D00;
	s26 =	simm.s32 $0x8F00  }
0xe7: {  	[tilespmem:s26], [sflag:$0x1] =	stream.indirect.gather [hbm4b:s3+s15], $0x1, s0, s15, $0xb8;
	[tilespmem:$0x18100] =	vst v63  }
0xe8: {  	s0 =	simm.s32 $0x1F00;
	s26 =	simm.s32 $0x9100  }
0xe9: {  	[tilespmem:s26], [sflag:$0x1] =	stream.indirect.gather [hbm4b:s3+s15], $0x1, s0, s15, $0xb8;
	[tilespmem:$0x18100] =	vst v63  }
0xea: {  	s0 =	simm.s32 $0x2100;
	s26 =	simm.s32 $0x9300  }
0xeb: {  	[tilespmem:s26], [sflag:$0x1] =	stream.indirect.gather [hbm4b:s3+s15], $0x1, s0, s15, $0xb8;
	[tilespmem:$0x18100] =	vst v63  }
0xec: {  	s0 =	simm.s32 $0x2300;
	s26 =	simm.s32 $0x9500  }
0xed: {  	[tilespmem:s26], [sflag:$0x1] =	stream.indirect.gather [hbm4b:s3+s15], $0x1, s0, s15, $0xb8;
	[tilespmem:$0x18100] =	vst v63  }
0xee: {  	s0 =	simm.s32 $0x2500;
	s26 =	simm.s32 $0x9700  }
0xef: {  	[tilespmem:s26], [sflag:$0x1] =	stream.indirect.gather [hbm4b:s3+s15], $0x1, s0, s15, $0xb8;
	[tilespmem:$0x18100] =	vst v63  }
0xf0: {  	s0 =	simm.s32 $0x2700;
	s26 =	simm.s32 $0x9900  }
0xf1: {  	[tilespmem:s26], [sflag:$0x1] =	stream.indirect.gather [hbm4b:s3+s15], $0x1, s0, s15, $0xb8;
	[tilespmem:$0x18100] =	vst v63  }
0xf2: {  	s0 =	simm.s32 $0x2900;
	s26 =	simm.s32 $0x9B00  }
0xf3: {  	[tilespmem:s26], [sflag:$0x1] =	stream.indirect.gather [hbm4b:s3+s15], $0x1, s0, s15, $0xb8;
	[tilespmem:$0x18100] =	vst v63  }
0xf4: {  	s0 =	simm.s32 $0x2B00;
	s26 =	simm.s32 $0x9D00  }
0xf5: {  	[tilespmem:s26], [sflag:$0x1] =	stream.indirect.gather [hbm4b:s3+s15], $0x1, s0, s15, $0xb8;
	[tilespmem:$0x18100] =	vst v63  }
0xf6: {  	s0 =	simm.s32 $0x2D00;
	s26 =	simm.s32 $0x9F00  }
0xf7: {  	[tilespmem:s26], [sflag:$0x1] =	stream.indirect.gather [hbm4b:s3+s15], $0x1, s0, s15, $0xb8;
	[tilespmem:$0x18100] =	vst v63  }
0xf8: {  	s0 =	simm.s32 $0x2F00;
	s26 =	simm.s32 $0xA100  }
0xf9: {  	[tilespmem:s26], [sflag:$0x1] =	stream.indirect.gather [hbm4b:s3+s15], $0x1, s0, s15, $0xb8;
	[tilespmem:$0x18100] =	vst v63  }
0xfa: {  	s0 =	simm.s32 $0x3100;
	s26 =	simm.s32 $0xA300  }
0xfb: {  	[tilespmem:s26], [sflag:$0x1] =	stream.indirect.gather [hbm4b:s3+s15], $0x1, s0, s15, $0xb8;
	[tilespmem:$0x18100] =	vst v63  }
0xfc: {  	s0 =	simm.s32 $0x3300;
	s26 =	simm.s32 $0xA500  }
0xfd: {  	[tilespmem:s26], [sflag:$0x1] =	stream.indirect.gather [hbm4b:s3+s15], $0x1, s0, s15, $0xb8;
	[tilespmem:$0x18100] =	vst v63  }
0xfe: {  	s0 =	simm.s32 $0x3500;
	s26 =	simm.s32 $0xA700  }
0xff: {  	[tilespmem:s26], [sflag:$0x1] =	stream.indirect.gather [hbm4b:s4+s15], $0x1, s0, s15, $0xb8;
	[tilespmem:$0x18100] =	vst v63  }
0x100: {  	s0 =	simm.s32 $0x3700;
	s26 =	simm.s32 $0xA900  }
0x101: {  	[tilespmem:s26], [sflag:$0x1] =	stream.indirect.gather [hbm4b:s4+s15], $0x1, s0, s15, $0xb8;
	[tilespmem:$0x18100] =	vst v63  }
0x102: {  	s0 =	simm.s32 $0x3900;
	s26 =	simm.s32 $0xAB00  }
0x103: {  	[tilespmem:s26], [sflag:$0x1] =	stream.indirect.gather [hbm4b:s4+s15], $0x1, s0, s15, $0xb8;
	[tilespmem:$0x18100] =	vst v63  }
0x104: {  	s0 =	simm.s32 $0x3B00;
	s26 =	simm.s32 $0xAD00  }
0x105: {  	[tilespmem:s26], [sflag:$0x1] =	stream.indirect.gather [hbm4b:s4+s15], $0x1, s0, s15, $0xb8;
	[tilespmem:$0x18100] =	vst v63  }
0x106: {  	s0 =	simm.s32 $0x3D00;
	s26 =	simm.s32 $0xAF00  }
0x107: {  	[tilespmem:s26], [sflag:$0x1] =	stream.indirect.gather [hbm4b:s4+s15], $0x1, s0, s15, $0xb8;
	[tilespmem:$0x18100] =	vst v63  }
0x108: {  	s0 =	simm.s32 $0x3F00;
	s26 =	simm.s32 $0xB100  }
0x109: {  	[tilespmem:s26], [sflag:$0x1] =	stream.indirect.gather [hbm4b:s4+s15], $0x1, s0, s15, $0xb8;
	[tilespmem:$0x18100] =	vst v63  }
0x10a: {  	s0 =	simm.s32 $0x4100;
	s26 =	simm.s32 $0xB300  }
0x10b: {  	[tilespmem:s26], [sflag:$0x1] =	stream.indirect.gather [hbm4b:s4+s15], $0x1, s0, s15, $0xb8;
	[tilespmem:$0x18100] =	vst v63  }
0x10c: {  	s0 =	simm.s32 $0x4300;
	s26 =	simm.s32 $0xB500  }
0x10d: {  	[tilespmem:s26], [sflag:$0x1] =	stream.indirect.gather [hbm4b:s4+s15], $0x1, s0, s15, $0xb8;
	[tilespmem:$0x18100] =	vst v63  }
0x10e: {  	s0 =	simm.s32 $0x4500;
	s26 =	simm.s32 $0xB700  }
0x10f: {  	[tilespmem:s26], [sflag:$0x1] =	stream.indirect.gather [hbm4b:s4+s15], $0x1, s0, s15, $0xb8;
	[tilespmem:$0x18100] =	vst v63  }
0x110: {  	s0 =	simm.s32 $0x4700;
	s26 =	simm.s32 $0xB900  }
0x111: {  	[tilespmem:s26], [sflag:$0x1] =	stream.indirect.gather [hbm4b:s4+s15], $0x1, s0, s15, $0xb8;
	[tilespmem:$0x18100] =	vst v63  }
0x112: {  	s0 =	simm.s32 $0x4900;
	s26 =	simm.s32 $0xBB00  }
0x113: {  	[tilespmem:s26], [sflag:$0x1] =	stream.indirect.gather [hbm4b:s4+s15], $0x1, s0, s15, $0xb8;
	[tilespmem:$0x18100] =	vst v63  }
0x114: {  	s0 =	simm.s32 $0x4B00;
	s26 =	simm.s32 $0xBD00  }
0x115: {  	[tilespmem:s26], [sflag:$0x1] =	stream.indirect.gather [hbm4b:s4+s15], $0x1, s0, s15, $0xb8;
	[tilespmem:$0x18100] =	vst v63  }
0x116: {  	s0 =	simm.s32 $0x4D00;
	s26 =	simm.s32 $0xBF00  }
0x117: {  	[tilespmem:s26], [sflag:$0x1] =	stream.indirect.gather [hbm4b:s4+s15], $0x1, s0, s15, $0xb8;
	[tilespmem:$0x18100] =	vst v63  }
0x118: {  	s0 =	simm.s32 $0x4F00;
	s26 =	simm.s32 $0xC100  }
0x119: {  	[tilespmem:s26], [sflag:$0x1] =	stream.indirect.gather [hbm4b:s4+s15], $0x1, s0, s15, $0xb8;
	[tilespmem:$0x18100] =	vst v63  }
0x11a: {  	s0 =	simm.s32 $0x5100;
	s26 =	simm.s32 $0xC300  }
0x11b: {  	[tilespmem:s26], [sflag:$0x1] =	stream.indirect.gather [hbm4b:s4+s15], $0x1, s0, s15, $0xb8;
	[tilespmem:$0x18100] =	vst v63  }
0x11c: {  	s0 =	simm.s32 $0x5300;
	s26 =	simm.s32 $0xC500  }
0x11d: {  	[tilespmem:s26], [sflag:$0x1] =	stream.indirect.gather [hbm4b:s4+s15], $0x1, s0, s15, $0xb8;
	[tilespmem:$0x18100] =	vst v63  }
0x11e: {  	s0 =	simm.s32 $0x5500;
	s26 =	simm.s32 $0xC700  }
0x11f: {  	[tilespmem:s26], [sflag:$0x1] =	stream.indirect.gather [hbm4b:s4+s15], $0x1, s0, s15, $0xb8;
	[tilespmem:$0x18100] =	vst v63  }
0x120: {  	s0 =	simm.s32 $0x5700;
	s26 =	simm.s32 $0xC900  }
0x121: {  	[tilespmem:s26], [sflag:$0x1] =	stream.indirect.gather [hbm4b:s4+s15], $0x1, s0, s15, $0xb8;
	[tilespmem:$0x18100] =	vst v63  }
0x122: {  	s0 =	simm.s32 $0x5900;
	s26 =	simm.s32 $0xCB00  }
0x123: {  	[tilespmem:s26], [sflag:$0x1] =	stream.indirect.gather [hbm4b:s4+s15], $0x1, s0, s15, $0xb8;
	[tilespmem:$0x18100] =	vst v63  }
0x124: {  	s0 =	simm.s32 $0x5B00;
	s26 =	simm.s32 $0xCD00  }
0x125: {  	[tilespmem:s26], [sflag:$0x1] =	stream.indirect.gather [hbm4b:s4+s15], $0x1, s0, s15, $0xb8;
	[tilespmem:$0x18100] =	vst v63  }
0x126: {  	s0 =	simm.s32 $0x5D00;
	s26 =	simm.s32 $0xCF00  }
0x127: {  	[tilespmem:s26], [sflag:$0x1] =	stream.indirect.gather [hbm4b:s5+s15], $0x1, s0, s15, $0xb8;
	[tilespmem:$0x18100] =	vst v63  }
0x128: {  	s0 =	simm.s32 $0x5F00;
	s26 =	simm.s32 $0xD100  }
0x129: {  	[tilespmem:s26], [sflag:$0x1] =	stream.indirect.gather [hbm4b:s5+s15], $0x1, s0, s15, $0xb8;
	[tilespmem:$0x18100] =	vst v63  }
0x12a: {  	s0 =	simm.s32 $0x6100;
	s26 =	simm.s32 $0xD300  }
0x12b: {  	[tilespmem:s26], [sflag:$0x1] =	stream.indirect.gather [hbm4b:s5+s15], $0x1, s0, s15, $0xb8;
	[tilespmem:$0x18100] =	vst v63  }
0x12c: {  	s0 =	simm.s32 $0x6300;
	s26 =	simm.s32 $0xD500  }
0x12d: {  	[tilespmem:s26], [sflag:$0x1] =	stream.indirect.gather [hbm4b:s5+s15], $0x1, s0, s15, $0xb8;
	[tilespmem:$0x18100] =	vst v63  }
0x12e: {  	s0 =	simm.s32 $0x6500;
	s26 =	simm.s32 $0xD700  }
0x12f: {  	[tilespmem:s26], [sflag:$0x1] =	stream.indirect.gather [hbm4b:s5+s15], $0x1, s0, s15, $0xb8;
	[tilespmem:$0x18100] =	vst v63  }
0x130: {  	s0 =	simm.s32 $0x6700;
	s26 =	simm.s32 $0xD900  }
0x131: {  	[tilespmem:s26], [sflag:$0x1] =	stream.indirect.gather [hbm4b:s5+s15], $0x1, s0, s15, $0xb8;
	[tilespmem:$0x18100] =	vst v63  }
0x132: {  	s0 =	simm.s32 $0x6900;
	s26 =	simm.s32 $0xDB00  }
0x133: {  	[tilespmem:s26], [sflag:$0x1] =	stream.indirect.gather [hbm4b:s5+s15], $0x1, s0, s15, $0xb8;
	[tilespmem:$0x18100] =	vst v63  }
0x134: {  	s0 =	simm.s32 $0x6B00;
	s26 =	simm.s32 $0xDD00  }
0x135: {  	[tilespmem:s26], [sflag:$0x1] =	stream.indirect.gather [hbm4b:s5+s15], $0x1, s0, s15, $0xb8;
	[tilespmem:$0x18100] =	vst v63  }
0x136: {  	s0 =	simm.s32 $0x6D00;
	s26 =	simm.s32 $0xDF00  }
0x137: {  	[tilespmem:s26], [sflag:$0x1] =	stream.indirect.gather [hbm4b:s5+s15], $0x1, s0, s15, $0xb8;
	[tilespmem:$0x18100] =	vst v63  }
0x138: {  	s0 =	simm.s32 $0x6F00;
	s26 =	simm.s32 $0xE100  }
0x139: {  	[tilespmem:s26], [sflag:$0x1] =	stream.indirect.gather [hbm4b:s5+s15], $0x1, s0, s15, $0xb8;
	[tilespmem:$0x18100] =	vst v63  }
0x13a: {  	s0 =	simm.s32 $0x7100;
	s26 =	simm.s32 $0xE300  }
0x13b: {  	[tilespmem:s26], [sflag:$0x1] =	stream.indirect.gather [hbm4b:s5+s15], $0x1, s0, s15, $0xb8;
	[tilespmem:$0x18100] =	vst v63  }
0x13c: {  	s0 =	simm.s32 $0x7300;
	s26 =	simm.s32 $0xE500  }
0x13d: {  	[tilespmem:s26], [sflag:$0x1] =	stream.indirect.gather [hbm4b:s5+s15], $0x1, s0, s15, $0xb8;
	[tilespmem:$0x18100] =	vst v63  }
0x13e: {  	s0 =	simm.s32 $0x7500;
	s26 =	simm.s32 $0xE700  }
0x13f: {  	[tilespmem:s26], [sflag:$0x1] =	stream.indirect.gather [hbm4b:s5+s15], $0x1, s0, s15, $0xb8;
	[tilespmem:$0x18100] =	vst v63  }
0x140: {  	s0 =	simm.s32 $0x7700;
	s26 =	simm.s32 $0xE900  }
0x141: {  	[tilespmem:s26], [sflag:$0x1] =	stream.indirect.gather [hbm4b:s5+s15], $0x1, s0, s15, $0xb8;
	[tilespmem:$0x18100] =	vst v63  }
0x142: {  	s26 =	simm.s32 $0x7900  }
0x143: {  	[tilespmem:s2], [sflag:$0x1] =	stream.indirect.gather [hbm4b:s5+s15], $0x1, s26, s15, $0xb8;
	[tilespmem:$0x18100] =	vst v63  }
0x144: {  	_ = 	snop  }
0x145: {  	[tilespmem:s17], [sflag:$0x1] =	stream.indirect.gather [hbm4b:s5+s15], $0x1, s16, s15, $0xb8;
	[tilespmem:$0x18100] =	vst v63  }
0x146: {  	_ = 	snop  }
0x147: {  	[tilespmem:s20], [sflag:$0x1] =	stream.indirect.gather [hbm4b:s5+s15], $0x1, s19, s15, $0xb8;
	[tilespmem:$0x18100] =	vst v63  }
0x148: {  	s28 =	simm.s32 $0xB00;
	s26 =	simm.s32 $0x0  }
0x149: {  	[tilespmem:s28], [sflag:$0x2] =	stream.linear.gather [hbm4b:s11+s26], $0x200, $0x38;
	[tilespmem:$0x18100] =	vst v63  }
0x14a: {  	_ =	swait.ge [sflag:s14], $0x200  }
0x14b: {  	[sflag:s14] =	ssyncset.done $0x0  }
0x14c: {  	s29 =	simm.s32 $0x600;
	[sflag:s14] =	ssyncadd.s32 $0xFFFFFE00  }
0x14d: {  	v0 =	vld [tilespmem:s29+$0x0];
	_ =	sdelay $0x4  }
0x14e: {  	v0 =	vmul.u32 $0x7, v0;
	_ =	sdelay $0x5  }
0x14f: {  	v1 =	vld.idx.msk [tilespmem:v0+s18+$0x0], $0xffff  }
0x150: {  	v2 =	vadd.s32 $0x1, v0;
	_ =	sdelay $0x1  }
0x151: {  	s30 =	sand.u32 $0x70, s26;
	s31 =	sand.u32 $0xC00, s26  }
0x152: {  	s31 =	sor.u32 s30, s31  }
0x153: {  	[tilespmem:s31+$0x16180] =	vst v1  }
0x154: {  	v1 =	vld.idx.msk [tilespmem:v2+s18+$0x0], $0xffff  }
0x155: {  	v2 =	vadd.s32 $0x2, v0;
	_ =	sdelay $0x3  }
0x156: {  	[tilespmem:s31+$0x16200] =	vst v1  }
0x157: {  	v1 =	vld.idx.msk [tilespmem:v2+s18+$0x0], $0xffff  }
0x158: {  	v2 =	vadd.s32 $0x3, v0;
	_ =	sdelay $0x3  }
0x159: {  	[tilespmem:s31+$0x16280] =	vst v1  }
0x15a: {  	v1 =	vld.idx.msk [tilespmem:v2+s18+$0x0], $0xffff  }
0x15b: {  	v2 =	vadd.s32 $0x4, v0;
	_ =	sdelay $0x3  }
0x15c: {  	[tilespmem:s31+$0x16300] =	vst v1  }
0x15d: {  	v1 =	vld.idx.msk [tilespmem:v2+s18+$0x0], $0xffff  }
0x15e: {  	v2 =	vadd.s32 $0x5, v0;
	_ =	sdelay $0x3  }
0x15f: {  	[tilespmem:s31+$0x16380] =	vst v1  }
0x160: {  	v1 =	vld.idx.msk [tilespmem:v2+s18+$0x0], $0xffff  }
0x161: {  	v0 =	vadd.s32 $0x6, v0;
	_ =	sdelay $0x3  }
0x162: {  	[tilespmem:s31+$0x16400] =	vst v1  }
0x163: {  	v0 =	vld.idx.msk [tilespmem:v0+s18+$0x0], $0xffff;
	_ =	sdelay $0x4  }
0x164: {  	[tilespmem:s31+$0x16480] =	vst v0  }
0x165: {  	s30 =	simm.s32 $0x10;
	v0 =	vld [tilespmem:s28+$0x0]  }
.LBB2_4:
0x166: {  	_ =	sdelay $0x3  }
0x167: {  	s26 =	sadd.s32 $0x80, s26;
	s29 =	sadd.s32 $0x10, s29;
	s28 =	sadd.s32 $0x10, s28;
	[tilespmem:s31+$0x17100] =	vst v0  }
0x168: {  	p0 =	sne.s32 s30, $0x1F0;
	s31 =	smov.u32 s30;
	s30 =	sadd.s32 $0x10, s30;
	v0 =	vld [tilespmem:s29+$0x0]  }
0x169: {  	_ =	sdelay $0x3  }
0x16a: {  	v0 =	vmul.u32 $0x7, v0;
	_ =	sdelay $0x5  }
0x16b: {  	v1 =	vld.idx.msk [tilespmem:v0+s18+$0x0], $0xffff;
	_ =	sdelay $0x1  }
0x16c: {  	v2 =	vadd.s32 $0x1, v0;
	_ =	sdelay $0x1  }
0x16d: {  	s0 =	sand.u32 $0xC00, s26;
	s31 =	sand.u32 $0x70, s31  }
0x16e: {  	s31 =	sor.u32 s31, s0  }
0x16f: {  	[tilespmem:s31+$0x16180] =	vst v1  }
0x170: {  	v1 =	vld.idx.msk [tilespmem:v2+s18+$0x0], $0xffff;
	_ =	sdelay $0x1  }
0x171: {  	v2 =	vadd.s32 $0x2, v0;
	_ =	sdelay $0x3  }
0x172: {  	[tilespmem:s31+$0x16200] =	vst v1  }
0x173: {  	v1 =	vld.idx.msk [tilespmem:v2+s18+$0x0], $0xffff;
	_ =	sdelay $0x1  }
0x174: {  	v2 =	vadd.s32 $0x3, v0;
	_ =	sdelay $0x3  }
0x175: {  	[tilespmem:s31+$0x16280] =	vst v1  }
0x176: {  	v1 =	vld.idx.msk [tilespmem:v2+s18+$0x0], $0xffff;
	_ =	sdelay $0x1  }
0x177: {  	v2 =	vadd.s32 $0x4, v0;
	_ =	sdelay $0x3  }
0x178: {  	[tilespmem:s31+$0x16300] =	vst v1  }
0x179: {  	v1 =	vld.idx.msk [tilespmem:v2+s18+$0x0], $0xffff;
	_ =	sdelay $0x1  }
0x17a: {  	v2 =	vadd.s32 $0x5, v0;
	_ =	sdelay $0x3  }
0x17b: {  	[tilespmem:s31+$0x16380] =	vst v1  }
0x17c: {  	v1 =	vld.idx.msk [tilespmem:v2+s18+$0x0], $0xffff;
	_ =	sdelay $0x1  }
0x17d: {  	v0 =	vadd.s32 $0x6, v0;
	_ =	sdelay $0x3  }
0x17e: {  	[tilespmem:s31+$0x16400] =	vst v1  }
0x17f: {  	v0 =	vld.idx.msk [tilespmem:v0+s18+$0x0], $0xffff;
	_ =	sdelay $0x2  }
.Ltmp1:
0x180: {  	(pc) =	sbr.rel @p0 .LBB2_4-.Ltmp1, $3  }
0x181: {  	_ =	sdelay $0x1  }
0x182: {  	[tilespmem:s31+$0x16480] =	vst v0  }
0x183: {  	v0 =	vld [tilespmem:s28+$0x0]  }
0x184: {  	_ =	sdelay $0x3  }
0x185: {  	[tilespmem:s31+$0x17100] =	vst v0  }
0x186: {  	_ =	swait.ge [sflag:s21], $0x200  }
0x187: {  	[sflag:s21] =	ssyncset.done $0x0  }
0x188: {  	[sflag:s21] =	ssyncadd.s32 $0xFFFFFE00  }
0x189: {  	_ =	swait.ge [sflag:s21], $0x200  }
0x18a: {  	[sflag:s21] =	ssyncset.done $0x0  }
0x18b: {  	[sflag:s21] =	ssyncadd.s32 $0xFFFFFE00  }
0x18c: {  	_ =	swait.ge [sflag:s21], $0x200  }
0x18d: {  	[sflag:s21] =	ssyncset.done $0x0  }
0x18e: {  	[sflag:s21] =	ssyncadd.s32 $0xFFFFFE00  }
0x18f: {  	_ =	swait.ge [sflag:s21], $0x200  }
0x190: {  	[sflag:s21] =	ssyncset.done $0x0  }
0x191: {  	[sflag:s21] =	ssyncadd.s32 $0xFFFFFE00  }
0x192: {  	_ =	swait.ge [sflag:s21], $0x200  }
0x193: {  	[sflag:s21] =	ssyncset.done $0x0  }
0x194: {  	[sflag:s21] =	ssyncadd.s32 $0xFFFFFE00  }
0x195: {  	_ =	swait.ge [sflag:s21], $0x200  }
0x196: {  	[sflag:s21] =	ssyncset.done $0x0  }
0x197: {  	[sflag:s21] =	ssyncadd.s32 $0xFFFFFE00  }
0x198: {  	_ =	swait.ge [sflag:s21], $0x200  }
0x199: {  	[sflag:s21] =	ssyncset.done $0x0  }
0x19a: {  	[sflag:s21] =	ssyncadd.s32 $0xFFFFFE00  }
0x19b: {  	_ =	swait.ge [sflag:s21], $0x200  }
0x19c: {  	[sflag:s21] =	ssyncset.done $0x0  }
0x19d: {  	[sflag:s21] =	ssyncadd.s32 $0xFFFFFE00  }
0x19e: {  	_ =	swait.ge [sflag:s21], $0x200  }
0x19f: {  	[sflag:s21] =	ssyncset.done $0x0  }
0x1a0: {  	[sflag:s21] =	ssyncadd.s32 $0xFFFFFE00  }
0x1a1: {  	_ =	swait.ge [sflag:s21], $0x200  }
0x1a2: {  	[sflag:s21] =	ssyncset.done $0x0  }
0x1a3: {  	[sflag:s21] =	ssyncadd.s32 $0xFFFFFE00  }
0x1a4: {  	_ =	swait.ge [sflag:s21], $0x200  }
0x1a5: {  	[sflag:s21] =	ssyncset.done $0x0  }
0x1a6: {  	[sflag:s21] =	ssyncadd.s32 $0xFFFFFE00  }
0x1a7: {  	_ =	swait.ge [sflag:s21], $0x200  }
0x1a8: {  	[sflag:s21] =	ssyncset.done $0x0  }
0x1a9: {  	[sflag:s21] =	ssyncadd.s32 $0xFFFFFE00  }
0x1aa: {  	_ =	swait.ge [sflag:s21], $0x200  }
0x1ab: {  	[sflag:s21] =	ssyncset.done $0x0  }
0x1ac: {  	[sflag:s21] =	ssyncadd.s32 $0xFFFFFE00  }
0x1ad: {  	_ =	swait.ge [sflag:s21], $0x200  }
0x1ae: {  	[sflag:s21] =	ssyncset.done $0x0  }
0x1af: {  	[sflag:s21] =	ssyncadd.s32 $0xFFFFFE00  }
0x1b0: {  	_ =	swait.ge [sflag:s21], $0x200  }
0x1b1: {  	[sflag:s21] =	ssyncset.done $0x0  }
0x1b2: {  	[sflag:s21] =	ssyncadd.s32 $0xFFFFFE00  }
0x1b3: {  	_ =	swait.ge [sflag:s21], $0x200  }
0x1b4: {  	[sflag:s21] =	ssyncset.done $0x0  }
0x1b5: {  	[sflag:s21] =	ssyncadd.s32 $0xFFFFFE00  }
0x1b6: {  	_ =	swait.ge [sflag:s21], $0x200  }
0x1b7: {  	[sflag:s21] =	ssyncset.done $0x0  }
0x1b8: {  	[sflag:s21] =	ssyncadd.s32 $0xFFFFFE00  }
0x1b9: {  	_ =	swait.ge [sflag:s21], $0x200  }
0x1ba: {  	[sflag:s21] =	ssyncset.done $0x0  }
0x1bb: {  	[sflag:s21] =	ssyncadd.s32 $0xFFFFFE00  }
0x1bc: {  	_ =	swait.ge [sflag:s21], $0x200  }
0x1bd: {  	[sflag:s21] =	ssyncset.done $0x0  }
0x1be: {  	[sflag:s21] =	ssyncadd.s32 $0xFFFFFE00  }
0x1bf: {  	_ =	swait.ge [sflag:s21], $0x200  }
0x1c0: {  	[sflag:s21] =	ssyncset.done $0x0  }
0x1c1: {  	[sflag:s21] =	ssyncadd.s32 $0xFFFFFE00  }
0x1c2: {  	_ =	swait.ge [sflag:s21], $0x200  }
0x1c3: {  	[sflag:s21] =	ssyncset.done $0x0  }
0x1c4: {  	[sflag:s21] =	ssyncadd.s32 $0xFFFFFE00  }
0x1c5: {  	_ =	swait.ge [sflag:s21], $0x200  }
0x1c6: {  	[sflag:s21] =	ssyncset.done $0x0  }
0x1c7: {  	[sflag:s21] =	ssyncadd.s32 $0xFFFFFE00  }
0x1c8: {  	_ =	swait.ge [sflag:s21], $0x200  }
0x1c9: {  	[sflag:s21] =	ssyncset.done $0x0  }
0x1ca: {  	[sflag:s21] =	ssyncadd.s32 $0xFFFFFE00  }
0x1cb: {  	_ =	swait.ge [sflag:s21], $0x200  }
0x1cc: {  	[sflag:s21] =	ssyncset.done $0x0  }
0x1cd: {  	[sflag:s21] =	ssyncadd.s32 $0xFFFFFE00  }
0x1ce: {  	_ =	swait.ge [sflag:s21], $0x200  }
0x1cf: {  	[sflag:s21] =	ssyncset.done $0x0  }
0x1d0: {  	[sflag:s21] =	ssyncadd.s32 $0xFFFFFE00  }
0x1d1: {  	_ =	swait.ge [sflag:s21], $0x200  }
0x1d2: {  	[sflag:s21] =	ssyncset.done $0x0  }
0x1d3: {  	[sflag:s21] =	ssyncadd.s32 $0xFFFFFE00  }
0x1d4: {  	_ =	swait.ge [sflag:s21], $0x200  }
0x1d5: {  	[sflag:s21] =	ssyncset.done $0x0  }
0x1d6: {  	[sflag:s21] =	ssyncadd.s32 $0xFFFFFE00  }
0x1d7: {  	_ =	swait.ge [sflag:s21], $0x200  }
0x1d8: {  	[sflag:s21] =	ssyncset.done $0x0  }
0x1d9: {  	[sflag:s21] =	ssyncadd.s32 $0xFFFFFE00  }
0x1da: {  	_ =	swait.ge [sflag:s21], $0x200  }
0x1db: {  	[sflag:s21] =	ssyncset.done $0x0  }
0x1dc: {  	[sflag:s21] =	ssyncadd.s32 $0xFFFFFE00  }
0x1dd: {  	_ =	swait.ge [sflag:s21], $0x200  }
0x1de: {  	[sflag:s21] =	ssyncset.done $0x0  }
0x1df: {  	[sflag:s21] =	ssyncadd.s32 $0xFFFFFE00  }
0x1e0: {  	_ =	swait.ge [sflag:s21], $0x200  }
0x1e1: {  	[sflag:s21] =	ssyncset.done $0x0  }
0x1e2: {  	[sflag:s21] =	ssyncadd.s32 $0xFFFFFE00  }
0x1e3: {  	_ =	swait.ge [sflag:s21], $0x200  }
0x1e4: {  	[sflag:s21] =	ssyncset.done $0x0  }
0x1e5: {  	[sflag:s21] =	ssyncadd.s32 $0xFFFFFE00  }
0x1e6: {  	_ =	swait.ge [sflag:s21], $0x200  }
0x1e7: {  	[sflag:s21] =	ssyncset.done $0x0  }
0x1e8: {  	[sflag:s21] =	ssyncadd.s32 $0xFFFFFE00  }
0x1e9: {  	_ =	swait.ge [sflag:s21], $0x200  }
0x1ea: {  	[sflag:s21] =	ssyncset.done $0x0  }
0x1eb: {  	[sflag:s21] =	ssyncadd.s32 $0xFFFFFE00  }
0x1ec: {  	_ =	swait.ge [sflag:s21], $0x200  }
0x1ed: {  	[sflag:s21] =	ssyncset.done $0x0  }
0x1ee: {  	[sflag:s21] =	ssyncadd.s32 $0xFFFFFE00  }
0x1ef: {  	_ =	swait.ge [sflag:s21], $0x200  }
0x1f0: {  	[sflag:s21] =	ssyncset.done $0x0  }
0x1f1: {  	[sflag:s21] =	ssyncadd.s32 $0xFFFFFE00  }
0x1f2: {  	_ =	swait.ge [sflag:s21], $0x200  }
0x1f3: {  	[sflag:s21] =	ssyncset.done $0x0  }
0x1f4: {  	[sflag:s21] =	ssyncadd.s32 $0xFFFFFE00  }
0x1f5: {  	_ =	swait.ge [sflag:s21], $0x200  }
0x1f6: {  	[sflag:s21] =	ssyncset.done $0x0  }
0x1f7: {  	[sflag:s21] =	ssyncadd.s32 $0xFFFFFE00  }
0x1f8: {  	_ =	swait.ge [sflag:s21], $0x200  }
0x1f9: {  	[sflag:s21] =	ssyncset.done $0x0  }
0x1fa: {  	[sflag:s21] =	ssyncadd.s32 $0xFFFFFE00  }
0x1fb: {  	_ =	swait.ge [sflag:s21], $0x200  }
0x1fc: {  	[sflag:s21] =	ssyncset.done $0x0  }
0x1fd: {  	[sflag:s21] =	ssyncadd.s32 $0xFFFFFE00  }
0x1fe: {  	_ =	swait.ge [sflag:s21], $0x200  }
0x1ff: {  	[sflag:s21] =	ssyncset.done $0x0  }
0x200: {  	[sflag:s21] =	ssyncadd.s32 $0xFFFFFE00  }
0x201: {  	_ =	swait.ge [sflag:s21], $0x200  }
0x202: {  	[sflag:s21] =	ssyncset.done $0x0  }
0x203: {  	[sflag:s21] =	ssyncadd.s32 $0xFFFFFE00  }
0x204: {  	_ =	swait.ge [sflag:s21], $0x200  }
0x205: {  	[sflag:s21] =	ssyncset.done $0x0  }
0x206: {  	[sflag:s21] =	ssyncadd.s32 $0xFFFFFE00  }
0x207: {  	_ =	swait.ge [sflag:s21], $0x200  }
0x208: {  	[sflag:s21] =	ssyncset.done $0x0  }
0x209: {  	[sflag:s21] =	ssyncadd.s32 $0xFFFFFE00  }
0x20a: {  	_ =	swait.ge [sflag:s21], $0x200  }
0x20b: {  	[sflag:s21] =	ssyncset.done $0x0  }
0x20c: {  	[sflag:s21] =	ssyncadd.s32 $0xFFFFFE00  }
0x20d: {  	_ =	swait.ge [sflag:s21], $0x200  }
0x20e: {  	[sflag:s21] =	ssyncset.done $0x0  }
0x20f: {  	[sflag:s21] =	ssyncadd.s32 $0xFFFFFE00  }
0x210: {  	_ =	swait.ge [sflag:s21], $0x200  }
0x211: {  	[sflag:s21] =	ssyncset.done $0x0  }
0x212: {  	[sflag:s21] =	ssyncadd.s32 $0xFFFFFE00  }
0x213: {  	_ =	swait.ge [sflag:s21], $0x200  }
0x214: {  	[sflag:s21] =	ssyncset.done $0x0  }
0x215: {  	[sflag:s21] =	ssyncadd.s32 $0xFFFFFE00  }
0x216: {  	_ =	swait.ge [sflag:s21], $0x200  }
0x217: {  	[sflag:s21] =	ssyncset.done $0x0  }
0x218: {  	[sflag:s21] =	ssyncadd.s32 $0xFFFFFE00  }
0x219: {  	_ =	swait.ge [sflag:s21], $0x200  }
0x21a: {  	[sflag:s21] =	ssyncset.done $0x0  }
0x21b: {  	[sflag:s21] =	ssyncadd.s32 $0xFFFFFE00  }
0x21c: {  	_ =	swait.ge [sflag:s21], $0x200  }
0x21d: {  	[sflag:s21] =	ssyncset.done $0x0  }
0x21e: {  	[sflag:s21] =	ssyncadd.s32 $0xFFFFFE00  }
0x21f: {  	_ =	swait.ge [sflag:s21], $0x200  }
0x220: {  	[sflag:s21] =	ssyncset.done $0x0  }
0x221: {  	[sflag:s21] =	ssyncadd.s32 $0xFFFFFE00  }
0x222: {  	_ =	swait.ge [sflag:s21], $0x200  }
0x223: {  	[sflag:s21] =	ssyncset.done $0x0  }
0x224: {  	[sflag:s21] =	ssyncadd.s32 $0xFFFFFE00  }
0x225: {  	_ =	swait.ge [sflag:s21], $0x200  }
0x226: {  	[sflag:s21] =	ssyncset.done $0x0  }
0x227: {  	[sflag:s21] =	ssyncadd.s32 $0xFFFFFE00  }
0x228: {  	_ =	swait.ge [sflag:s21], $0x200  }
0x229: {  	[sflag:s21] =	ssyncset.done $0x0  }
0x22a: {  	[sflag:s21] =	ssyncadd.s32 $0xFFFFFE00  }
0x22b: {  	_ =	swait.ge [sflag:s21], $0x200  }
0x22c: {  	[sflag:s21] =	ssyncset.done $0x0  }
0x22d: {  	[sflag:s21] =	ssyncadd.s32 $0xFFFFFE00  }
0x22e: {  	_ =	swait.ge [sflag:s21], $0x200  }
0x22f: {  	[sflag:s21] =	ssyncset.done $0x0  }
0x230: {  	s28 =	simm.s32 $0x0;
	[sflag:s21] =	ssyncadd.s32 $0xFFFFFE00  }
0x231: {  	v63 =	vld [tilespmem:s28+$0x7F00];
	_ =	sdelay $0x1  }
0x232: {  	s26 =	simm.s32 $0x0  }
0x233: {  	s0 =	sand.u32 $0x70, s26;
	s29 =	sand.u32 $0xC00, s26  }
0x234: {  	s29 =	sor.u32 s0, s29  }
0x235: {  	[tilespmem:s29+$0xF100] =	vst v63  }
0x236: {  	v0 =	vld [tilespmem:s28+$0x8100];
	_ =	sdelay $0x4  }
0x237: {  	[tilespmem:s29+$0xF180] =	vst v0  }
0x238: {  	v0 =	vld [tilespmem:s28+$0x8300];
	_ =	sdelay $0x4  }
0x239: {  	[tilespmem:s29+$0xF200] =	vst v0  }
0x23a: {  	v0 =	vld [tilespmem:s28+$0x8500];
	_ =	sdelay $0x4  }
0x23b: {  	[tilespmem:s29+$0xF280] =	vst v0  }
0x23c: {  	v0 =	vld [tilespmem:s28+$0x8700];
	_ =	sdelay $0x4  }
0x23d: {  	[tilespmem:s29+$0xF300] =	vst v0  }
0x23e: {  	v0 =	vld [tilespmem:s28+$0x8900];
	_ =	sdelay $0x4  }
0x23f: {  	[tilespmem:s29+$0xF380] =	vst v0  }
0x240: {  	v0 =	vld [tilespmem:s28+$0x8B00];
	_ =	sdelay $0x4  }
0x241: {  	[tilespmem:s29+$0xF400] =	vst v0  }
0x242: {  	v0 =	vld [tilespmem:s28+$0x8D00];
	_ =	sdelay $0x2  }
0x243: {  	s31 =	sor.u32 s26, s26  }
0x244: {  	s0 =	sor.u32 $0x380, s31  }
0x245: {  	[tilespmem:s0+$0xF100] =	vst v0  }
0x246: {  	v0 =	vld [tilespmem:s28+$0x8F00];
	_ =	sdelay $0x4  }
0x247: {  	[tilespmem:s29+$0x10100] =	vst v0  }
0x248: {  	v0 =	vld [tilespmem:s28+$0x9100];
	_ =	sdelay $0x4  }
0x249: {  	[tilespmem:s29+$0x10180] =	vst v0  }
0x24a: {  	v0 =	vld [tilespmem:s28+$0x9300];
	_ =	sdelay $0x4  }
0x24b: {  	[tilespmem:s29+$0x10200] =	vst v0  }
0x24c: {  	v0 =	vld [tilespmem:s28+$0x9500];
	_ =	sdelay $0x4  }
0x24d: {  	[tilespmem:s29+$0x10280] =	vst v0  }
0x24e: {  	v0 =	vld [tilespmem:s28+$0x9700];
	_ =	sdelay $0x4  }
0x24f: {  	[tilespmem:s29+$0x10300] =	vst v0  }
0x250: {  	v0 =	vld [tilespmem:s28+$0x9900];
	_ =	sdelay $0x4  }
0x251: {  	[tilespmem:s29+$0x10380] =	vst v0  }
0x252: {  	v0 =	vld [tilespmem:s28+$0x9B00];
	_ =	sdelay $0x4  }
0x253: {  	[tilespmem:s29+$0x10400] =	vst v0  }
0x254: {  	v0 =	vld [tilespmem:s28+$0x9D00];
	_ =	sdelay $0x4  }
0x255: {  	[tilespmem:s29+$0x10480] =	vst v0  }
0x256: {  	v0 =	vld [tilespmem:s28+$0x9F00];
	_ =	sdelay $0x4  }
0x257: {  	[tilespmem:s29+$0x11100] =	vst v0  }
0x258: {  	v0 =	vld [tilespmem:s28+$0xA100];
	_ =	sdelay $0x4  }
0x259: {  	[tilespmem:s29+$0x11180] =	vst v0  }
0x25a: {  	v0 =	vld [tilespmem:s28+$0xA300];
	_ =	sdelay $0x4  }
0x25b: {  	[tilespmem:s29+$0x11200] =	vst v0  }
0x25c: {  	v0 =	vld [tilespmem:s28+$0xA500];
	_ =	sdelay $0x4  }
0x25d: {  	[tilespmem:s29+$0x11280] =	vst v0  }
0x25e: {  	v0 =	vld [tilespmem:s28+$0xA700];
	_ =	sdelay $0x4  }
0x25f: {  	[tilespmem:s29+$0x11300] =	vst v0  }
0x260: {  	v0 =	vld [tilespmem:s28+$0xA900];
	_ =	sdelay $0x4  }
0x261: {  	[tilespmem:s29+$0x11380] =	vst v0  }
0x262: {  	v0 =	vld [tilespmem:s28+$0xAB00];
	_ =	sdelay $0x4  }
0x263: {  	[tilespmem:s29+$0x11400] =	vst v0  }
0x264: {  	v0 =	vld [tilespmem:s28+$0xAD00];
	_ =	sdelay $0x4  }
0x265: {  	[tilespmem:s29+$0x11480] =	vst v0  }
0x266: {  	v0 =	vld [tilespmem:s28+$0xAF00];
	_ =	sdelay $0x4  }
0x267: {  	[tilespmem:s29+$0x12100] =	vst v0  }
0x268: {  	v0 =	vld [tilespmem:s28+$0xB100];
	_ =	sdelay $0x4  }
0x269: {  	[tilespmem:s29+$0x12180] =	vst v0  }
0x26a: {  	v0 =	vld [tilespmem:s28+$0xB300];
	_ =	sdelay $0x4  }
0x26b: {  	[tilespmem:s29+$0x12200] =	vst v0  }
0x26c: {  	v0 =	vld [tilespmem:s28+$0xB500];
	_ =	sdelay $0x4  }
0x26d: {  	[tilespmem:s29+$0x12280] =	vst v0  }
0x26e: {  	v0 =	vld [tilespmem:s28+$0xB700];
	_ =	sdelay $0x4  }
0x26f: {  	[tilespmem:s29+$0x12300] =	vst v0  }
0x270: {  	v0 =	vld [tilespmem:s28+$0xB900];
	_ =	sdelay $0x4  }
0x271: {  	[tilespmem:s29+$0x12380] =	vst v0  }
0x272: {  	v0 =	vld [tilespmem:s28+$0xBB00];
	_ =	sdelay $0x4  }
0x273: {  	[tilespmem:s29+$0x12400] =	vst v0  }
0x274: {  	v0 =	vld [tilespmem:s28+$0xBD00];
	_ =	sdelay $0x4  }
0x275: {  	[tilespmem:s29+$0x12480] =	vst v0  }
0x276: {  	v0 =	vld [tilespmem:s28+$0xBF00];
	_ =	sdelay $0x4  }
0x277: {  	[tilespmem:s29+$0x13100] =	vst v0  }
0x278: {  	v0 =	vld [tilespmem:s28+$0xC100];
	_ =	sdelay $0x4  }
0x279: {  	[tilespmem:s29+$0x13180] =	vst v0  }
0x27a: {  	v0 =	vld [tilespmem:s28+$0xC300];
	_ =	sdelay $0x4  }
0x27b: {  	[tilespmem:s29+$0x13200] =	vst v0  }
0x27c: {  	v0 =	vld [tilespmem:s28+$0xC500];
	_ =	sdelay $0x4  }
0x27d: {  	[tilespmem:s29+$0x13280] =	vst v0  }
0x27e: {  	v0 =	vld [tilespmem:s28+$0xC700];
	_ =	sdelay $0x4  }
0x27f: {  	[tilespmem:s29+$0x13300] =	vst v0  }
0x280: {  	v0 =	vld [tilespmem:s28+$0xC900];
	_ =	sdelay $0x4  }
0x281: {  	[tilespmem:s29+$0x13380] =	vst v0  }
0x282: {  	v0 =	vld [tilespmem:s28+$0xCB00];
	_ =	sdelay $0x4  }
0x283: {  	[tilespmem:s29+$0x13400] =	vst v0  }
0x284: {  	v0 =	vld [tilespmem:s28+$0xCD00];
	_ =	sdelay $0x4  }
0x285: {  	[tilespmem:s29+$0x13480] =	vst v0  }
0x286: {  	v0 =	vld [tilespmem:s28+$0xCF00];
	_ =	sdelay $0x4  }
0x287: {  	[tilespmem:s29+$0x14100] =	vst v0  }
0x288: {  	v0 =	vld [tilespmem:s28+$0xD100];
	_ =	sdelay $0x4  }
0x289: {  	[tilespmem:s29+$0x14180] =	vst v0  }
0x28a: {  	v0 =	vld [tilespmem:s28+$0xD300];
	_ =	sdelay $0x4  }
0x28b: {  	[tilespmem:s29+$0x14200] =	vst v0  }
0x28c: {  	v0 =	vld [tilespmem:s28+$0xD500];
	_ =	sdelay $0x4  }
0x28d: {  	[tilespmem:s29+$0x14280] =	vst v0  }
0x28e: {  	v0 =	vld [tilespmem:s28+$0xD700];
	_ =	sdelay $0x4  }
0x28f: {  	[tilespmem:s29+$0x14300] =	vst v0  }
0x290: {  	v0 =	vld [tilespmem:s28+$0xD900];
	_ =	sdelay $0x4  }
0x291: {  	[tilespmem:s29+$0x14380] =	vst v0  }
0x292: {  	v0 =	vld [tilespmem:s28+$0xDB00];
	_ =	sdelay $0x4  }
0x293: {  	[tilespmem:s29+$0x14400] =	vst v0  }
0x294: {  	v0 =	vld [tilespmem:s28+$0xDD00];
	_ =	sdelay $0x4  }
0x295: {  	[tilespmem:s29+$0x14480] =	vst v0  }
0x296: {  	v0 =	vld [tilespmem:s28+$0xDF00];
	_ =	sdelay $0x4  }
0x297: {  	[tilespmem:s29+$0x15100] =	vst v0  }
0x298: {  	v0 =	vld [tilespmem:s28+$0xE100];
	_ =	sdelay $0x4  }
0x299: {  	[tilespmem:s29+$0x15180] =	vst v0  }
0x29a: {  	v0 =	vld [tilespmem:s28+$0xE300];
	_ =	sdelay $0x4  }
0x29b: {  	[tilespmem:s29+$0x15200] =	vst v0  }
0x29c: {  	v0 =	vld [tilespmem:s28+$0xE500];
	_ =	sdelay $0x4  }
0x29d: {  	[tilespmem:s29+$0x15280] =	vst v0  }
0x29e: {  	v0 =	vld [tilespmem:s28+$0xE700];
	_ =	sdelay $0x4  }
0x29f: {  	[tilespmem:s29+$0x15300] =	vst v0  }
0x2a0: {  	v0 =	vld [tilespmem:s28+$0xE900];
	_ =	sdelay $0x4  }
0x2a1: {  	[tilespmem:s29+$0x15380] =	vst v0  }
0x2a2: {  	v0 =	vld [tilespmem:s28+$0xEB00];
	_ =	sdelay $0x4  }
0x2a3: {  	[tilespmem:s29+$0x15400] =	vst v0  }
0x2a4: {  	v0 =	vld [tilespmem:s28+$0xED00];
	_ =	sdelay $0x4  }
0x2a5: {  	[tilespmem:s29+$0x15480] =	vst v0  }
0x2a6: {  	v0 =	vld [tilespmem:s28+$0xEF00];
	_ =	sdelay $0x4  }
0x2a7: {  	s30 =	simm.s32 $0x80;
	s28 =	simm.s32 $0x10;
	[tilespmem:s29+$0x16100] =	vst v0;
	s29 =	simm.s32 $0x0  }
.LBB2_6:
0x2a8: {  	p0 =	sne.s32 s30, $0x7C0;
	v0 =	vld [tilespmem:s28+$0x7F00];
	_ =	sdelay $0x1  }
0x2a9: {  	s26 =	sadd.s32 $0x80, s26;
	s29 =	sadd.s32 $0x10, s29  }
0x2aa: {  	s0 =	sand.u32 $0x70, s29;
	s31 =	sand.u32 $0xC00, s26  }
0x2ab: {  	s31 =	sor.u32 s0, s31  }
0x2ac: {  	[tilespmem:s31+$0xF100] =	vst v0  }
0x2ad: {  	v0 =	vld [tilespmem:s28+$0x8100];
	_ =	sdelay $0x4  }
0x2ae: {  	[tilespmem:s31+$0xF180] =	vst v0  }
0x2af: {  	v0 =	vld [tilespmem:s28+$0x8300];
	_ =	sdelay $0x4  }
0x2b0: {  	[tilespmem:s31+$0xF200] =	vst v0  }
0x2b1: {  	v0 =	vld [tilespmem:s28+$0x8500];
	_ =	sdelay $0x4  }
0x2b2: {  	[tilespmem:s31+$0xF280] =	vst v0  }
0x2b3: {  	v0 =	vld [tilespmem:s28+$0x8700];
	_ =	sdelay $0x4  }
0x2b4: {  	[tilespmem:s31+$0xF300] =	vst v0  }
0x2b5: {  	v0 =	vld [tilespmem:s28+$0x8900];
	_ =	sdelay $0x4  }
0x2b6: {  	[tilespmem:s31+$0xF380] =	vst v0  }
0x2b7: {  	v0 =	vld [tilespmem:s28+$0x8B00];
	_ =	sdelay $0x4  }
0x2b8: {  	[tilespmem:s31+$0xF400] =	vst v0  }
0x2b9: {  	v0 =	vld [tilespmem:s28+$0x8D00];
	_ =	sdelay $0x2  }
0x2ba: {  	s0 =	sor.u32 s26, s29  }
0x2bb: {  	s0 =	sor.u32 $0x380, s0  }
0x2bc: {  	[tilespmem:s0+$0xF100] =	vst v0  }
0x2bd: {  	v0 =	vld [tilespmem:s28+$0x8F00];
	_ =	sdelay $0x4  }
0x2be: {  	[tilespmem:s31+$0x10100] =	vst v0  }
0x2bf: {  	v0 =	vld [tilespmem:s28+$0x9100];
	_ =	sdelay $0x4  }
0x2c0: {  	[tilespmem:s31+$0x10180] =	vst v0  }
0x2c1: {  	v0 =	vld [tilespmem:s28+$0x9300];
	_ =	sdelay $0x4  }
0x2c2: {  	[tilespmem:s31+$0x10200] =	vst v0  }
0x2c3: {  	v0 =	vld [tilespmem:s28+$0x9500];
	_ =	sdelay $0x4  }
0x2c4: {  	[tilespmem:s31+$0x10280] =	vst v0  }
0x2c5: {  	v0 =	vld [tilespmem:s28+$0x9700];
	_ =	sdelay $0x4  }
0x2c6: {  	[tilespmem:s31+$0x10300] =	vst v0  }
0x2c7: {  	v0 =	vld [tilespmem:s28+$0x9900];
	_ =	sdelay $0x4  }
0x2c8: {  	[tilespmem:s31+$0x10380] =	vst v0  }
0x2c9: {  	v0 =	vld [tilespmem:s28+$0x9B00];
	_ =	sdelay $0x4  }
0x2ca: {  	[tilespmem:s31+$0x10400] =	vst v0  }
0x2cb: {  	v0 =	vld [tilespmem:s28+$0x9D00];
	_ =	sdelay $0x4  }
0x2cc: {  	[tilespmem:s31+$0x10480] =	vst v0  }
0x2cd: {  	v0 =	vld [tilespmem:s28+$0x9F00];
	_ =	sdelay $0x4  }
0x2ce: {  	[tilespmem:s31+$0x11100] =	vst v0  }
0x2cf: {  	v0 =	vld [tilespmem:s28+$0xA100];
	_ =	sdelay $0x4  }
0x2d0: {  	[tilespmem:s31+$0x11180] =	vst v0  }
0x2d1: {  	v0 =	vld [tilespmem:s28+$0xA300];
	_ =	sdelay $0x4  }
0x2d2: {  	[tilespmem:s31+$0x11200] =	vst v0  }
0x2d3: {  	v0 =	vld [tilespmem:s28+$0xA500];
	_ =	sdelay $0x4  }
0x2d4: {  	[tilespmem:s31+$0x11280] =	vst v0  }
0x2d5: {  	v0 =	vld [tilespmem:s28+$0xA700];
	_ =	sdelay $0x4  }
0x2d6: {  	[tilespmem:s31+$0x11300] =	vst v0  }
0x2d7: {  	v0 =	vld [tilespmem:s28+$0xA900];
	_ =	sdelay $0x4  }
0x2d8: {  	[tilespmem:s31+$0x11380] =	vst v0  }
0x2d9: {  	v0 =	vld [tilespmem:s28+$0xAB00];
	_ =	sdelay $0x4  }
0x2da: {  	[tilespmem:s31+$0x11400] =	vst v0  }
0x2db: {  	v0 =	vld [tilespmem:s28+$0xAD00];
	_ =	sdelay $0x4  }
0x2dc: {  	[tilespmem:s31+$0x11480] =	vst v0  }
0x2dd: {  	v0 =	vld [tilespmem:s28+$0xAF00];
	_ =	sdelay $0x4  }
0x2de: {  	[tilespmem:s31+$0x12100] =	vst v0  }
0x2df: {  	v0 =	vld [tilespmem:s28+$0xB100];
	_ =	sdelay $0x4  }
0x2e0: {  	[tilespmem:s31+$0x12180] =	vst v0  }
0x2e1: {  	v0 =	vld [tilespmem:s28+$0xB300];
	_ =	sdelay $0x4  }
0x2e2: {  	[tilespmem:s31+$0x12200] =	vst v0  }
0x2e3: {  	v0 =	vld [tilespmem:s28+$0xB500];
	_ =	sdelay $0x4  }
0x2e4: {  	[tilespmem:s31+$0x12280] =	vst v0  }
0x2e5: {  	v0 =	vld [tilespmem:s28+$0xB700];
	_ =	sdelay $0x4  }
0x2e6: {  	[tilespmem:s31+$0x12300] =	vst v0  }
0x2e7: {  	v0 =	vld [tilespmem:s28+$0xB900];
	_ =	sdelay $0x4  }
0x2e8: {  	[tilespmem:s31+$0x12380] =	vst v0  }
0x2e9: {  	v0 =	vld [tilespmem:s28+$0xBB00];
	_ =	sdelay $0x4  }
0x2ea: {  	[tilespmem:s31+$0x12400] =	vst v0  }
0x2eb: {  	v0 =	vld [tilespmem:s28+$0xBD00];
	_ =	sdelay $0x4  }
0x2ec: {  	[tilespmem:s31+$0x12480] =	vst v0  }
0x2ed: {  	v0 =	vld [tilespmem:s28+$0xBF00];
	_ =	sdelay $0x4  }
0x2ee: {  	[tilespmem:s31+$0x13100] =	vst v0  }
0x2ef: {  	v0 =	vld [tilespmem:s28+$0xC100];
	_ =	sdelay $0x4  }
0x2f0: {  	[tilespmem:s31+$0x13180] =	vst v0  }
0x2f1: {  	v0 =	vld [tilespmem:s28+$0xC300];
	_ =	sdelay $0x4  }
0x2f2: {  	[tilespmem:s31+$0x13200] =	vst v0  }
0x2f3: {  	v0 =	vld [tilespmem:s28+$0xC500];
	_ =	sdelay $0x4  }
0x2f4: {  	[tilespmem:s31+$0x13280] =	vst v0  }
0x2f5: {  	v0 =	vld [tilespmem:s28+$0xC700];
	_ =	sdelay $0x4  }
0x2f6: {  	[tilespmem:s31+$0x13300] =	vst v0  }
0x2f7: {  	v0 =	vld [tilespmem:s28+$0xC900];
	_ =	sdelay $0x4  }
0x2f8: {  	[tilespmem:s31+$0x13380] =	vst v0  }
0x2f9: {  	v0 =	vld [tilespmem:s28+$0xCB00];
	_ =	sdelay $0x4  }
0x2fa: {  	[tilespmem:s31+$0x13400] =	vst v0  }
0x2fb: {  	v0 =	vld [tilespmem:s28+$0xCD00];
	_ =	sdelay $0x4  }
0x2fc: {  	[tilespmem:s31+$0x13480] =	vst v0  }
0x2fd: {  	v0 =	vld [tilespmem:s28+$0xCF00];
	_ =	sdelay $0x4  }
0x2fe: {  	[tilespmem:s31+$0x14100] =	vst v0  }
0x2ff: {  	v0 =	vld [tilespmem:s28+$0xD100];
	_ =	sdelay $0x4  }
0x300: {  	[tilespmem:s31+$0x14180] =	vst v0  }
0x301: {  	v0 =	vld [tilespmem:s28+$0xD300];
	_ =	sdelay $0x4  }
0x302: {  	[tilespmem:s31+$0x14200] =	vst v0  }
0x303: {  	v0 =	vld [tilespmem:s28+$0xD500];
	_ =	sdelay $0x4  }
0x304: {  	[tilespmem:s31+$0x14280] =	vst v0  }
0x305: {  	v0 =	vld [tilespmem:s28+$0xD700];
	_ =	sdelay $0x4  }
0x306: {  	[tilespmem:s31+$0x14300] =	vst v0  }
0x307: {  	v0 =	vld [tilespmem:s28+$0xD900];
	_ =	sdelay $0x4  }
0x308: {  	[tilespmem:s31+$0x14380] =	vst v0  }
0x309: {  	v0 =	vld [tilespmem:s28+$0xDB00];
	_ =	sdelay $0x4  }
0x30a: {  	[tilespmem:s31+$0x14400] =	vst v0  }
0x30b: {  	v0 =	vld [tilespmem:s28+$0xDD00];
	_ =	sdelay $0x4  }
0x30c: {  	[tilespmem:s31+$0x14480] =	vst v0  }
0x30d: {  	v0 =	vld [tilespmem:s28+$0xDF00];
	_ =	sdelay $0x4  }
0x30e: {  	[tilespmem:s31+$0x15100] =	vst v0  }
0x30f: {  	v0 =	vld [tilespmem:s28+$0xE100];
	_ =	sdelay $0x4  }
0x310: {  	[tilespmem:s31+$0x15180] =	vst v0  }
0x311: {  	v0 =	vld [tilespmem:s28+$0xE300];
	_ =	sdelay $0x4  }
0x312: {  	[tilespmem:s31+$0x15200] =	vst v0  }
0x313: {  	v0 =	vld [tilespmem:s28+$0xE500];
	_ =	sdelay $0x4  }
0x314: {  	[tilespmem:s31+$0x15280] =	vst v0  }
0x315: {  	v0 =	vld [tilespmem:s28+$0xE700];
	_ =	sdelay $0x4  }
0x316: {  	[tilespmem:s31+$0x15300] =	vst v0  }
0x317: {  	v0 =	vld [tilespmem:s28+$0xE900];
	_ =	sdelay $0x4  }
0x318: {  	[tilespmem:s31+$0x15380] =	vst v0  }
0x319: {  	v0 =	vld [tilespmem:s28+$0xEB00];
	_ =	sdelay $0x4  }
0x31a: {  	[tilespmem:s31+$0x15400] =	vst v0  }
0x31b: {  	v0 =	vld [tilespmem:s28+$0xED00];
	_ =	sdelay $0x4  }
0x31c: {  	[tilespmem:s31+$0x15480] =	vst v0  }
0x31d: {  	v0 =	vld [tilespmem:s28+$0xEF00]  }
.Ltmp2:
0x31e: {  	(pc) =	sbr.rel @p0 .LBB2_6-.Ltmp2, $2  }
0x31f: {  	_ =	sdelay $0x2  }
0x320: {  	s28 =	sshra.s32 s30, $0x2;
	s30 =	sadd.s32 $0x40, s30;
	[tilespmem:s31+$0x16100] =	vst v0  }
0x321: {  	v0 =	vld [tilespmem:s28+$0x7F00];
	_ =	sdelay $0x1  }
0x322: {  	s0 =	sadd.s32 $0x80, s26;
	s29 =	sadd.s32 $0x10, s29  }
0x323: {  	s31 =	sand.u32 $0x70, s29;
	s30 =	sand.u32 $0xC00, s0  }
0x324: {  	s26 =	sor.u32 s31, s30  }
0x325: {  	[tilespmem:s26+$0xF100] =	vst v0  }
0x326: {  	v0 =	vld [tilespmem:s28+$0x8100];
	_ =	sdelay $0x4  }
0x327: {  	[tilespmem:s26+$0xF180] =	vst v0  }
0x328: {  	v0 =	vld [tilespmem:s28+$0x8300];
	_ =	sdelay $0x4  }
0x329: {  	[tilespmem:s26+$0xF200] =	vst v0  }
0x32a: {  	v0 =	vld [tilespmem:s28+$0x8500];
	_ =	sdelay $0x4  }
0x32b: {  	[tilespmem:s26+$0xF280] =	vst v0  }
0x32c: {  	v0 =	vld [tilespmem:s28+$0x8700];
	_ =	sdelay $0x4  }
0x32d: {  	[tilespmem:s26+$0xF300] =	vst v0  }
0x32e: {  	v0 =	vld [tilespmem:s28+$0x8900];
	_ =	sdelay $0x4  }
0x32f: {  	[tilespmem:s26+$0xF380] =	vst v0  }
0x330: {  	v0 =	vld [tilespmem:s28+$0x8B00];
	_ =	sdelay $0x4  }
0x331: {  	[tilespmem:s26+$0xF400] =	vst v0  }
0x332: {  	v0 =	vld [tilespmem:s28+$0x8D00];
	_ =	sdelay $0x2  }
0x333: {  	s0 =	sor.u32 s0, s29  }
0x334: {  	s0 =	sor.u32 $0x380, s0  }
0x335: {  	[tilespmem:s0+$0xF100] =	vst v0  }
0x336: {  	v0 =	vld [tilespmem:s28+$0x8F00];
	_ =	sdelay $0x4  }
0x337: {  	[tilespmem:s26+$0x10100] =	vst v0  }
0x338: {  	v0 =	vld [tilespmem:s28+$0x9100];
	_ =	sdelay $0x4  }
0x339: {  	[tilespmem:s26+$0x10180] =	vst v0  }
0x33a: {  	v0 =	vld [tilespmem:s28+$0x9300];
	_ =	sdelay $0x4  }
0x33b: {  	[tilespmem:s26+$0x10200] =	vst v0  }
0x33c: {  	v0 =	vld [tilespmem:s28+$0x9500];
	_ =	sdelay $0x4  }
0x33d: {  	[tilespmem:s26+$0x10280] =	vst v0  }
0x33e: {  	v0 =	vld [tilespmem:s28+$0x9700];
	_ =	sdelay $0x4  }
0x33f: {  	[tilespmem:s26+$0x10300] =	vst v0  }
0x340: {  	v0 =	vld [tilespmem:s28+$0x9900];
	_ =	sdelay $0x4  }
0x341: {  	[tilespmem:s26+$0x10380] =	vst v0  }
0x342: {  	v0 =	vld [tilespmem:s28+$0x9B00];
	_ =	sdelay $0x4  }
0x343: {  	[tilespmem:s26+$0x10400] =	vst v0  }
0x344: {  	v0 =	vld [tilespmem:s28+$0x9D00];
	_ =	sdelay $0x4  }
0x345: {  	[tilespmem:s26+$0x10480] =	vst v0  }
0x346: {  	v0 =	vld [tilespmem:s28+$0x9F00];
	_ =	sdelay $0x4  }
0x347: {  	[tilespmem:s26+$0x11100] =	vst v0  }
0x348: {  	v0 =	vld [tilespmem:s28+$0xA100];
	_ =	sdelay $0x4  }
0x349: {  	[tilespmem:s26+$0x11180] =	vst v0  }
0x34a: {  	v0 =	vld [tilespmem:s28+$0xA300];
	_ =	sdelay $0x4  }
0x34b: {  	[tilespmem:s26+$0x11200] =	vst v0  }
0x34c: {  	v0 =	vld [tilespmem:s28+$0xA500];
	_ =	sdelay $0x4  }
0x34d: {  	[tilespmem:s26+$0x11280] =	vst v0  }
0x34e: {  	v0 =	vld [tilespmem:s28+$0xA700];
	_ =	sdelay $0x4  }
0x34f: {  	[tilespmem:s26+$0x11300] =	vst v0  }
0x350: {  	v0 =	vld [tilespmem:s28+$0xA900];
	_ =	sdelay $0x4  }
0x351: {  	[tilespmem:s26+$0x11380] =	vst v0  }
0x352: {  	v0 =	vld [tilespmem:s28+$0xAB00];
	_ =	sdelay $0x4  }
0x353: {  	[tilespmem:s26+$0x11400] =	vst v0  }
0x354: {  	v0 =	vld [tilespmem:s28+$0xAD00];
	_ =	sdelay $0x4  }
0x355: {  	[tilespmem:s26+$0x11480] =	vst v0  }
0x356: {  	v0 =	vld [tilespmem:s28+$0xAF00];
	_ =	sdelay $0x4  }
0x357: {  	[tilespmem:s26+$0x12100] =	vst v0  }
0x358: {  	v0 =	vld [tilespmem:s28+$0xB100];
	_ =	sdelay $0x4  }
0x359: {  	[tilespmem:s26+$0x12180] =	vst v0  }
0x35a: {  	v0 =	vld [tilespmem:s28+$0xB300];
	_ =	sdelay $0x4  }
0x35b: {  	[tilespmem:s26+$0x12200] =	vst v0  }
0x35c: {  	v0 =	vld [tilespmem:s28+$0xB500];
	_ =	sdelay $0x4  }
0x35d: {  	[tilespmem:s26+$0x12280] =	vst v0  }
0x35e: {  	v0 =	vld [tilespmem:s28+$0xB700];
	_ =	sdelay $0x4  }
0x35f: {  	[tilespmem:s26+$0x12300] =	vst v0  }
0x360: {  	v0 =	vld [tilespmem:s28+$0xB900];
	_ =	sdelay $0x4  }
0x361: {  	[tilespmem:s26+$0x12380] =	vst v0  }
0x362: {  	v0 =	vld [tilespmem:s28+$0xBB00];
	_ =	sdelay $0x4  }
0x363: {  	[tilespmem:s26+$0x12400] =	vst v0  }
0x364: {  	v0 =	vld [tilespmem:s28+$0xBD00];
	_ =	sdelay $0x4  }
0x365: {  	[tilespmem:s26+$0x12480] =	vst v0  }
0x366: {  	v0 =	vld [tilespmem:s28+$0xBF00];
	_ =	sdelay $0x4  }
0x367: {  	[tilespmem:s26+$0x13100] =	vst v0  }
0x368: {  	v0 =	vld [tilespmem:s28+$0xC100];
	_ =	sdelay $0x4  }
0x369: {  	[tilespmem:s26+$0x13180] =	vst v0  }
0x36a: {  	v0 =	vld [tilespmem:s28+$0xC300];
	_ =	sdelay $0x4  }
0x36b: {  	[tilespmem:s26+$0x13200] =	vst v0  }
0x36c: {  	v0 =	vld [tilespmem:s28+$0xC500];
	_ =	sdelay $0x4  }
0x36d: {  	[tilespmem:s26+$0x13280] =	vst v0  }
0x36e: {  	v0 =	vld [tilespmem:s28+$0xC700];
	_ =	sdelay $0x4  }
0x36f: {  	[tilespmem:s26+$0x13300] =	vst v0  }
0x370: {  	v0 =	vld [tilespmem:s28+$0xC900];
	_ =	sdelay $0x4  }
0x371: {  	[tilespmem:s26+$0x13380] =	vst v0  }
0x372: {  	v0 =	vld [tilespmem:s28+$0xCB00];
	_ =	sdelay $0x4  }
0x373: {  	[tilespmem:s26+$0x13400] =	vst v0  }
0x374: {  	v0 =	vld [tilespmem:s28+$0xCD00];
	_ =	sdelay $0x4  }
0x375: {  	[tilespmem:s26+$0x13480] =	vst v0  }
0x376: {  	v0 =	vld [tilespmem:s28+$0xCF00];
	_ =	sdelay $0x4  }
0x377: {  	[tilespmem:s26+$0x14100] =	vst v0  }
0x378: {  	v0 =	vld [tilespmem:s28+$0xD100];
	_ =	sdelay $0x4  }
0x379: {  	[tilespmem:s26+$0x14180] =	vst v0  }
0x37a: {  	v0 =	vld [tilespmem:s28+$0xD300];
	_ =	sdelay $0x4  }
0x37b: {  	[tilespmem:s26+$0x14200] =	vst v0  }
0x37c: {  	v0 =	vld [tilespmem:s28+$0xD500];
	_ =	sdelay $0x4  }
0x37d: {  	[tilespmem:s26+$0x14280] =	vst v0  }
0x37e: {  	v0 =	vld [tilespmem:s28+$0xD700];
	_ =	sdelay $0x4  }
0x37f: {  	[tilespmem:s26+$0x14300] =	vst v0  }
0x380: {  	v0 =	vld [tilespmem:s28+$0xD900];
	_ =	sdelay $0x4  }
0x381: {  	[tilespmem:s26+$0x14380] =	vst v0  }
0x382: {  	v0 =	vld [tilespmem:s28+$0xDB00];
	_ =	sdelay $0x4  }
0x383: {  	[tilespmem:s26+$0x14400] =	vst v0  }
0x384: {  	v0 =	vld [tilespmem:s28+$0xDD00];
	_ =	sdelay $0x4  }
0x385: {  	[tilespmem:s26+$0x14480] =	vst v0  }
0x386: {  	v0 =	vld [tilespmem:s28+$0xDF00];
	_ =	sdelay $0x4  }
0x387: {  	[tilespmem:s26+$0x15100] =	vst v0  }
0x388: {  	v0 =	vld [tilespmem:s28+$0xE100];
	_ =	sdelay $0x4  }
0x389: {  	[tilespmem:s26+$0x15180] =	vst v0  }
0x38a: {  	v0 =	vld [tilespmem:s28+$0xE300];
	_ =	sdelay $0x4  }
0x38b: {  	[tilespmem:s26+$0x15200] =	vst v0  }
0x38c: {  	v0 =	vld [tilespmem:s28+$0xE500];
	_ =	sdelay $0x4  }
0x38d: {  	[tilespmem:s26+$0x15280] =	vst v0  }
0x38e: {  	v0 =	vld [tilespmem:s28+$0xE700];
	_ =	sdelay $0x4  }
0x38f: {  	[tilespmem:s26+$0x15300] =	vst v0  }
0x390: {  	v0 =	vld [tilespmem:s28+$0xE900];
	_ =	sdelay $0x4  }
0x391: {  	[tilespmem:s26+$0x15380] =	vst v0  }
0x392: {  	v0 =	vld [tilespmem:s28+$0xEB00];
	_ =	sdelay $0x4  }
0x393: {  	[tilespmem:s26+$0x15400] =	vst v0  }
0x394: {  	v0 =	vld [tilespmem:s28+$0xED00];
	_ =	sdelay $0x4  }
0x395: {  	[tilespmem:s26+$0x15480] =	vst v0  }
0x396: {  	v0 =	vld [tilespmem:s28+$0xEF00];
	_ =	sdelay $0x2  }
0x397: {  	s25 =	sadd.s32 $0x1, s25  }
0x398: {  	p0 =	sne.s32 s25, s13  }
.Ltmp3:
0x399: {  	[tilespmem:s26+$0x16100] =	vst v0;
	(pc) =	sbr.rel @p0 .LBB2_1-.Ltmp3, $4  }
0x39a: {  	[hbm4b:s12+s22] =	stream.strided.scatter [tilespmem:s24], [sflag:$0x2], $0x9000, s23, s22, $0x38;
	[tilespmem:$0x18100] =	vst v63  }
0x39b: {  	_ =	swait.ge [sflag:s14], $0x9000  }
0x39c: {  	[sflag:s14] =	ssyncset.done $0x0  }
0x39d: {  	[sflag:s14] =	ssyncadd.s32 $0xFFFF7000  }
0x39e: {  	_ =	sfence.sel $0x180000  }
0x39f: {  	[bflag:$0x0] =	sbarrier.arrive $0xFFFF  }
0x3a0: {  	_ =	strace $0x90000047  }
0x3a1: {  	s0 =	stileid.u32;
	[bflag:$0x2] =	sbarrier.arrive $0xFFFF  }
0x3a2: {  	p0 =	sne.s32 s0, $0x0;
	s0 =	rddreg [dreg:$0x7]  }
0x3a3: {  	s0 =	sadd.s32 @!p0 $0x100000, s0  }
0x3a4: {  	[sflag:s0] =	ssyncadd.tile.s32 @!p0 $0x1;
	_ =	shalt  }
.Lfunc_end2:
_tile_overlayer_lowered:
.L_overlay_start_2:
0x3a5: {  	(tag) =	ssettag $0x2  }
0x3a6: {  	s0 =	rddreg [dreg:$0x0];
	s2 =	stileid.u32  }
0x3a7: {  	s1 =	rddreg [dreg:$0x1];
	p0 =	sne.s32 s2, $0x0  }
0x3a8: {  	s3 =	rddreg [dreg:$0x2];
	[bflag:$0x3] =	sbarrier.arrive $0xFFFF;
	s2 =	simm.s32 @!p0 $0x1C02  }
0x3a9: {  	[timem:s3], [sflag:s2] =	dma.local @!p0 [hbm:s0], s1  }
0x3aa: {  	s0 =	simm.s32 @!p0 $0x2  }
0x3ab: {  	_ =	swait.ge @!p0 [sflag:s0], s1  }
0x3ac: {  	s1 =	ssub.s32 @!p0 $0x0, s1;
	[sflag:s0] =	ssyncset.done @!p0 $0x0  }
0x3ad: {  	[sflag:s0] =	ssyncadd.s32 @!p0 s1  }
0x3ae: {  	[bflag:$0x3] =	sbarrier.arrive $0xFFFF  }
0x3af: {  	_ =	shalt  }

</sc_bundles>
